<compile_context>
chip_gen: v7x
topology: tpu7x:2x2x1
jax: 0.10.2.dev20260603
libtpu: 0.0.44.dev20260713+nightly
codegen_flags: <defaults>
</compile_context>

<pallas_src>
import functools

import jax
import jax.numpy as jnp
from jax import lax
from jax.experimental import pallas as pl
from jax.experimental.pallas import tpu as pltpu
from jax.experimental.pallas import tpu_sc as plsc

_N = 10000
_E = 160000
_W = 16
_NC = 2
_NS = 16
_NW = _NC * _NS
_CH = 128
_NCHUNK = 40
_EW = _CH * _NCHUNK
_E_PAD = _EW * _NW
_EP = _E_PAD // 8
_ND = 10240
_STRIPE = _ND // _NS
_DUMMY = _N
_BM = 2048
_BMSG = 4096

_f32 = jnp.float32


def _leaky(x):
    return jnp.where(x >= 0, x, 0.1 * x)


def _ps_combine(y, r_ref, k):
    y0 = y[:, 0:k]
    y1 = _leaky(y[:, k:2 * k])
    y2 = _leaky(y[:, 2 * k:3 * k])
    y3 = _leaky(y[:, 3 * k:4 * k])
    return (r_ref[:, 0:k] * y0 + r_ref[:, k:2 * k] * y1
            + r_ref[:, 2 * k:3 * k] * (y2 * y2)
            + r_ref[:, 3 * k:4 * k] * (y3 * y3 * y3))


def _ps_scalar(a, w_ref, b_ref, r_ref):
    y = a * w_ref[...] + b_ref[...]
    return _ps_combine(y, r_ref, 64)


def _ps_mat(x, w_ref, b_ref, r_ref, k):
    y = jnp.dot(x.astype(jnp.bfloat16), w_ref[...],
                preferred_element_type=_f32) + b_ref[...]
    return _ps_combine(y, r_ref, k)


def _attr_col(a_ref, b):
    rows = b // 128
    eye = jnp.eye(rows, dtype=_f32)
    at = lax.dot_general(a_ref[...], eye, (((0,), (0,)), ((), ())),
                         precision=lax.Precision.HIGHEST,
                         preferred_element_type=_f32)
    return jnp.concatenate(
        [at[:, r:r + 1] for r in range(rows)], axis=0)


def _ps_mat_bf16(x, w_ref, b_ref, r_ref, k):
    bf = jnp.bfloat16
    y = (jnp.dot(x.astype(bf), w_ref[...], preferred_element_type=_f32)
         + b_ref[...]).astype(bf)
    r = r_ref[...].astype(bf)
    y0 = y[:, 0:k]
    y1 = _leaky(y[:, k:2 * k])
    y2 = _leaky(y[:, 2 * k:3 * k])
    y3 = _leaky(y[:, 3 * k:4 * k])
    return (r[:, 0:k] * y0 + r[:, k:2 * k] * y1
            + r[:, 2 * k:3 * k] * (y2 * y2)
            + r[:, 3 * k:4 * k] * (y3 * y3 * y3))


def _bn_apply(x, st_ref, g_ref, b_ref):
    return ((x - st_ref[0:1, :]) * lax.rsqrt(st_ref[1:2, :] + 1e-5)
            * g_ref[0:1, :] + b_ref[0:1, :])



def _tc_h0(x, w1, b1):
    b = 2000

    def body(x_ref, w_ref, b_ref, o_ref):
        o_ref[...] = (jnp.dot(x_ref[...], w_ref[...],
                              preferred_element_type=_f32) + b_ref[...])

    return pl.pallas_call(
        body,
        grid=(_N // b,),
        in_specs=[pl.BlockSpec((b, 128), lambda i: (i, 0)),
                  pl.BlockSpec((128, _W), lambda i: (0, 0)),
                  pl.BlockSpec((1, _W), lambda i: (0, 0))],
        out_specs=pl.BlockSpec((b, _W), lambda i: (i, 0)),
        out_shape=jax.ShapeDtypeStruct((_N, _W), _f32),
    )(x, w1, b1)


def _stats_finalize(o_ref, nblk, i):
    @pl.when(i == nblk - 1)
    def _():
        s = o_ref[0:1, :]
        q = o_ref[1:2, :]
        m = s * (1.0 / _E)
        v = q * (1.0 / _E) - m * m
        o_ref[0:1, :] = m
        o_ref[1:2, :] = v


def _tc_stats1(attr, w0, b0, r0, w1, b1, r1):
    b = 2048
    nblk = _E_PAD // b

    def body(a_ref, w0r, b0r, r0r, w1r, b1r, r1r, o_ref, k_ref):
        i = pl.program_id(0)

        @pl.when(i == 0)
        def _():
            o_ref[...] = jnp.zeros((2, 64), _f32)

        kx0 = _ps_scalar(_attr_col(a_ref, b), w0r, b0r, r0r)
        kx1 = _ps_mat(kx0, w1r, b1r, r1r, 64)
        k_ref[...] = kx1
        rows = lax.broadcasted_iota(jnp.int32, (b, 64), 0)
        kx1 = jnp.where(rows < _E - i * b, kx1, 0.0)
        o_ref[0:1, :] += jnp.sum(kx1, axis=0, keepdims=True)
        o_ref[1:2, :] += jnp.sum(kx1 * kx1, axis=0, keepdims=True)
        _stats_finalize(o_ref, nblk, i)

    full = lambda s: pl.BlockSpec(s, lambda i: tuple(0 for _ in s))
    return pl.pallas_call(
        body,
        grid=(nblk,),
        in_specs=[pl.BlockSpec((b // 128, 128), lambda i: (i, 0)),
                  full((1, 256)), full((1, 256)), full((1, 256)),
                  full((64, 256)), full((1, 256)), full((1, 256))],
        out_specs=[pl.BlockSpec((2, 64), lambda i: (0, 0)),
                   pl.BlockSpec((b, 64), lambda i: (i, 0))],
        out_shape=[jax.ShapeDtypeStruct((2, 64), _f32),
                   jax.ShapeDtypeStruct((_E_PAD, 64), _f32)],
    )(attr, w0, b0, r0, w1, b1, r1)


def _tc_stats2(kx1a, st1, bng, bnb, w2, b2, r2):
    b = 2048
    nblk = _E_PAD // b

    def body(k1_ref, st1r, gr, br, w2r, b2r, r2r, o_ref, k_ref):
        i = pl.program_id(0)

        @pl.when(i == 0)
        def _():
            o_ref[...] = jnp.zeros((2, 64), _f32)

        bn1 = _bn_apply(k1_ref[...], st1r, gr, br)
        kx2 = _ps_mat(bn1, w2r, b2r, r2r, 64)
        k_ref[...] = kx2
        rows = lax.broadcasted_iota(jnp.int32, (b, 64), 0)
        kx2 = jnp.where(rows < _E - i * b, kx2, 0.0)
        o_ref[0:1, :] += jnp.sum(kx2, axis=0, keepdims=True)
        o_ref[1:2, :] += jnp.sum(kx2 * kx2, axis=0, keepdims=True)
        _stats_finalize(o_ref, nblk, i)

    full = lambda s: pl.BlockSpec(s, lambda i: tuple(0 for _ in s))
    return pl.pallas_call(
        body,
        grid=(nblk,),
        in_specs=[pl.BlockSpec((b, 64), lambda i: (i, 0)),
                  full((2, 64)), full((1, 64)), full((1, 64)),
                  full((64, 256)), full((1, 256)), full((1, 256))],
        out_specs=[pl.BlockSpec((2, 64), lambda i: (0, 0)),
                   pl.BlockSpec((b, 64), lambda i: (i, 0))],
        out_shape=[jax.ShapeDtypeStruct((2, 64), _f32),
                   jax.ShapeDtypeStruct((_E_PAD, 64), _f32)],
    )(kx1a, st1, bng, bnb, w2, b2, r2)


def _tc_weights(attr_pad, kx2a, bng, bnb,
                st2, wo, bo, ro, dw1, db1, dw2, db2, dw3, db3):
    b = _BM
    nblk = _E_PAD // b

    def body(a_ref, k2_ref, gr, br,
             st2r, wor, bor, ror, d1r, e1r, d2r, e2r, d3r, e3r,
             wk_ref, ws_ref):
        a = _attr_col(a_ref, b)
        bn2 = _bn_apply(k2_ref[...], st2r, gr, br)
        wk = _ps_mat_bf16(bn2, wor, bor, ror, 256)
        hd = jnp.maximum(a * d1r[...] + e1r[...], 0.0)
        hd = jnp.maximum(
            jnp.dot(hd.astype(jnp.bfloat16), d2r[...],
                    preferred_element_type=_f32) + e2r[...], 0.0)
        wop = jnp.dot(hd.astype(jnp.bfloat16), d3r[...],
                      preferred_element_type=_f32) + e3r[...]
        wk_ref[...] = wk
        ws_ref[...] = (wk.astype(_f32) + wop).astype(jnp.bfloat16)

    full = lambda s: pl.BlockSpec(s, lambda i: tuple(0 for _ in s))
    return pl.pallas_call(
        body,
        grid=(nblk,),
        in_specs=[pl.BlockSpec((b // 128, 128), lambda i: (i, 0)),
                  pl.BlockSpec((b, 64), lambda i: (i, 0)),
                  full((1, 64)), full((1, 64)),
                  full((2, 64)),
                  full((64, 1024)), full((1, 1024)), full((1, 1024)),
                  full((1, 128)), full((1, 128)),
                  full((128, 128)), full((1, 128)),
                  full((128, 256)), full((1, 256))],
        out_specs=[pl.BlockSpec((b, 256), lambda i: (i, 0)),
                   pl.BlockSpec((b, 256), lambda i: (i, 0))],
        out_shape=[jax.ShapeDtypeStruct((_E_PAD, 256), jnp.bfloat16),
                   jax.ShapeDtypeStruct((_E_PAD, 256), jnp.bfloat16)],
    )(attr_pad, kx2a, bng, bnb,
      st2, wo, bo, ro, dw1, db1, dw2, db2, dw3, db3)


def _tc_msg(xjp, xip, wk, wsum, rep, red):
    b = _BMSG
    bp = b // 8
    nblk = _E_PAD // b

    def body(xj_ref, xi_ref, wk_ref, ws_ref, rep_ref, red_ref, o_ref):
        xp = xj_ref[...]
        ip = xi_ref[...]
        xjv = jnp.concatenate(
            [xp[:, 16 * p:16 * (p + 1)] for p in range(8)], axis=0)
        xiv = jnp.concatenate(
            [ip[:, 16 * p:16 * (p + 1)] for p in range(8)], axis=0)
        xjr = jnp.dot(xjv, rep_ref[...], preferred_element_type=_f32)
        xir = jnp.dot(xiv, rep_ref[...], preferred_element_type=_f32)
        t = (xjr * ws_ref[...].astype(_f32)
             - xir * wk_ref[...].astype(_f32))
        msg = jnp.dot(t, red_ref[...], preferred_element_type=_f32)
        for p in range(8):
            o_ref[:, 16 * p:16 * (p + 1)] = msg[bp * p:bp * (p + 1), :]

    full = lambda s: pl.BlockSpec(s, lambda i: tuple(0 for _ in s))
    return pl.pallas_call(
        body,
        grid=(nblk,),
        in_specs=[pl.BlockSpec((bp, 128), lambda i: (i, 0)),
                  pl.BlockSpec((bp, 128), lambda i: (i, 0)),
                  pl.BlockSpec((b, 256), lambda i: (i, 0)),
                  pl.BlockSpec((b, 256), lambda i: (i, 0)),
                  full((_W, 256)), full((256, _W))],
        out_specs=pl.BlockSpec((bp, 128), lambda i: (i, 0)),
        out_shape=jax.ShapeDtypeStruct((_EP, 128), _f32),
    )(xjp, xip, wk, wsum, rep, red)


def _tc_update(p0, p1, c0, c1, h, root, kb):
    b = 2000

    def body(p0r, p1r, c0r, c1r, hr, rtr, kbr, o_ref):
        agg = (p0r[...] + p1r[...]) / jnp.maximum(c0r[...] + c1r[...], 1.0)
        hv = jnp.dot(hr[...], rtr[...], preferred_element_type=_f32)
        o_ref[...] = jnp.maximum(agg + hv + kbr[...], 0.0)

    full = lambda s: pl.BlockSpec(s, lambda i: tuple(0 for _ in s))
    blk = pl.BlockSpec((b, _W), lambda i: (i, 0))
    return pl.pallas_call(
        body,
        grid=(_N // b,),
        in_specs=[blk, blk, blk, blk, blk, full((_W, _W)), full((1, _W))],
        out_specs=pl.BlockSpec((b, _W), lambda i: (i, 0)),
        out_shape=jax.ShapeDtypeStruct((_N, _W), _f32),
    )(p0, p1, c0, c1, h, root, kb)


def _tc_update_out(p0, p1, c0, c1, h, root, kb, wout, bout):
    b = 2000

    def body(p0r, p1r, c0r, c1r, hr, rtr, kbr, wor, bor, o_ref):
        agg = (p0r[...] + p1r[...]) / jnp.maximum(c0r[...] + c1r[...], 1.0)
        hv = jnp.dot(hr[...], rtr[...], preferred_element_type=_f32)
        hn = jnp.maximum(agg + hv + kbr[...], 0.0)
        o_ref[...] = (jnp.dot(hn, wor[...], preferred_element_type=_f32)
                      + bor[...])

    full = lambda s: pl.BlockSpec(s, lambda i: tuple(0 for _ in s))
    blk = pl.BlockSpec((b, _W), lambda i: (i, 0))
    return pl.pallas_call(
        body,
        grid=(_N // b,),
        in_specs=[blk, blk, blk, blk, blk, full((_W, _W)), full((1, _W)),
                  full((_W, 128)), full((1, 128))],
        out_specs=pl.BlockSpec((b, 128), lambda i: (i, 0)),
        out_shape=jax.ShapeDtypeStruct((_N, 128), _f32),
    )(p0, p1, c0, c1, h, root, kb, wout, bout)




@functools.cache
def _sc_kernels():
    mesh = plsc.VectorSubcoreMesh(core_axis_name="c", subcore_axis_name="s")
    params = pltpu.CompilerParams(use_tc_tiling_on_sc=False)

    @functools.partial(
        pl.kernel,
        out_type=[jax.ShapeDtypeStruct((_E_PAD, _W), _f32),
                  jax.ShapeDtypeStruct((_E_PAD, _W), _f32)],
        mesh=mesh,
        compiler_params=params,
        scratch_types=[pltpu.VMEM((_NCHUNK, _CH), jnp.int32),
                       pltpu.VMEM((_EW, _W), _f32),
                       pltpu.SemaphoreType.DMA],
    )
    def sc_gather(h_hbm, src_hbm, dst_hbm, xj_hbm, xi_hbm, idx_v, rows_v,
                  sem):
        w = lax.axis_index("s") * _NC + lax.axis_index("c")
        for idx_hbm, out_hbm in ((src_hbm, xj_hbm), (dst_hbm, xi_hbm)):
            pltpu.sync_copy(idx_hbm.at[w], idx_v)

            def fire(j, carry):
                pltpu.async_copy(h_hbm.at[idx_v.at[j]],
                                 rows_v.at[pl.ds(j * _CH, _CH)], sem)
                return carry

            def drain(j, carry):
                pltpu.make_async_copy(
                    h_hbm.at[idx_v.at[j]],
                    rows_v.at[pl.ds(j * _CH, _CH)], sem).wait()
                return carry

            lax.fori_loop(0, _NCHUNK, fire, 0)
            lax.fori_loop(0, _NCHUNK, drain, 0)
            pltpu.sync_copy(rows_v, out_hbm.at[pl.ds(w * _EW, _EW)])

    @functools.partial(
        pl.kernel,
        out_type=jax.ShapeDtypeStruct((_NC * _ND, _W), _f32),
        mesh=mesh,
        compiler_params=params,
        scratch_types=[pltpu.VMEM((_NCHUNK, _CH), jnp.int32),
                       pltpu.VMEM((_EW, _W), _f32),
                       pltpu.VMEM_SHARED((_ND, _W), _f32),
                       pltpu.SemaphoreType.DMA],
    )
    def sc_scatter(msg_hbm, dst_hbm, zeros_hbm, out_hbm, idx_v, msg_v,
                   agg_sh, sem):
        cid = lax.axis_index("c")
        sid = lax.axis_index("s")
        w = sid * _NC + cid
        pltpu.sync_copy(zeros_hbm.at[pl.ds(sid * _STRIPE, _STRIPE)],
                        agg_sh.at[pl.ds(sid * _STRIPE, _STRIPE)])
        plsc.subcore_barrier()
        pltpu.sync_copy(dst_hbm.at[w], idx_v)
        pltpu.sync_copy(msg_hbm.at[pl.ds(w * _EW, _EW)], msg_v)

        def fire(j, carry):
            pltpu.async_copy(msg_v.at[pl.ds(j * _CH, _CH)],
                             agg_sh.at[idx_v.at[j]], sem, add=True)
            return carry

        def drain(j, carry):
            pltpu.make_async_copy(msg_v.at[pl.ds(j * _CH, _CH)],
                                  agg_sh.at[idx_v.at[j]], sem).wait()
            return carry

        lax.fori_loop(0, _NCHUNK, fire, 0)
        lax.fori_loop(0, _NCHUNK, drain, 0)
        plsc.subcore_barrier()
        pltpu.sync_copy(agg_sh.at[pl.ds(sid * _STRIPE, _STRIPE)],
                        out_hbm.at[pl.ds(cid * _ND + sid * _STRIPE,
                                         _STRIPE)])

    @functools.partial(
        pl.kernel,
        out_type=jax.ShapeDtypeStruct((_NC * _ND, _W), _f32),
        mesh=mesh,
        compiler_params=params,
        scratch_types=[pltpu.VMEM((_NCHUNK, _CH), jnp.int32),
                       pltpu.VMEM((_CH, _W), _f32),
                       pltpu.VMEM_SHARED((_ND, _W), _f32),
                       pltpu.SemaphoreType.DMA],
    )
    def sc_count(dst_hbm, zeros_hbm, ones_hbm, out_hbm, idx_v, ones_v,
                 cnt_sh, sem):
        cid = lax.axis_index("c")
        sid = lax.axis_index("s")
        w = sid * _NC + cid
        pltpu.sync_copy(zeros_hbm.at[pl.ds(sid * _STRIPE, _STRIPE)],
                        cnt_sh.at[pl.ds(sid * _STRIPE, _STRIPE)])
        pltpu.sync_copy(ones_hbm, ones_v)
        plsc.subcore_barrier()
        pltpu.sync_copy(dst_hbm.at[w], idx_v)

        def fire(j, carry):
            pltpu.async_copy(ones_v, cnt_sh.at[idx_v.at[j]], sem, add=True)
            return carry

        def drain(j, carry):
            pltpu.make_async_copy(ones_v, cnt_sh.at[idx_v.at[j]], sem).wait()
            return carry

        lax.fori_loop(0, _NCHUNK, fire, 0)
        lax.fori_loop(0, _NCHUNK, drain, 0)
        plsc.subcore_barrier()
        pltpu.sync_copy(cnt_sh.at[pl.ds(sid * _STRIPE, _STRIPE)],
                        out_hbm.at[pl.ds(cid * _ND + sid * _STRIPE,
                                         _STRIPE)])

    return sc_gather, sc_scatter, sc_count


def _sc_gather(h, src3, dst3):
    return _sc_kernels()[0](h, src3, dst3)


def _sc_scatter(msg, dst3, zeros_nd):
    return _sc_kernels()[1](msg, dst3, zeros_nd)


def _sc_count(dst3, zeros_nd, ones_ch):
    return _sc_kernels()[2](dst3, zeros_nd, ones_ch)



def kernel(x, edge_index, edge_attr, W1, b1, Wout, bout, root_param, kbias,
           ps0_W, ps0_b, ps0_r, ps1_W, ps1_b, ps1_r, ps2_W, ps2_b, ps2_r,
           psout_W, psout_b, psout_r, bn_g, bn_b, dW1, db1, dW2, db2, dW3,
           db3):
    pad = _E_PAD - _E
    lidx = jnp.arange(_E_PAD, dtype=jnp.int32)
    blk = lidx // _BMSG
    loc = lidx % _BMSG
    perm = blk * _BMSG + (loc % 8) * (_BMSG // 8) + loc // 8
    src_pad = jnp.concatenate([edge_index[0], jnp.zeros((pad,), jnp.int32)])
    dst_pad = jnp.concatenate(
        [edge_index[1], jnp.full((pad,), _DUMMY, jnp.int32)])
    src3 = src_pad[perm].reshape(_NW, _NCHUNK, _CH)
    dst3 = dst_pad[perm].reshape(_NW, _NCHUNK, _CH)
    attr_dense = jnp.concatenate(
        [edge_attr.reshape(_E), jnp.zeros((pad,), _f32)]
    ).reshape(_E_PAD // 128, 128)
    zeros_nd = jnp.zeros((_ND, _W), _f32)
    ones_ch = jnp.ones((_CH, _W), _f32)

    eye = jnp.eye(_W, dtype=_f32)
    rep = jnp.kron(eye, jnp.ones((1, _W), _f32))
    red = jnp.kron(jnp.ones((_W, 1), _f32), eye)

    b1r = b1.reshape(1, _W)
    kbr = kbias.reshape(1, _W)
    boutr = bout.reshape(1, 128)
    bngr = bn_g.reshape(1, 64)
    bnbr = bn_b.reshape(1, 64)
    bf16 = jnp.bfloat16
    w0 = ps0_W.reshape(1, 256)
    b0 = ps0_b.reshape(1, 256)
    r0 = ps0_r.reshape(1, 256)
    w1c = jnp.transpose(ps1_W, (1, 0, 2)).reshape(64, 256).astype(bf16)
    b1c = ps1_b.reshape(1, 256)
    r1c = ps1_r.reshape(1, 256)
    w2c = jnp.transpose(ps2_W, (1, 0, 2)).reshape(64, 256).astype(bf16)
    b2c = ps2_b.reshape(1, 256)
    r2c = ps2_r.reshape(1, 256)
    woc = jnp.transpose(psout_W, (1, 0, 2)).reshape(64, 1024).astype(bf16)
    boc = psout_b.reshape(1, 1024)
    roc = psout_r.reshape(1, 1024)
    d1r = dW1.reshape(1, 128)
    e1r = db1.reshape(1, 128)
    e2r = db2.reshape(1, 128)
    e3r = db3.reshape(1, 256)
    dw2b = dW2.astype(bf16)
    dw3b = dW3.astype(bf16)

    h0 = _tc_h0(x, W1, b1r)
    cnts = _sc_count(dst3, zeros_nd, ones_ch)
    st1, kx1a = _tc_stats1(attr_dense, w0, b0, r0, w1c, b1c, r1c)
    st2, kx2a = _tc_stats2(kx1a, st1, bngr, bnbr, w2c, b2c, r2c)
    wk, wsum = _tc_weights(attr_dense, kx2a, bngr, bnbr, st2,
                           woc, boc, roc,
                           d1r, e1r, dw2b, e2r, dw3b, e3r)
    c0 = cnts[:_N]
    c1 = cnts[_ND:_ND + _N]

    h = h0
    for layer in range(2):
        xj, xi = _sc_gather(h, src3, dst3)
        msg = _tc_msg(xj.reshape(_EP, 128), xi.reshape(_EP, 128),
                      wk, wsum, rep, red)
        parts = _sc_scatter(msg.reshape(_E_PAD, _W), dst3, zeros_nd)
        p0 = parts[:_N]
        p1 = parts[_ND:_ND + _N]
        if layer == 0:
            h = _tc_update(p0, p1, c0, c1, h, root_param, kbr)
        else:
            h = _tc_update_out(p0, p1, c0, c1, h, root_param, kbr, Wout,
                               boutr)
    return h

# --- scband reference (transcript-rebuilt; emitter-appended) ---
"""Pipeline reference for scband-teecnet-22144851378416 (READ-ONLY COPY).

The authoritative reference and input builder live on the scoring server;
editing this copy changes nothing except your own understanding.
"""

import jax, jax.numpy as jnp
import numpy as np

N = 10000
E = 160000
IN_C = 128
WIDTH = 16
OUT_C = 128
NUM_LAYERS = 2
NUM_POWERS = 4


def setup_inputs(seed: int = 0):
    key = jax.random.key(seed)
    ks = jax.random.split(key, 40)
    def nrm(k, shape, s=0.05):
        return jax.random.normal(k, shape, dtype=jnp.float32) * s
    inp = {}
    inp['x'] = jax.random.normal(ks[0], (N, IN_C), dtype=jnp.float32)
    inp['edge_index'] = jax.random.randint(ks[1], (2, E), 0, N, dtype=jnp.int32)
    inp['edge_attr'] = jax.random.uniform(ks[2], (E, 1), dtype=jnp.float32)
    # fc1 / fc_out
    inp['W1'] = nrm(ks[3], (IN_C, WIDTH), 0.05)
    inp['b1'] = jnp.zeros((WIDTH,), jnp.float32)
    inp['Wout'] = nrm(ks[4], (WIDTH, OUT_C), 0.1)
    inp['bout'] = jnp.zeros((OUT_C,), jnp.float32)
    # KernelConv root weight + bias
    inp['root_param'] = nrm(ks[5], (WIDTH, WIDTH), 0.1)
    inp['kbias'] = nrm(ks[6], (WIDTH,), 0.05)
    # PowerSeriesKernel: conv0 (1->64), convs[0], convs[1] (64->64), conv_out (64->256)
    inp['ps0_W'] = nrm(ks[7], (NUM_POWERS, 1, 64), 0.1)
    inp['ps0_b'] = jnp.zeros((NUM_POWERS, 64), jnp.float32)
    inp['ps0_r'] = nrm(ks[8], (NUM_POWERS, 64), 0.2)
    inp['ps1_W'] = nrm(ks[9], (NUM_POWERS, 64, 64), 0.05)
    inp['ps1_b'] = jnp.zeros((NUM_POWERS, 64), jnp.float32)
    inp['ps1_r'] = nrm(ks[10], (NUM_POWERS, 64), 0.2)
    inp['ps2_W'] = nrm(ks[11], (NUM_POWERS, 64, 64), 0.05)
    inp['ps2_b'] = jnp.zeros((NUM_POWERS, 64), jnp.float32)
    inp['ps2_r'] = nrm(ks[12], (NUM_POWERS, 64), 0.2)
    inp['psout_W'] = nrm(ks[13], (NUM_POWERS, 64, WIDTH * WIDTH), 0.05)
    inp['psout_b'] = jnp.zeros((NUM_POWERS, WIDTH * WIDTH), jnp.float32)
    inp['psout_r'] = nrm(ks[14], (NUM_POWERS, WIDTH * WIDTH), 0.2)
    # shared BatchNorm1d(64)
    inp['bn_g'] = jnp.ones((64,), jnp.float32)
    inp['bn_b'] = jnp.zeros((64,), jnp.float32)
    # operator_kernel DenseNet([1,128,128,256], ReLU)
    inp['dW1'] = nrm(ks[15], (1, 128), 0.1)
    inp['db1'] = jnp.zeros((128,), jnp.float32)
    inp['dW2'] = nrm(ks[16], (128, 128), 0.05)
    inp['db2'] = jnp.zeros((128,), jnp.float32)
    inp['dW3'] = nrm(ks[17], (128, WIDTH * WIDTH), 0.05)
    inp['db3'] = jnp.zeros((WIDTH * WIDTH,), jnp.float32)
    return inp


def _ps_conv(x, W, b, r):
    out = r[0] * (x @ W[0] + b[0])
    for i in range(1, W.shape[0]):
        xc = x @ W[i] + b[i]
        xc = jnp.where(xc >= 0, xc, 0.1 * xc)
        out = out + r[i] * (xc ** i)
    return out


def _bn(x, g, beta):
    m = jnp.mean(x, axis=0)
    v = jnp.var(x, axis=0)
    return (x - m) / jnp.sqrt(v + 1e-5) * g + beta


def _forward(edge_index, x, edge_attr, W1, b1, Wout, bout, root_param, kbias,
             ps0_W, ps0_b, ps0_r, ps1_W, ps1_b, ps1_r, ps2_W, ps2_b, ps2_r,
             psout_W, psout_b, psout_r, bn_g, bn_b, dW1, db1, dW2, db2, dW3, db3):
    src = edge_index[0]
    dst = edge_index[1]
    h = x @ W1 + b1
    for _ in range(NUM_LAYERS):
        pseudo = edge_attr
        # PowerSeriesKernel(pseudo) -> [E, width*width]
        kx = _ps_conv(pseudo, ps0_W, ps0_b, ps0_r)
        kx = _bn(_ps_conv(kx, ps1_W, ps1_b, ps1_r), bn_g, bn_b)
        kx = _bn(_ps_conv(kx, ps2_W, ps2_b, ps2_r), bn_g, bn_b)
        wk = _ps_conv(kx, psout_W, psout_b, psout_r).reshape(-1, WIDTH, WIDTH)
        # operator_kernel DenseNet(pseudo) -> [E, width*width]
        hd = jax.nn.relu(pseudo @ dW1 + db1)
        hd = jax.nn.relu(hd @ dW2 + db2)
        wop = (hd @ dW3 + db3).reshape(-1, WIDTH, WIDTH)
        # message
        xj = h[src]
        xi = h[dst]
        msg = jnp.einsum('ec,eco->eo', xj - xi, wk) + jnp.einsum('ec,eco->eo', xj, wop)
        # aggr='mean' at dst
        agg = jax.ops.segment_sum(msg, dst, num_segments=N)
        cnt = jax.ops.segment_sum(jnp.ones((E, 1), jnp.float32), dst, num_segments=N)
        agg = agg / jnp.maximum(cnt, 1.0)
        # update + outer relu from TEECNet
        h = jax.nn.relu(agg + h @ root_param + kbias)
    return h @ Wout + bout


def reference(x, edge_index, edge_attr, W1, b1, Wout, bout, root_param, kbias,
              ps0_W, ps0_b, ps0_r, ps1_W, ps1_b, ps1_r, ps2_W, ps2_b, ps2_r,
              psout_W, psout_b, psout_r, bn_g, bn_b, dW1, db1, dW2, db2, dW3, db3):
    return _forward(edge_index, x, edge_attr, W1, b1, Wout, bout, root_param, kbias,
                    ps0_W, ps0_b, ps0_r, ps1_W, ps1_b, ps1_r, ps2_W, ps2_b, ps2_r,
                    psout_W, psout_b, psout_r, bn_g, bn_b, dW1, db1, dW2, db2, dW3, db3)

if __name__ == "__main__":
    import jax
    _d = setup_inputs()
    print(jax.jit(kernel)(*tuple(_d.values())))

</pallas_src>

<mosaic_0001>
#map = affine_map<(d0, d1) -> (0, 0)>
#map1 = affine_map<(d0, d1) -> (0, 0, 0)>
module attributes {stable_mosaic.version = 14 : i64} {
  func.func @sc_gather(%arg0: i32, %arg1: i32, %arg2: memref<10000x16xf32, #tpu.memory_space<hbm>>, %arg3: memref<32x40x128xi32, #tpu.memory_space<hbm>>, %arg4: memref<32x40x128xi32, #tpu.memory_space<hbm>>, %arg5: memref<163840x16xf32, #tpu.memory_space<hbm>>, %arg6: memref<163840x16xf32, #tpu.memory_space<hbm>>, %arg7: memref<40x128xi32, #tpu.memory_space<vmem>>, %arg8: memref<5120x16xf32, #tpu.memory_space<vmem>>, %arg9: memref<!tpu.dma_semaphore, #tpu.memory_space<semaphore_mem>>) attributes {dimension_semantics = [#tpu.dimension_semantics<core_parallel>, #tpu.dimension_semantics<subcore_parallel>], iteration_bounds = array<i64: 2, 16>, scalar_prefetch = 0 : i64, scratch_operands = 3 : i64, tpu.core_type = #tpu.core_type<sc_vector_subcore>, window_params = [{transform_indices = #map}, {transform_indices = #map1}, {transform_indices = #map1}, {transform_indices = #map}, {transform_indices = #map}]} {
    %mul3A = arith.constant 2 : i32
    %mul3A_0 = arith.muli %arg1, %mul3A : i32
    %add3A = arith.addi %mul3A_0, %arg0 : i32
    "tpu.region"() ({
      %run_scoped3A = tpu.sem_alloc : memref<!tpu.dma_semaphore, #tpu.memory_space<semaphore_mem>>
      %dma_start3A = arith.constant 0 : i32
      %dma_start3A_28 = arith.constant 0 : i32
      %dma_start3A_29 = tpu.memref_slice %arg3[%add3A, %dma_start3A, %dma_start3A_28] : memref<32x40x128xi32, #tpu.memory_space<hbm>> -> memref<1x40x128xi32, #tpu.memory_space<hbm>>
      %dma_start3A_30 = tpu.memref_squeeze %dma_start3A_29 : memref<1x40x128xi32, #tpu.memory_space<hbm>> -> memref<40x128xi32, #tpu.memory_space<hbm>>
      %dma_start3A_31 = arith.constant 0 : i32
      %dma_start3A_32 = arith.constant 0 : i32
      %dma_start3A_33 = tpu.memref_slice %arg3[%add3A, %dma_start3A_31, %dma_start3A_32] : memref<32x40x128xi32, #tpu.memory_space<hbm>> -> memref<1x40x128xi32, #tpu.memory_space<hbm>>
      %dma_start3A_34 = tpu.memref_squeeze %dma_start3A_33 : memref<1x40x128xi32, #tpu.memory_space<hbm>> -> memref<40x128xi32, #tpu.memory_space<hbm>>
      tpu.enqueue_dma source(%dma_start3A_34 : memref<40x128xi32, #tpu.memory_space<hbm>>) target(%arg7 : memref<40x128xi32, #tpu.memory_space<vmem>>) target_semaphore(%run_scoped3A : memref<!tpu.dma_semaphore, #tpu.memory_space<semaphore_mem>>)
      %dma_wait3A = arith.constant 0 : i32
      %dma_wait3A_35 = arith.constant 0 : i32
      %dma_wait3A_36 = tpu.memref_slice %arg3[%add3A, %dma_wait3A, %dma_wait3A_35] : memref<32x40x128xi32, #tpu.memory_space<hbm>> -> memref<1x40x128xi32, #tpu.memory_space<hbm>>
      %dma_wait3A_37 = tpu.memref_squeeze %dma_wait3A_36 : memref<1x40x128xi32, #tpu.memory_space<hbm>> -> memref<40x128xi32, #tpu.memory_space<hbm>>
      %dma_wait3A_38 = arith.constant 0 : i32
      %dma_wait3A_39 = arith.constant 0 : i32
      %dma_wait3A_40 = tpu.memref_slice %arg3[%add3A, %dma_wait3A_38, %dma_wait3A_39] : memref<32x40x128xi32, #tpu.memory_space<hbm>> -> memref<1x40x128xi32, #tpu.memory_space<hbm>>
      %dma_wait3A_41 = tpu.memref_squeeze %dma_wait3A_40 : memref<1x40x128xi32, #tpu.memory_space<hbm>> -> memref<40x128xi32, #tpu.memory_space<hbm>>
      tpu.wait_dma2 semaphore(%run_scoped3A : memref<!tpu.dma_semaphore, #tpu.memory_space<semaphore_mem>>) src(%dma_wait3A_41 : memref<40x128xi32, #tpu.memory_space<hbm>>) dst(%arg7 : memref<40x128xi32, #tpu.memory_space<vmem>>)
      tpu.yield
    }) : () -> ()
    %scan3A = arith.constant 0 : i32
    %scan3A_1 = arith.constant 0 : i32
    %scan3A_2 = arith.constant 40 : i32
    %scan3A_3 = arith.addi %scan3A_1, %scan3A_2 : i32
    %scan3A_4 = arith.constant 1 : i32
    scf.for %scan3A_28 = %scan3A_1 to %scan3A_3 step %scan3A_4  : i32 {
      %mul3A_29 = arith.constant 128 : i32
      %mul3A_30 = arith.muli %scan3A_28, %mul3A_29 : i32
      %dma_start3A = arith.constant 0 : i32
      %dma_start3A_31 = tpu.memref_slice %arg8[%mul3A_30, %dma_start3A] : memref<5120x16xf32, #tpu.memory_space<vmem>> -> memref<128x16xf32, #tpu.memory_space<vmem>>
      %dma_start3A_32 = arith.constant 0 : i32
      %dma_start3A_33 = tpu.memref_slice %arg7[%scan3A_28, %dma_start3A_32] : memref<40x128xi32, #tpu.memory_space<vmem>> -> memref<1x128xi32, #tpu.memory_space<vmem>>
      %dma_start3A_34 = tpu.memref_squeeze %dma_start3A_33 : memref<1x128xi32, #tpu.memory_space<vmem>> -> memref<128xi32, #tpu.memory_space<vmem>>
      %dma_start3A_35 = arith.constant 0 : i32
      %dma_start3A_36 = arith.constant 0 : i32
      %dma_start3A_37 = tpu.memref_slice %arg2[%dma_start3A_35, %dma_start3A_36] : memref<10000x16xf32, #tpu.memory_space<hbm>> -> memref<10000x16xf32, #tpu.memory_space<hbm>>
      tpu.enqueue_indirect_dma source(%dma_start3A_37 : memref<10000x16xf32, #tpu.memory_space<hbm>>) target(%dma_start3A_31 : memref<128x16xf32, #tpu.memory_space<vmem>>) offsets(%dma_start3A_34 : memref<128xi32, #tpu.memory_space<vmem>>) semaphore(%arg9 : memref<!tpu.dma_semaphore, #tpu.memory_space<semaphore_mem>>)
    }
    %scan3A_5 = arith.constant 40 : i32
    %scan3A_6 = arith.constant 0 : i32
    %scan3A_7 = arith.constant 0 : i32
    %scan3A_8 = arith.constant 40 : i32
    %scan3A_9 = arith.addi %scan3A_7, %scan3A_8 : i32
    %scan3A_10 = arith.constant 1 : i32
    scf.for %scan3A_28 = %scan3A_7 to %scan3A_9 step %scan3A_10  : i32 {
      %mul3A_29 = arith.constant 128 : i32
      %mul3A_30 = arith.muli %scan3A_28, %mul3A_29 : i32
      %dma_wait3A = arith.constant 0 : i32
      %dma_wait3A_31 = tpu.memref_slice %arg8[%mul3A_30, %dma_wait3A] : memref<5120x16xf32, #tpu.memory_space<vmem>> -> memref<128x16xf32, #tpu.memory_space<vmem>>
      %dma_wait3A_32 = arith.constant 0 : i32
      %dma_wait3A_33 = tpu.memref_slice %arg7[%scan3A_28, %dma_wait3A_32] : memref<40x128xi32, #tpu.memory_space<vmem>> -> memref<1x128xi32, #tpu.memory_space<vmem>>
      %dma_wait3A_34 = tpu.memref_squeeze %dma_wait3A_33 : memref<1x128xi32, #tpu.memory_space<vmem>> -> memref<128xi32, #tpu.memory_space<vmem>>
      %dma_wait3A_35 = arith.constant 0 : i32
      %dma_wait3A_36 = arith.constant 0 : i32
      %dma_wait3A_37 = tpu.memref_slice %arg2[%dma_wait3A_35, %dma_wait3A_36] : memref<10000x16xf32, #tpu.memory_space<hbm>> -> memref<10000x16xf32, #tpu.memory_space<hbm>>
      tpu.wait_indirect_dma semaphore(%arg9 : memref<!tpu.dma_semaphore, #tpu.memory_space<semaphore_mem>>) src(%dma_wait3A_37 : memref<10000x16xf32, #tpu.memory_space<hbm>>) dst(%dma_wait3A_31 : memref<128x16xf32, #tpu.memory_space<vmem>>)
    }
    %scan3A_11 = arith.constant 40 : i32
    %mul3A_12 = arith.constant 5120 : i32
    %mul3A_13 = arith.muli %add3A, %mul3A_12 : i32
    "tpu.region"() ({
      %run_scoped3A = tpu.sem_alloc : memref<!tpu.dma_semaphore, #tpu.memory_space<semaphore_mem>>
      %dma_start3A = arith.constant 0 : i32
      %dma_start3A_28 = tpu.memref_slice %arg5[%mul3A_13, %dma_start3A] : memref<163840x16xf32, #tpu.memory_space<hbm>> -> memref<5120x16xf32, #tpu.memory_space<hbm>>
      %dma_start3A_29 = arith.constant 0 : i32
      %dma_start3A_30 = tpu.memref_slice %arg5[%mul3A_13, %dma_start3A_29] : memref<163840x16xf32, #tpu.memory_space<hbm>> -> memref<5120x16xf32, #tpu.memory_space<hbm>>
      tpu.enqueue_dma source(%arg8 : memref<5120x16xf32, #tpu.memory_space<vmem>>) target(%dma_start3A_30 : memref<5120x16xf32, #tpu.memory_space<hbm>>) target_semaphore(%run_scoped3A : memref<!tpu.dma_semaphore, #tpu.memory_space<semaphore_mem>>)
      %dma_wait3A = arith.constant 0 : i32
      %dma_wait3A_31 = tpu.memref_slice %arg5[%mul3A_13, %dma_wait3A] : memref<163840x16xf32, #tpu.memory_space<hbm>> -> memref<5120x16xf32, #tpu.memory_space<hbm>>
      %dma_wait3A_32 = arith.constant 0 : i32
      %dma_wait3A_33 = tpu.memref_slice %arg5[%mul3A_13, %dma_wait3A_32] : memref<163840x16xf32, #tpu.memory_space<hbm>> -> memref<5120x16xf32, #tpu.memory_space<hbm>>
      tpu.wait_dma2 semaphore(%run_scoped3A : memref<!tpu.dma_semaphore, #tpu.memory_space<semaphore_mem>>) src(%arg8 : memref<5120x16xf32, #tpu.memory_space<vmem>>) dst(%dma_wait3A_33 : memref<5120x16xf32, #tpu.memory_space<hbm>>)
      tpu.yield
    }) : () -> ()
    "tpu.region"() ({
      %run_scoped3A = tpu.sem_alloc : memref<!tpu.dma_semaphore, #tpu.memory_space<semaphore_mem>>
      %dma_start3A = arith.constant 0 : i32
      %dma_start3A_28 = arith.constant 0 : i32
      %dma_start3A_29 = tpu.memref_slice %arg4[%add3A, %dma_start3A, %dma_start3A_28] : memref<32x40x128xi32, #tpu.memory_space<hbm>> -> memref<1x40x128xi32, #tpu.memory_space<hbm>>
      %dma_start3A_30 = tpu.memref_squeeze %dma_start3A_29 : memref<1x40x128xi32, #tpu.memory_space<hbm>> -> memref<40x128xi32, #tpu.memory_space<hbm>>
      %dma_start3A_31 = arith.constant 0 : i32
      %dma_start3A_32 = arith.constant 0 : i32
      %dma_start3A_33 = tpu.memref_slice %arg4[%add3A, %dma_start3A_31, %dma_start3A_32] : memref<32x40x128xi32, #tpu.memory_space<hbm>> -> memref<1x40x128xi32, #tpu.memory_space<hbm>>
      %dma_start3A_34 = tpu.memref_squeeze %dma_start3A_33 : memref<1x40x128xi32, #tpu.memory_space<hbm>> -> memref<40x128xi32, #tpu.memory_space<hbm>>
      tpu.enqueue_dma source(%dma_start3A_34 : memref<40x128xi32, #tpu.memory_space<hbm>>) target(%arg7 : memref<40x128xi32, #tpu.memory_space<vmem>>) target_semaphore(%run_scoped3A : memref<!tpu.dma_semaphore, #tpu.memory_space<semaphore_mem>>)
      %dma_wait3A = arith.constant 0 : i32
      %dma_wait3A_35 = arith.constant 0 : i32
      %dma_wait3A_36 = tpu.memref_slice %arg4[%add3A, %dma_wait3A, %dma_wait3A_35] : memref<32x40x128xi32, #tpu.memory_space<hbm>> -> memref<1x40x128xi32, #tpu.memory_space<hbm>>
      %dma_wait3A_37 = tpu.memref_squeeze %dma_wait3A_36 : memref<1x40x128xi32, #tpu.memory_space<hbm>> -> memref<40x128xi32, #tpu.memory_space<hbm>>
      %dma_wait3A_38 = arith.constant 0 : i32
      %dma_wait3A_39 = arith.constant 0 : i32
      %dma_wait3A_40 = tpu.memref_slice %arg4[%add3A, %dma_wait3A_38, %dma_wait3A_39] : memref<32x40x128xi32, #tpu.memory_space<hbm>> -> memref<1x40x128xi32, #tpu.memory_space<hbm>>
      %dma_wait3A_41 = tpu.memref_squeeze %dma_wait3A_40 : memref<1x40x128xi32, #tpu.memory_space<hbm>> -> memref<40x128xi32, #tpu.memory_space<hbm>>
      tpu.wait_dma2 semaphore(%run_scoped3A : memref<!tpu.dma_semaphore, #tpu.memory_space<semaphore_mem>>) src(%dma_wait3A_41 : memref<40x128xi32, #tpu.memory_space<hbm>>) dst(%arg7 : memref<40x128xi32, #tpu.memory_space<vmem>>)
      tpu.yield
    }) : () -> ()
    %scan3A_14 = arith.constant 0 : i32
    %scan3A_15 = arith.constant 0 : i32
    %scan3A_16 = arith.constant 40 : i32
    %scan3A_17 = arith.addi %scan3A_15, %scan3A_16 : i32
    %scan3A_18 = arith.constant 1 : i32
    scf.for %scan3A_28 = %scan3A_15 to %scan3A_17 step %scan3A_18  : i32 {
      %mul3A_29 = arith.constant 128 : i32
      %mul3A_30 = arith.muli %scan3A_28, %mul3A_29 : i32
      %dma_start3A = arith.constant 0 : i32
      %dma_start3A_31 = tpu.memref_slice %arg8[%mul3A_30, %dma_start3A] : memref<5120x16xf32, #tpu.memory_space<vmem>> -> memref<128x16xf32, #tpu.memory_space<vmem>>
      %dma_start3A_32 = arith.constant 0 : i32
      %dma_start3A_33 = tpu.memref_slice %arg7[%scan3A_28, %dma_start3A_32] : memref<40x128xi32, #tpu.memory_space<vmem>> -> memref<1x128xi32, #tpu.memory_space<vmem>>
      %dma_start3A_34 = tpu.memref_squeeze %dma_start3A_33 : memref<1x128xi32, #tpu.memory_space<vmem>> -> memref<128xi32, #tpu.memory_space<vmem>>
      %dma_start3A_35 = arith.constant 0 : i32
      %dma_start3A_36 = arith.constant 0 : i32
      %dma_start3A_37 = tpu.memref_slice %arg2[%dma_start3A_35, %dma_start3A_36] : memref<10000x16xf32, #tpu.memory_space<hbm>> -> memref<10000x16xf32, #tpu.memory_space<hbm>>
      tpu.enqueue_indirect_dma source(%dma_start3A_37 : memref<10000x16xf32, #tpu.memory_space<hbm>>) target(%dma_start3A_31 : memref<128x16xf32, #tpu.memory_space<vmem>>) offsets(%dma_start3A_34 : memref<128xi32, #tpu.memory_space<vmem>>) semaphore(%arg9 : memref<!tpu.dma_semaphore, #tpu.memory_space<semaphore_mem>>)
    }
    %scan3A_19 = arith.constant 40 : i32
    %scan3A_20 = arith.constant 0 : i32
    %scan3A_21 = arith.constant 0 : i32
    %scan3A_22 = arith.constant 40 : i32
    %scan3A_23 = arith.addi %scan3A_21, %scan3A_22 : i32
    %scan3A_24 = arith.constant 1 : i32
    scf.for %scan3A_28 = %scan3A_21 to %scan3A_23 step %scan3A_24  : i32 {
      %mul3A_29 = arith.constant 128 : i32
      %mul3A_30 = arith.muli %scan3A_28, %mul3A_29 : i32
      %dma_wait3A = arith.constant 0 : i32
      %dma_wait3A_31 = tpu.memref_slice %arg8[%mul3A_30, %dma_wait3A] : memref<5120x16xf32, #tpu.memory_space<vmem>> -> memref<128x16xf32, #tpu.memory_space<vmem>>
      %dma_wait3A_32 = arith.constant 0 : i32
      %dma_wait3A_33 = tpu.memref_slice %arg7[%scan3A_28, %dma_wait3A_32] : memref<40x128xi32, #tpu.memory_space<vmem>> -> memref<1x128xi32, #tpu.memory_space<vmem>>
      %dma_wait3A_34 = tpu.memref_squeeze %dma_wait3A_33 : memref<1x128xi32, #tpu.memory_space<vmem>> -> memref<128xi32, #tpu.memory_space<vmem>>
      %dma_wait3A_35 = arith.constant 0 : i32
      %dma_wait3A_36 = arith.constant 0 : i32
      %dma_wait3A_37 = tpu.memref_slice %arg2[%dma_wait3A_35, %dma_wait3A_36] : memref<10000x16xf32, #tpu.memory_space<hbm>> -> memref<10000x16xf32, #tpu.memory_space<hbm>>
      tpu.wait_indirect_dma semaphore(%arg9 : memref<!tpu.dma_semaphore, #tpu.memory_space<semaphore_mem>>) src(%dma_wait3A_37 : memref<10000x16xf32, #tpu.memory_space<hbm>>) dst(%dma_wait3A_31 : memref<128x16xf32, #tpu.memory_space<vmem>>)
    }
    %scan3A_25 = arith.constant 40 : i32
    %mul3A_26 = arith.constant 5120 : i32
    %mul3A_27 = arith.muli %add3A, %mul3A_26 : i32
    "tpu.region"() ({
      %run_scoped3A = tpu.sem_alloc : memref<!tpu.dma_semaphore, #tpu.memory_space<semaphore_mem>>
      %dma_start3A = arith.constant 0 : i32
      %dma_start3A_28 = tpu.memref_slice %arg6[%mul3A_27, %dma_start3A] : memref<163840x16xf32, #tpu.memory_space<hbm>> -> memref<5120x16xf32, #tpu.memory_space<hbm>>
      %dma_start3A_29 = arith.constant 0 : i32
      %dma_start3A_30 = tpu.memref_slice %arg6[%mul3A_27, %dma_start3A_29] : memref<163840x16xf32, #tpu.memory_space<hbm>> -> memref<5120x16xf32, #tpu.memory_space<hbm>>
      tpu.enqueue_dma source(%arg8 : memref<5120x16xf32, #tpu.memory_space<vmem>>) target(%dma_start3A_30 : memref<5120x16xf32, #tpu.memory_space<hbm>>) target_semaphore(%run_scoped3A : memref<!tpu.dma_semaphore, #tpu.memory_space<semaphore_mem>>)
      %dma_wait3A = arith.constant 0 : i32
      %dma_wait3A_31 = tpu.memref_slice %arg6[%mul3A_27, %dma_wait3A] : memref<163840x16xf32, #tpu.memory_space<hbm>> -> memref<5120x16xf32, #tpu.memory_space<hbm>>
      %dma_wait3A_32 = arith.constant 0 : i32
      %dma_wait3A_33 = tpu.memref_slice %arg6[%mul3A_27, %dma_wait3A_32] : memref<163840x16xf32, #tpu.memory_space<hbm>> -> memref<5120x16xf32, #tpu.memory_space<hbm>>
      tpu.wait_dma2 semaphore(%run_scoped3A : memref<!tpu.dma_semaphore, #tpu.memory_space<semaphore_mem>>) src(%arg8 : memref<5120x16xf32, #tpu.memory_space<vmem>>) dst(%dma_wait3A_33 : memref<5120x16xf32, #tpu.memory_space<hbm>>)
      tpu.yield
    }) : () -> ()
    return
  }
}

#map = affine_map<(d0, d1) -> (0, 0, 0)>
#map1 = affine_map<(d0, d1) -> (0, 0)>
module attributes {stable_mosaic.version = 14 : i64} {
  func.func @sc_count(%arg0: i32, %arg1: i32, %arg2: memref<32x40x128xi32, #tpu.memory_space<hbm>>, %arg3: memref<10240x16xf32, #tpu.memory_space<hbm>>, %arg4: memref<128x16xf32, #tpu.memory_space<hbm>>, %arg5: memref<20480x16xf32, #tpu.memory_space<hbm>>, %arg6: memref<40x128xi32, #tpu.memory_space<vmem>>, %arg7: memref<128x16xf32, #tpu.memory_space<vmem>>, %arg8: memref<10240x16xf32, #tpu.memory_space<vmem_shared>>, %arg9: memref<!tpu.dma_semaphore, #tpu.memory_space<semaphore_mem>>) attributes {dimension_semantics = [#tpu.dimension_semantics<core_parallel>, #tpu.dimension_semantics<subcore_parallel>], iteration_bounds = array<i64: 2, 16>, scalar_prefetch = 0 : i64, scratch_operands = 4 : i64, tpu.core_type = #tpu.core_type<sc_vector_subcore>, window_params = [{transform_indices = #map}, {transform_indices = #map1}, {transform_indices = #map1}, {transform_indices = #map1}]} {
    %mul3A = arith.constant 2 : i32
    %mul3A_0 = arith.muli %arg1, %mul3A : i32
    %add3A = arith.addi %mul3A_0, %arg0 : i32
    %mul3A_1 = arith.constant 640 : i32
    %mul3A_2 = arith.muli %arg1, %mul3A_1 : i32
    %mul3A_3 = arith.constant 640 : i32
    %mul3A_4 = arith.muli %arg1, %mul3A_3 : i32
    "tpu.region"() ({
      %run_scoped3A = tpu.sem_alloc : memref<!tpu.dma_semaphore, #tpu.memory_space<semaphore_mem>>
      %dma_start3A = arith.constant 0 : i32
      %dma_start3A_24 = tpu.memref_slice %arg8[%mul3A_4, %dma_start3A] : memref<10240x16xf32, #tpu.memory_space<vmem_shared>> -> memref<640x16xf32, #tpu.memory_space<vmem_shared>>
      %dma_start3A_25 = arith.constant 0 : i32
      %dma_start3A_26 = tpu.memref_slice %arg3[%mul3A_2, %dma_start3A_25] : memref<10240x16xf32, #tpu.memory_space<hbm>> -> memref<640x16xf32, #tpu.memory_space<hbm>>
      tpu.enqueue_dma source(%dma_start3A_26 : memref<640x16xf32, #tpu.memory_space<hbm>>) target(%dma_start3A_24 : memref<640x16xf32, #tpu.memory_space<vmem_shared>>) target_semaphore(%run_scoped3A : memref<!tpu.dma_semaphore, #tpu.memory_space<semaphore_mem>>)
      %dma_wait3A = arith.constant 0 : i32
      %dma_wait3A_27 = tpu.memref_slice %arg8[%mul3A_4, %dma_wait3A] : memref<10240x16xf32, #tpu.memory_space<vmem_shared>> -> memref<640x16xf32, #tpu.memory_space<vmem_shared>>
      %dma_wait3A_28 = arith.constant 0 : i32
      %dma_wait3A_29 = tpu.memref_slice %arg3[%mul3A_2, %dma_wait3A_28] : memref<10240x16xf32, #tpu.memory_space<hbm>> -> memref<640x16xf32, #tpu.memory_space<hbm>>
      tpu.wait_dma2 semaphore(%run_scoped3A : memref<!tpu.dma_semaphore, #tpu.memory_space<semaphore_mem>>) src(%dma_wait3A_29 : memref<640x16xf32, #tpu.memory_space<hbm>>) dst(%dma_wait3A_27 : memref<640x16xf32, #tpu.memory_space<vmem_shared>>)
      tpu.yield
    }) : () -> ()
    "tpu.region"() ({
      %run_scoped3A = tpu.sem_alloc : memref<!tpu.dma_semaphore, #tpu.memory_space<semaphore_mem>>
      tpu.enqueue_dma source(%arg4 : memref<128x16xf32, #tpu.memory_space<hbm>>) target(%arg7 : memref<128x16xf32, #tpu.memory_space<vmem>>) target_semaphore(%run_scoped3A : memref<!tpu.dma_semaphore, #tpu.memory_space<semaphore_mem>>)
      tpu.wait_dma2 semaphore(%run_scoped3A : memref<!tpu.dma_semaphore, #tpu.memory_space<semaphore_mem>>) src(%arg4 : memref<128x16xf32, #tpu.memory_space<hbm>>) dst(%arg7 : memref<128x16xf32, #tpu.memory_space<vmem>>)
      tpu.yield
    }) : () -> ()
    %barrier3A = arith.constant 0 : index
    tpu.barrier barrier_id(%barrier3A)
    "tpu.region"() ({
      %run_scoped3A = tpu.sem_alloc : memref<!tpu.dma_semaphore, #tpu.memory_space<semaphore_mem>>
      %dma_start3A = arith.constant 0 : i32
      %dma_start3A_24 = arith.constant 0 : i32
      %dma_start3A_25 = tpu.memref_slice %arg2[%add3A, %dma_start3A, %dma_start3A_24] : memref<32x40x128xi32, #tpu.memory_space<hbm>> -> memref<1x40x128xi32, #tpu.memory_space<hbm>>
      %dma_start3A_26 = tpu.memref_squeeze %dma_start3A_25 : memref<1x40x128xi32, #tpu.memory_space<hbm>> -> memref<40x128xi32, #tpu.memory_space<hbm>>
      %dma_start3A_27 = arith.constant 0 : i32
      %dma_start3A_28 = arith.constant 0 : i32
      %dma_start3A_29 = tpu.memref_slice %arg2[%add3A, %dma_start3A_27, %dma_start3A_28] : memref<32x40x128xi32, #tpu.memory_space<hbm>> -> memref<1x40x128xi32, #tpu.memory_space<hbm>>
      %dma_start3A_30 = tpu.memref_squeeze %dma_start3A_29 : memref<1x40x128xi32, #tpu.memory_space<hbm>> -> memref<40x128xi32, #tpu.memory_space<hbm>>
      tpu.enqueue_dma source(%dma_start3A_30 : memref<40x128xi32, #tpu.memory_space<hbm>>) target(%arg6 : memref<40x128xi32, #tpu.memory_space<vmem>>) target_semaphore(%run_scoped3A : memref<!tpu.dma_semaphore, #tpu.memory_space<semaphore_mem>>)
      %dma_wait3A = arith.constant 0 : i32
      %dma_wait3A_31 = arith.constant 0 : i32
      %dma_wait3A_32 = tpu.memref_slice %arg2[%add3A, %dma_wait3A, %dma_wait3A_31] : memref<32x40x128xi32, #tpu.memory_space<hbm>> -> memref<1x40x128xi32, #tpu.memory_space<hbm>>
      %dma_wait3A_33 = tpu.memref_squeeze %dma_wait3A_32 : memref<1x40x128xi32, #tpu.memory_space<hbm>> -> memref<40x128xi32, #tpu.memory_space<hbm>>
      %dma_wait3A_34 = arith.constant 0 : i32
      %dma_wait3A_35 = arith.constant 0 : i32
      %dma_wait3A_36 = tpu.memref_slice %arg2[%add3A, %dma_wait3A_34, %dma_wait3A_35] : memref<32x40x128xi32, #tpu.memory_space<hbm>> -> memref<1x40x128xi32, #tpu.memory_space<hbm>>
      %dma_wait3A_37 = tpu.memref_squeeze %dma_wait3A_36 : memref<1x40x128xi32, #tpu.memory_space<hbm>> -> memref<40x128xi32, #tpu.memory_space<hbm>>
      tpu.wait_dma2 semaphore(%run_scoped3A : memref<!tpu.dma_semaphore, #tpu.memory_space<semaphore_mem>>) src(%dma_wait3A_37 : memref<40x128xi32, #tpu.memory_space<hbm>>) dst(%arg6 : memref<40x128xi32, #tpu.memory_space<vmem>>)
      tpu.yield
    }) : () -> ()
    %scan3A = arith.constant 0 : i32
    %scan3A_5 = arith.constant 0 : i32
    %scan3A_6 = arith.constant 40 : i32
    %scan3A_7 = arith.addi %scan3A_5, %scan3A_6 : i32
    %scan3A_8 = arith.constant 1 : i32
    scf.for %scan3A_24 = %scan3A_5 to %scan3A_7 step %scan3A_8  : i32 {
      %dma_start3A = arith.constant 0 : i32
      %dma_start3A_25 = tpu.memref_slice %arg6[%scan3A_24, %dma_start3A] : memref<40x128xi32, #tpu.memory_space<vmem>> -> memref<1x128xi32, #tpu.memory_space<vmem>>
      %dma_start3A_26 = tpu.memref_squeeze %dma_start3A_25 : memref<1x128xi32, #tpu.memory_space<vmem>> -> memref<128xi32, #tpu.memory_space<vmem>>
      %dma_start3A_27 = arith.constant 0 : i32
      %dma_start3A_28 = arith.constant 0 : i32
      %dma_start3A_29 = tpu.memref_slice %arg8[%dma_start3A_27, %dma_start3A_28] : memref<10240x16xf32, #tpu.memory_space<vmem_shared>> -> memref<10240x16xf32, #tpu.memory_space<vmem_shared>>
      tpu.enqueue_indirect_dma source(%arg7 : memref<128x16xf32, #tpu.memory_space<vmem>>) target(%dma_start3A_29 : memref<10240x16xf32, #tpu.memory_space<vmem_shared>>) offsets(%dma_start3A_26 : memref<128xi32, #tpu.memory_space<vmem>>) semaphore(%arg9 : memref<!tpu.dma_semaphore, #tpu.memory_space<semaphore_mem>>) {add = true}
    }
    %scan3A_9 = arith.constant 40 : i32
    %scan3A_10 = arith.constant 0 : i32
    %scan3A_11 = arith.constant 0 : i32
    %scan3A_12 = arith.constant 40 : i32
    %scan3A_13 = arith.addi %scan3A_11, %scan3A_12 : i32
    %scan3A_14 = arith.constant 1 : i32
    scf.for %scan3A_24 = %scan3A_11 to %scan3A_13 step %scan3A_14  : i32 {
      %dma_wait3A = arith.constant 0 : i32
      %dma_wait3A_25 = tpu.memref_slice %arg6[%scan3A_24, %dma_wait3A] : memref<40x128xi32, #tpu.memory_space<vmem>> -> memref<1x128xi32, #tpu.memory_space<vmem>>
      %dma_wait3A_26 = tpu.memref_squeeze %dma_wait3A_25 : memref<1x128xi32, #tpu.memory_space<vmem>> -> memref<128xi32, #tpu.memory_space<vmem>>
      %dma_wait3A_27 = arith.constant 0 : i32
      %dma_wait3A_28 = arith.constant 0 : i32
      %dma_wait3A_29 = tpu.memref_slice %arg8[%dma_wait3A_27, %dma_wait3A_28] : memref<10240x16xf32, #tpu.memory_space<vmem_shared>> -> memref<10240x16xf32, #tpu.memory_space<vmem_shared>>
      tpu.wait_indirect_dma semaphore(%arg9 : memref<!tpu.dma_semaphore, #tpu.memory_space<semaphore_mem>>) src(%arg7 : memref<128x16xf32, #tpu.memory_space<vmem>>) dst(%dma_wait3A_29 : memref<10240x16xf32, #tpu.memory_space<vmem_shared>>)
    }
    %scan3A_15 = arith.constant 40 : i32
    %barrier3A_16 = arith.constant 0 : index
    tpu.barrier barrier_id(%barrier3A_16)
    %mul3A_17 = arith.constant 640 : i32
    %mul3A_18 = arith.muli %arg1, %mul3A_17 : i32
    %mul3A_19 = arith.constant 10240 : i32
    %mul3A_20 = arith.muli %arg0, %mul3A_19 : i32
    %mul3A_21 = arith.constant 640 : i32
    %mul3A_22 = arith.muli %arg1, %mul3A_21 : i32
    %add3A_23 = arith.addi %mul3A_20, %mul3A_22 : i32
    "tpu.region"() ({
      %run_scoped3A = tpu.sem_alloc : memref<!tpu.dma_semaphore, #tpu.memory_space<semaphore_mem>>
      %dma_start3A = arith.constant 0 : i32
      %dma_start3A_24 = tpu.memref_slice %arg5[%add3A_23, %dma_start3A] : memref<20480x16xf32, #tpu.memory_space<hbm>> -> memref<640x16xf32, #tpu.memory_space<hbm>>
      %dma_start3A_25 = arith.constant 0 : i32
      %dma_start3A_26 = tpu.memref_slice %arg8[%mul3A_18, %dma_start3A_25] : memref<10240x16xf32, #tpu.memory_space<vmem_shared>> -> memref<640x16xf32, #tpu.memory_space<vmem_shared>>
      tpu.enqueue_dma source(%dma_start3A_26 : memref<640x16xf32, #tpu.memory_space<vmem_shared>>) target(%dma_start3A_24 : memref<640x16xf32, #tpu.memory_space<hbm>>) target_semaphore(%run_scoped3A : memref<!tpu.dma_semaphore, #tpu.memory_space<semaphore_mem>>)
      %dma_wait3A = arith.constant 0 : i32
      %dma_wait3A_27 = tpu.memref_slice %arg5[%add3A_23, %dma_wait3A] : memref<20480x16xf32, #tpu.memory_space<hbm>> -> memref<640x16xf32, #tpu.memory_space<hbm>>
      %dma_wait3A_28 = arith.constant 0 : i32
      %dma_wait3A_29 = tpu.memref_slice %arg8[%mul3A_18, %dma_wait3A_28] : memref<10240x16xf32, #tpu.memory_space<vmem_shared>> -> memref<640x16xf32, #tpu.memory_space<vmem_shared>>
      tpu.wait_dma2 semaphore(%run_scoped3A : memref<!tpu.dma_semaphore, #tpu.memory_space<semaphore_mem>>) src(%dma_wait3A_29 : memref<640x16xf32, #tpu.memory_space<vmem_shared>>) dst(%dma_wait3A_27 : memref<640x16xf32, #tpu.memory_space<hbm>>)
      tpu.yield
    }) : () -> ()
    return
  }
}

#map = affine_map<(d0, d1) -> (0, 0)>
#map1 = affine_map<(d0, d1) -> (0, 0, 0)>
module attributes {stable_mosaic.version = 14 : i64} {
  func.func @sc_scatter(%arg0: i32, %arg1: i32, %arg2: memref<163840x16xf32, #tpu.memory_space<hbm>>, %arg3: memref<32x40x128xi32, #tpu.memory_space<hbm>>, %arg4: memref<10240x16xf32, #tpu.memory_space<hbm>>, %arg5: memref<20480x16xf32, #tpu.memory_space<hbm>>, %arg6: memref<40x128xi32, #tpu.memory_space<vmem>>, %arg7: memref<5120x16xf32, #tpu.memory_space<vmem>>, %arg8: memref<10240x16xf32, #tpu.memory_space<vmem_shared>>, %arg9: memref<!tpu.dma_semaphore, #tpu.memory_space<semaphore_mem>>) attributes {dimension_semantics = [#tpu.dimension_semantics<core_parallel>, #tpu.dimension_semantics<subcore_parallel>], iteration_bounds = array<i64: 2, 16>, scalar_prefetch = 0 : i64, scratch_operands = 4 : i64, tpu.core_type = #tpu.core_type<sc_vector_subcore>, window_params = [{transform_indices = #map}, {transform_indices = #map1}, {transform_indices = #map}, {transform_indices = #map}]} {
    %mul3A = arith.constant 2 : i32
    %mul3A_0 = arith.muli %arg1, %mul3A : i32
    %add3A = arith.addi %mul3A_0, %arg0 : i32
    %mul3A_1 = arith.constant 640 : i32
    %mul3A_2 = arith.muli %arg1, %mul3A_1 : i32
    %mul3A_3 = arith.constant 640 : i32
    %mul3A_4 = arith.muli %arg1, %mul3A_3 : i32
    "tpu.region"() ({
      %run_scoped3A = tpu.sem_alloc : memref<!tpu.dma_semaphore, #tpu.memory_space<semaphore_mem>>
      %dma_start3A = arith.constant 0 : i32
      %dma_start3A_26 = tpu.memref_slice %arg8[%mul3A_4, %dma_start3A] : memref<10240x16xf32, #tpu.memory_space<vmem_shared>> -> memref<640x16xf32, #tpu.memory_space<vmem_shared>>
      %dma_start3A_27 = arith.constant 0 : i32
      %dma_start3A_28 = tpu.memref_slice %arg4[%mul3A_2, %dma_start3A_27] : memref<10240x16xf32, #tpu.memory_space<hbm>> -> memref<640x16xf32, #tpu.memory_space<hbm>>
      tpu.enqueue_dma source(%dma_start3A_28 : memref<640x16xf32, #tpu.memory_space<hbm>>) target(%dma_start3A_26 : memref<640x16xf32, #tpu.memory_space<vmem_shared>>) target_semaphore(%run_scoped3A : memref<!tpu.dma_semaphore, #tpu.memory_space<semaphore_mem>>)
      %dma_wait3A = arith.constant 0 : i32
      %dma_wait3A_29 = tpu.memref_slice %arg8[%mul3A_4, %dma_wait3A] : memref<10240x16xf32, #tpu.memory_space<vmem_shared>> -> memref<640x16xf32, #tpu.memory_space<vmem_shared>>
      %dma_wait3A_30 = arith.constant 0 : i32
      %dma_wait3A_31 = tpu.memref_slice %arg4[%mul3A_2, %dma_wait3A_30] : memref<10240x16xf32, #tpu.memory_space<hbm>> -> memref<640x16xf32, #tpu.memory_space<hbm>>
      tpu.wait_dma2 semaphore(%run_scoped3A : memref<!tpu.dma_semaphore, #tpu.memory_space<semaphore_mem>>) src(%dma_wait3A_31 : memref<640x16xf32, #tpu.memory_space<hbm>>) dst(%dma_wait3A_29 : memref<640x16xf32, #tpu.memory_space<vmem_shared>>)
      tpu.yield
    }) : () -> ()
    %barrier3A = arith.constant 0 : index
    tpu.barrier barrier_id(%barrier3A)
    "tpu.region"() ({
      %run_scoped3A = tpu.sem_alloc : memref<!tpu.dma_semaphore, #tpu.memory_space<semaphore_mem>>
      %dma_start3A = arith.constant 0 : i32
      %dma_start3A_26 = arith.constant 0 : i32
      %dma_start3A_27 = tpu.memref_slice %arg3[%add3A, %dma_start3A, %dma_start3A_26] : memref<32x40x128xi32, #tpu.memory_space<hbm>> -> memref<1x40x128xi32, #tpu.memory_space<hbm>>
      %dma_start3A_28 = tpu.memref_squeeze %dma_start3A_27 : memref<1x40x128xi32, #tpu.memory_space<hbm>> -> memref<40x128xi32, #tpu.memory_space<hbm>>
      %dma_start3A_29 = arith.constant 0 : i32
      %dma_start3A_30 = arith.constant 0 : i32
      %dma_start3A_31 = tpu.memref_slice %arg3[%add3A, %dma_start3A_29, %dma_start3A_30] : memref<32x40x128xi32, #tpu.memory_space<hbm>> -> memref<1x40x128xi32, #tpu.memory_space<hbm>>
      %dma_start3A_32 = tpu.memref_squeeze %dma_start3A_31 : memref<1x40x128xi32, #tpu.memory_space<hbm>> -> memref<40x128xi32, #tpu.memory_space<hbm>>
      tpu.enqueue_dma source(%dma_start3A_32 : memref<40x128xi32, #tpu.memory_space<hbm>>) target(%arg6 : memref<40x128xi32, #tpu.memory_space<vmem>>) target_semaphore(%run_scoped3A : memref<!tpu.dma_semaphore, #tpu.memory_space<semaphore_mem>>)
      %dma_wait3A = arith.constant 0 : i32
      %dma_wait3A_33 = arith.constant 0 : i32
      %dma_wait3A_34 = tpu.memref_slice %arg3[%add3A, %dma_wait3A, %dma_wait3A_33] : memref<32x40x128xi32, #tpu.memory_space<hbm>> -> memref<1x40x128xi32, #tpu.memory_space<hbm>>
      %dma_wait3A_35 = tpu.memref_squeeze %dma_wait3A_34 : memref<1x40x128xi32, #tpu.memory_space<hbm>> -> memref<40x128xi32, #tpu.memory_space<hbm>>
      %dma_wait3A_36 = arith.constant 0 : i32
      %dma_wait3A_37 = arith.constant 0 : i32
      %dma_wait3A_38 = tpu.memref_slice %arg3[%add3A, %dma_wait3A_36, %dma_wait3A_37] : memref<32x40x128xi32, #tpu.memory_space<hbm>> -> memref<1x40x128xi32, #tpu.memory_space<hbm>>
      %dma_wait3A_39 = tpu.memref_squeeze %dma_wait3A_38 : memref<1x40x128xi32, #tpu.memory_space<hbm>> -> memref<40x128xi32, #tpu.memory_space<hbm>>
      tpu.wait_dma2 semaphore(%run_scoped3A : memref<!tpu.dma_semaphore, #tpu.memory_space<semaphore_mem>>) src(%dma_wait3A_39 : memref<40x128xi32, #tpu.memory_space<hbm>>) dst(%arg6 : memref<40x128xi32, #tpu.memory_space<vmem>>)
      tpu.yield
    }) : () -> ()
    %mul3A_5 = arith.constant 5120 : i32
    %mul3A_6 = arith.muli %add3A, %mul3A_5 : i32
    "tpu.region"() ({
      %run_scoped3A = tpu.sem_alloc : memref<!tpu.dma_semaphore, #tpu.memory_space<semaphore_mem>>
      %dma_start3A = arith.constant 0 : i32
      %dma_start3A_26 = tpu.memref_slice %arg2[%mul3A_6, %dma_start3A] : memref<163840x16xf32, #tpu.memory_space<hbm>> -> memref<5120x16xf32, #tpu.memory_space<hbm>>
      %dma_start3A_27 = arith.constant 0 : i32
      %dma_start3A_28 = tpu.memref_slice %arg2[%mul3A_6, %dma_start3A_27] : memref<163840x16xf32, #tpu.memory_space<hbm>> -> memref<5120x16xf32, #tpu.memory_space<hbm>>
      tpu.enqueue_dma source(%dma_start3A_28 : memref<5120x16xf32, #tpu.memory_space<hbm>>) target(%arg7 : memref<5120x16xf32, #tpu.memory_space<vmem>>) target_semaphore(%run_scoped3A : memref<!tpu.dma_semaphore, #tpu.memory_space<semaphore_mem>>)
      %dma_wait3A = arith.constant 0 : i32
      %dma_wait3A_29 = tpu.memref_slice %arg2[%mul3A_6, %dma_wait3A] : memref<163840x16xf32, #tpu.memory_space<hbm>> -> memref<5120x16xf32, #tpu.memory_space<hbm>>
      %dma_wait3A_30 = arith.constant 0 : i32
      %dma_wait3A_31 = tpu.memref_slice %arg2[%mul3A_6, %dma_wait3A_30] : memref<163840x16xf32, #tpu.memory_space<hbm>> -> memref<5120x16xf32, #tpu.memory_space<hbm>>
      tpu.wait_dma2 semaphore(%run_scoped3A : memref<!tpu.dma_semaphore, #tpu.memory_space<semaphore_mem>>) src(%dma_wait3A_31 : memref<5120x16xf32, #tpu.memory_space<hbm>>) dst(%arg7 : memref<5120x16xf32, #tpu.memory_space<vmem>>)
      tpu.yield
    }) : () -> ()
    %scan3A = arith.constant 0 : i32
    %scan3A_7 = arith.constant 0 : i32
    %scan3A_8 = arith.constant 40 : i32
    %scan3A_9 = arith.addi %scan3A_7, %scan3A_8 : i32
    %scan3A_10 = arith.constant 1 : i32
    scf.for %scan3A_26 = %scan3A_7 to %scan3A_9 step %scan3A_10  : i32 {
      %mul3A_27 = arith.constant 128 : i32
      %mul3A_28 = arith.muli %scan3A_26, %mul3A_27 : i32
      %dma_start3A = arith.constant 0 : i32
      %dma_start3A_29 = tpu.memref_slice %arg7[%mul3A_28, %dma_start3A] : memref<5120x16xf32, #tpu.memory_space<vmem>> -> memref<128x16xf32, #tpu.memory_space<vmem>>
      %dma_start3A_30 = arith.constant 0 : i32
      %dma_start3A_31 = tpu.memref_slice %arg6[%scan3A_26, %dma_start3A_30] : memref<40x128xi32, #tpu.memory_space<vmem>> -> memref<1x128xi32, #tpu.memory_space<vmem>>
      %dma_start3A_32 = tpu.memref_squeeze %dma_start3A_31 : memref<1x128xi32, #tpu.memory_space<vmem>> -> memref<128xi32, #tpu.memory_space<vmem>>
      %dma_start3A_33 = arith.constant 0 : i32
      %dma_start3A_34 = arith.constant 0 : i32
      %dma_start3A_35 = tpu.memref_slice %arg8[%dma_start3A_33, %dma_start3A_34] : memref<10240x16xf32, #tpu.memory_space<vmem_shared>> -> memref<10240x16xf32, #tpu.memory_space<vmem_shared>>
      tpu.enqueue_indirect_dma source(%dma_start3A_29 : memref<128x16xf32, #tpu.memory_space<vmem>>) target(%dma_start3A_35 : memref<10240x16xf32, #tpu.memory_space<vmem_shared>>) offsets(%dma_start3A_32 : memref<128xi32, #tpu.memory_space<vmem>>) semaphore(%arg9 : memref<!tpu.dma_semaphore, #tpu.memory_space<semaphore_mem>>) {add = true}
    }
    %scan3A_11 = arith.constant 40 : i32
    %scan3A_12 = arith.constant 0 : i32
    %scan3A_13 = arith.constant 0 : i32
    %scan3A_14 = arith.constant 40 : i32
    %scan3A_15 = arith.addi %scan3A_13, %scan3A_14 : i32
    %scan3A_16 = arith.constant 1 : i32
    scf.for %scan3A_26 = %scan3A_13 to %scan3A_15 step %scan3A_16  : i32 {
      %mul3A_27 = arith.constant 128 : i32
      %mul3A_28 = arith.muli %scan3A_26, %mul3A_27 : i32
      %dma_wait3A = arith.constant 0 : i32
      %dma_wait3A_29 = tpu.memref_slice %arg7[%mul3A_28, %dma_wait3A] : memref<5120x16xf32, #tpu.memory_space<vmem>> -> memref<128x16xf32, #tpu.memory_space<vmem>>
      %dma_wait3A_30 = arith.constant 0 : i32
      %dma_wait3A_31 = tpu.memref_slice %arg6[%scan3A_26, %dma_wait3A_30] : memref<40x128xi32, #tpu.memory_space<vmem>> -> memref<1x128xi32, #tpu.memory_space<vmem>>
      %dma_wait3A_32 = tpu.memref_squeeze %dma_wait3A_31 : memref<1x128xi32, #tpu.memory_space<vmem>> -> memref<128xi32, #tpu.memory_space<vmem>>
      %dma_wait3A_33 = arith.constant 0 : i32
      %dma_wait3A_34 = arith.constant 0 : i32
      %dma_wait3A_35 = tpu.memref_slice %arg8[%dma_wait3A_33, %dma_wait3A_34] : memref<10240x16xf32, #tpu.memory_space<vmem_shared>> -> memref<10240x16xf32, #tpu.memory_space<vmem_shared>>
      tpu.wait_indirect_dma semaphore(%arg9 : memref<!tpu.dma_semaphore, #tpu.memory_space<semaphore_mem>>) src(%dma_wait3A_29 : memref<128x16xf32, #tpu.memory_space<vmem>>) dst(%dma_wait3A_35 : memref<10240x16xf32, #tpu.memory_space<vmem_shared>>)
    }
    %scan3A_17 = arith.constant 40 : i32
    %barrier3A_18 = arith.constant 0 : index
    tpu.barrier barrier_id(%barrier3A_18)
    %mul3A_19 = arith.constant 640 : i32
    %mul3A_20 = arith.muli %arg1, %mul3A_19 : i32
    %mul3A_21 = arith.constant 10240 : i32
    %mul3A_22 = arith.muli %arg0, %mul3A_21 : i32
    %mul3A_23 = arith.constant 640 : i32
    %mul3A_24 = arith.muli %arg1, %mul3A_23 : i32
    %add3A_25 = arith.addi %mul3A_22, %mul3A_24 : i32
    "tpu.region"() ({
      %run_scoped3A = tpu.sem_alloc : memref<!tpu.dma_semaphore, #tpu.memory_space<semaphore_mem>>
      %dma_start3A = arith.constant 0 : i32
      %dma_start3A_26 = tpu.memref_slice %arg5[%add3A_25, %dma_start3A] : memref<20480x16xf32, #tpu.memory_space<hbm>> -> memref<640x16xf32, #tpu.memory_space<hbm>>
      %dma_start3A_27 = arith.constant 0 : i32
      %dma_start3A_28 = tpu.memref_slice %arg8[%mul3A_20, %dma_start3A_27] : memref<10240x16xf32, #tpu.memory_space<vmem_shared>> -> memref<640x16xf32, #tpu.memory_space<vmem_shared>>
      tpu.enqueue_dma source(%dma_start3A_28 : memref<640x16xf32, #tpu.memory_space<vmem_shared>>) target(%dma_start3A_26 : memref<640x16xf32, #tpu.memory_space<hbm>>) target_semaphore(%run_scoped3A : memref<!tpu.dma_semaphore, #tpu.memory_space<semaphore_mem>>)
      %dma_wait3A = arith.constant 0 : i32
      %dma_wait3A_29 = tpu.memref_slice %arg5[%add3A_25, %dma_wait3A] : memref<20480x16xf32, #tpu.memory_space<hbm>> -> memref<640x16xf32, #tpu.memory_space<hbm>>
      %dma_wait3A_30 = arith.constant 0 : i32
      %dma_wait3A_31 = tpu.memref_slice %arg8[%mul3A_20, %dma_wait3A_30] : memref<10240x16xf32, #tpu.memory_space<vmem_shared>> -> memref<640x16xf32, #tpu.memory_space<vmem_shared>>
      tpu.wait_dma2 semaphore(%run_scoped3A : memref<!tpu.dma_semaphore, #tpu.memory_space<semaphore_mem>>) src(%dma_wait3A_31 : memref<640x16xf32, #tpu.memory_space<vmem_shared>>) dst(%dma_wait3A_29 : memref<640x16xf32, #tpu.memory_space<hbm>>)
      tpu.yield
    }) : () -> ()
    return
  }
}

#map = affine_map<(d0, d1) -> (0, 0)>
#map1 = affine_map<(d0, d1) -> (0, 0, 0)>
module attributes {stable_mosaic.version = 14 : i64} {
  func.func @sc_gather(%arg0: i32, %arg1: i32, %arg2: memref<10000x16xf32, #tpu.memory_space<hbm>>, %arg3: memref<32x40x128xi32, #tpu.memory_space<hbm>>, %arg4: memref<32x40x128xi32, #tpu.memory_space<hbm>>, %arg5: memref<163840x16xf32, #tpu.memory_space<hbm>>, %arg6: memref<163840x16xf32, #tpu.memory_space<hbm>>, %arg7: memref<40x128xi32, #tpu.memory_space<vmem>>, %arg8: memref<5120x16xf32, #tpu.memory_space<vmem>>, %arg9: memref<!tpu.dma_semaphore, #tpu.memory_space<semaphore_mem>>) attributes {dimension_semantics = [#tpu.dimension_semantics<core_parallel>, #tpu.dimension_semantics<subcore_parallel>], iteration_bounds = array<i64: 2, 16>, scalar_prefetch = 0 : i64, scratch_operands = 3 : i64, tpu.core_type = #tpu.core_type<sc_vector_subcore>, window_params = [{transform_indices = #map}, {transform_indices = #map1}, {transform_indices = #map1}, {transform_indices = #map}, {transform_indices = #map}]} {
    %mul3A = arith.constant 2 : i32
    %mul3A_0 = arith.muli %arg1, %mul3A : i32
    %add3A = arith.addi %mul3A_0, %arg0 : i32
    "tpu.region"() ({
      %run_scoped3A = tpu.sem_alloc : memref<!tpu.dma_semaphore, #tpu.memory_space<semaphore_mem>>
      %dma_start3A = arith.constant 0 : i32
      %dma_start3A_28 = arith.constant 0 : i32
      %dma_start3A_29 = tpu.memref_slice %arg3[%add3A, %dma_start3A, %dma_start3A_28] : memref<32x40x128xi32, #tpu.memory_space<hbm>> -> memref<1x40x128xi32, #tpu.memory_space<hbm>>
      %dma_start3A_30 = tpu.memref_squeeze %dma_start3A_29 : memref<1x40x128xi32, #tpu.memory_space<hbm>> -> memref<40x128xi32, #tpu.memory_space<hbm>>
      %dma_start3A_31 = arith.constant 0 : i32
      %dma_start3A_32 = arith.constant 0 : i32
      %dma_start3A_33 = tpu.memref_slice %arg3[%add3A, %dma_start3A_31, %dma_start3A_32] : memref<32x40x128xi32, #tpu.memory_space<hbm>> -> memref<1x40x128xi32, #tpu.memory_space<hbm>>
      %dma_start3A_34 = tpu.memref_squeeze %dma_start3A_33 : memref<1x40x128xi32, #tpu.memory_space<hbm>> -> memref<40x128xi32, #tpu.memory_space<hbm>>
      tpu.enqueue_dma source(%dma_start3A_34 : memref<40x128xi32, #tpu.memory_space<hbm>>) target(%arg7 : memref<40x128xi32, #tpu.memory_space<vmem>>) target_semaphore(%run_scoped3A : memref<!tpu.dma_semaphore, #tpu.memory_space<semaphore_mem>>)
      %dma_wait3A = arith.constant 0 : i32
      %dma_wait3A_35 = arith.constant 0 : i32
      %dma_wait3A_36 = tpu.memref_slice %arg3[%add3A, %dma_wait3A, %dma_wait3A_35] : memref<32x40x128xi32, #tpu.memory_space<hbm>> -> memref<1x40x128xi32, #tpu.memory_space<hbm>>
      %dma_wait3A_37 = tpu.memref_squeeze %dma_wait3A_36 : memref<1x40x128xi32, #tpu.memory_space<hbm>> -> memref<40x128xi32, #tpu.memory_space<hbm>>
      %dma_wait3A_38 = arith.constant 0 : i32
      %dma_wait3A_39 = arith.constant 0 : i32
      %dma_wait3A_40 = tpu.memref_slice %arg3[%add3A, %dma_wait3A_38, %dma_wait3A_39] : memref<32x40x128xi32, #tpu.memory_space<hbm>> -> memref<1x40x128xi32, #tpu.memory_space<hbm>>
      %dma_wait3A_41 = tpu.memref_squeeze %dma_wait3A_40 : memref<1x40x128xi32, #tpu.memory_space<hbm>> -> memref<40x128xi32, #tpu.memory_space<hbm>>
      tpu.wait_dma2 semaphore(%run_scoped3A : memref<!tpu.dma_semaphore, #tpu.memory_space<semaphore_mem>>) src(%dma_wait3A_41 : memref<40x128xi32, #tpu.memory_space<hbm>>) dst(%arg7 : memref<40x128xi32, #tpu.memory_space<vmem>>)
      tpu.yield
    }) : () -> ()
    %scan3A = arith.constant 0 : i32
    %scan3A_1 = arith.constant 0 : i32
    %scan3A_2 = arith.constant 40 : i32
    %scan3A_3 = arith.addi %scan3A_1, %scan3A_2 : i32
    %scan3A_4 = arith.constant 1 : i32
    scf.for %scan3A_28 = %scan3A_1 to %scan3A_3 step %scan3A_4  : i32 {
      %mul3A_29 = arith.constant 128 : i32
      %mul3A_30 = arith.muli %scan3A_28, %mul3A_29 : i32
      %dma_start3A = arith.constant 0 : i32
      %dma_start3A_31 = tpu.memref_slice %arg8[%mul3A_30, %dma_start3A] : memref<5120x16xf32, #tpu.memory_space<vmem>> -> memref<128x16xf32, #tpu.memory_space<vmem>>
      %dma_start3A_32 = arith.constant 0 : i32
      %dma_start3A_33 = tpu.memref_slice %arg7[%scan3A_28, %dma_start3A_32] : memref<40x128xi32, #tpu.memory_space<vmem>> -> memref<1x128xi32, #tpu.memory_space<vmem>>
      %dma_start3A_34 = tpu.memref_squeeze %dma_start3A_33 : memref<1x128xi32, #tpu.memory_space<vmem>> -> memref<128xi32, #tpu.memory_space<vmem>>
      %dma_start3A_35 = arith.constant 0 : i32
      %dma_start3A_36 = arith.constant 0 : i32
      %dma_start3A_37 = tpu.memref_slice %arg2[%dma_start3A_35, %dma_start3A_36] : memref<10000x16xf32, #tpu.memory_space<hbm>> -> memref<10000x16xf32, #tpu.memory_space<hbm>>
      tpu.enqueue_indirect_dma source(%dma_start3A_37 : memref<10000x16xf32, #tpu.memory_space<hbm>>) target(%dma_start3A_31 : memref<128x16xf32, #tpu.memory_space<vmem>>) offsets(%dma_start3A_34 : memref<128xi32, #tpu.memory_space<vmem>>) semaphore(%arg9 : memref<!tpu.dma_semaphore, #tpu.memory_space<semaphore_mem>>)
    }
    %scan3A_5 = arith.constant 40 : i32
    %scan3A_6 = arith.constant 0 : i32
    %scan3A_7 = arith.constant 0 : i32
    %scan3A_8 = arith.constant 40 : i32
    %scan3A_9 = arith.addi %scan3A_7, %scan3A_8 : i32
    %scan3A_10 = arith.constant 1 : i32
    scf.for %scan3A_28 = %scan3A_7 to %scan3A_9 step %scan3A_10  : i32 {
      %mul3A_29 = arith.constant 128 : i32
      %mul3A_30 = arith.muli %scan3A_28, %mul3A_29 : i32
      %dma_wait3A = arith.constant 0 : i32
      %dma_wait3A_31 = tpu.memref_slice %arg8[%mul3A_30, %dma_wait3A] : memref<5120x16xf32, #tpu.memory_space<vmem>> -> memref<128x16xf32, #tpu.memory_space<vmem>>
      %dma_wait3A_32 = arith.constant 0 : i32
      %dma_wait3A_33 = tpu.memref_slice %arg7[%scan3A_28, %dma_wait3A_32] : memref<40x128xi32, #tpu.memory_space<vmem>> -> memref<1x128xi32, #tpu.memory_space<vmem>>
      %dma_wait3A_34 = tpu.memref_squeeze %dma_wait3A_33 : memref<1x128xi32, #tpu.memory_space<vmem>> -> memref<128xi32, #tpu.memory_space<vmem>>
      %dma_wait3A_35 = arith.constant 0 : i32
      %dma_wait3A_36 = arith.constant 0 : i32
      %dma_wait3A_37 = tpu.memref_slice %arg2[%dma_wait3A_35, %dma_wait3A_36] : memref<10000x16xf32, #tpu.memory_space<hbm>> -> memref<10000x16xf32, #tpu.memory_space<hbm>>
      tpu.wait_indirect_dma semaphore(%arg9 : memref<!tpu.dma_semaphore, #tpu.memory_space<semaphore_mem>>) src(%dma_wait3A_37 : memref<10000x16xf32, #tpu.memory_space<hbm>>) dst(%dma_wait3A_31 : memref<128x16xf32, #tpu.memory_space<vmem>>)
    }
    %scan3A_11 = arith.constant 40 : i32
    %mul3A_12 = arith.constant 5120 : i32
    %mul3A_13 = arith.muli %add3A, %mul3A_12 : i32
    "tpu.region"() ({
      %run_scoped3A = tpu.sem_alloc : memref<!tpu.dma_semaphore, #tpu.memory_space<semaphore_mem>>
      %dma_start3A = arith.constant 0 : i32
      %dma_start3A_28 = tpu.memref_slice %arg5[%mul3A_13, %dma_start3A] : memref<163840x16xf32, #tpu.memory_space<hbm>> -> memref<5120x16xf32, #tpu.memory_space<hbm>>
      %dma_start3A_29 = arith.constant 0 : i32
      %dma_start3A_30 = tpu.memref_slice %arg5[%mul3A_13, %dma_start3A_29] : memref<163840x16xf32, #tpu.memory_space<hbm>> -> memref<5120x16xf32, #tpu.memory_space<hbm>>
      tpu.enqueue_dma source(%arg8 : memref<5120x16xf32, #tpu.memory_space<vmem>>) target(%dma_start3A_30 : memref<5120x16xf32, #tpu.memory_space<hbm>>) target_semaphore(%run_scoped3A : memref<!tpu.dma_semaphore, #tpu.memory_space<semaphore_mem>>)
      %dma_wait3A = arith.constant 0 : i32
      %dma_wait3A_31 = tpu.memref_slice %arg5[%mul3A_13, %dma_wait3A] : memref<163840x16xf32, #tpu.memory_space<hbm>> -> memref<5120x16xf32, #tpu.memory_space<hbm>>
      %dma_wait3A_32 = arith.constant 0 : i32
      %dma_wait3A_33 = tpu.memref_slice %arg5[%mul3A_13, %dma_wait3A_32] : memref<163840x16xf32, #tpu.memory_space<hbm>> -> memref<5120x16xf32, #tpu.memory_space<hbm>>
      tpu.wait_dma2 semaphore(%run_scoped3A : memref<!tpu.dma_semaphore, #tpu.memory_space<semaphore_mem>>) src(%arg8 : memref<5120x16xf32, #tpu.memory_space<vmem>>) dst(%dma_wait3A_33 : memref<5120x16xf32, #tpu.memory_space<hbm>>)
      tpu.yield
    }) : () -> ()
    "tpu.region"() ({
      %run_scoped3A = tpu.sem_alloc : memref<!tpu.dma_semaphore, #tpu.memory_space<semaphore_mem>>
      %dma_start3A = arith.constant 0 : i32
      %dma_start3A_28 = arith.constant 0 : i32
      %dma_start3A_29 = tpu.memref_slice %arg4[%add3A, %dma_start3A, %dma_start3A_28] : memref<32x40x128xi32, #tpu.memory_space<hbm>> -> memref<1x40x128xi32, #tpu.memory_space<hbm>>
      %dma_start3A_30 = tpu.memref_squeeze %dma_start3A_29 : memref<1x40x128xi32, #tpu.memory_space<hbm>> -> memref<40x128xi32, #tpu.memory_space<hbm>>
      %dma_start3A_31 = arith.constant 0 : i32
      %dma_start3A_32 = arith.constant 0 : i32
      %dma_start3A_33 = tpu.memref_slice %arg4[%add3A, %dma_start3A_31, %dma_start3A_32] : memref<32x40x128xi32, #tpu.memory_space<hbm>> -> memref<1x40x128xi32, #tpu.memory_space<hbm>>
      %dma_start3A_34 = tpu.memref_squeeze %dma_start3A_33 : memref<1x40x128xi32, #tpu.memory_space<hbm>> -> memref<40x128xi32, #tpu.memory_space<hbm>>
      tpu.enqueue_dma source(%dma_start3A_34 : memref<40x128xi32, #tpu.memory_space<hbm>>) target(%arg7 : memref<40x128xi32, #tpu.memory_space<vmem>>) target_semaphore(%run_scoped3A : memref<!tpu.dma_semaphore, #tpu.memory_space<semaphore_mem>>)
      %dma_wait3A = arith.constant 0 : i32
      %dma_wait3A_35 = arith.constant 0 : i32
      %dma_wait3A_36 = tpu.memref_slice %arg4[%add3A, %dma_wait3A, %dma_wait3A_35] : memref<32x40x128xi32, #tpu.memory_space<hbm>> -> memref<1x40x128xi32, #tpu.memory_space<hbm>>
      %dma_wait3A_37 = tpu.memref_squeeze %dma_wait3A_36 : memref<1x40x128xi32, #tpu.memory_space<hbm>> -> memref<40x128xi32, #tpu.memory_space<hbm>>
      %dma_wait3A_38 = arith.constant 0 : i32
      %dma_wait3A_39 = arith.constant 0 : i32
      %dma_wait3A_40 = tpu.memref_slice %arg4[%add3A, %dma_wait3A_38, %dma_wait3A_39] : memref<32x40x128xi32, #tpu.memory_space<hbm>> -> memref<1x40x128xi32, #tpu.memory_space<hbm>>
      %dma_wait3A_41 = tpu.memref_squeeze %dma_wait3A_40 : memref<1x40x128xi32, #tpu.memory_space<hbm>> -> memref<40x128xi32, #tpu.memory_space<hbm>>
      tpu.wait_dma2 semaphore(%run_scoped3A : memref<!tpu.dma_semaphore, #tpu.memory_space<semaphore_mem>>) src(%dma_wait3A_41 : memref<40x128xi32, #tpu.memory_space<hbm>>) dst(%arg7 : memref<40x128xi32, #tpu.memory_space<vmem>>)
      tpu.yield
    }) : () -> ()
    %scan3A_14 = arith.constant 0 : i32
    %scan3A_15 = arith.constant 0 : i32
    %scan3A_16 = arith.constant 40 : i32
    %scan3A_17 = arith.addi %scan3A_15, %scan3A_16 : i32
    %scan3A_18 = arith.constant 1 : i32
    scf.for %scan3A_28 = %scan3A_15 to %scan3A_17 step %scan3A_18  : i32 {
      %mul3A_29 = arith.constant 128 : i32
      %mul3A_30 = arith.muli %scan3A_28, %mul3A_29 : i32
      %dma_start3A = arith.constant 0 : i32
      %dma_start3A_31 = tpu.memref_slice %arg8[%mul3A_30, %dma_start3A] : memref<5120x16xf32, #tpu.memory_space<vmem>> -> memref<128x16xf32, #tpu.memory_space<vmem>>
      %dma_start3A_32 = arith.constant 0 : i32
      %dma_start3A_33 = tpu.memref_slice %arg7[%scan3A_28, %dma_start3A_32] : memref<40x128xi32, #tpu.memory_space<vmem>> -> memref<1x128xi32, #tpu.memory_space<vmem>>
      %dma_start3A_34 = tpu.memref_squeeze %dma_start3A_33 : memref<1x128xi32, #tpu.memory_space<vmem>> -> memref<128xi32, #tpu.memory_space<vmem>>
      %dma_start3A_35 = arith.constant 0 : i32
      %dma_start3A_36 = arith.constant 0 : i32
      %dma_start3A_37 = tpu.memref_slice %arg2[%dma_start3A_35, %dma_start3A_36] : memref<10000x16xf32, #tpu.memory_space<hbm>> -> memref<10000x16xf32, #tpu.memory_space<hbm>>
      tpu.enqueue_indirect_dma source(%dma_start3A_37 : memref<10000x16xf32, #tpu.memory_space<hbm>>) target(%dma_start3A_31 : memref<128x16xf32, #tpu.memory_space<vmem>>) offsets(%dma_start3A_34 : memref<128xi32, #tpu.memory_space<vmem>>) semaphore(%arg9 : memref<!tpu.dma_semaphore, #tpu.memory_space<semaphore_mem>>)
    }
    %scan3A_19 = arith.constant 40 : i32
    %scan3A_20 = arith.constant 0 : i32
    %scan3A_21 = arith.constant 0 : i32
    %scan3A_22 = arith.constant 40 : i32
    %scan3A_23 = arith.addi %scan3A_21, %scan3A_22 : i32
    %scan3A_24 = arith.constant 1 : i32
    scf.for %scan3A_28 = %scan3A_21 to %scan3A_23 step %scan3A_24  : i32 {
      %mul3A_29 = arith.constant 128 : i32
      %mul3A_30 = arith.muli %scan3A_28, %mul3A_29 : i32
      %dma_wait3A = arith.constant 0 : i32
      %dma_wait3A_31 = tpu.memref_slice %arg8[%mul3A_30, %dma_wait3A] : memref<5120x16xf32, #tpu.memory_space<vmem>> -> memref<128x16xf32, #tpu.memory_space<vmem>>
      %dma_wait3A_32 = arith.constant 0 : i32
      %dma_wait3A_33 = tpu.memref_slice %arg7[%scan3A_28, %dma_wait3A_32] : memref<40x128xi32, #tpu.memory_space<vmem>> -> memref<1x128xi32, #tpu.memory_space<vmem>>
      %dma_wait3A_34 = tpu.memref_squeeze %dma_wait3A_33 : memref<1x128xi32, #tpu.memory_space<vmem>> -> memref<128xi32, #tpu.memory_space<vmem>>
      %dma_wait3A_35 = arith.constant 0 : i32
      %dma_wait3A_36 = arith.constant 0 : i32
      %dma_wait3A_37 = tpu.memref_slice %arg2[%dma_wait3A_35, %dma_wait3A_36] : memref<10000x16xf32, #tpu.memory_space<hbm>> -> memref<10000x16xf32, #tpu.memory_space<hbm>>
      tpu.wait_indirect_dma semaphore(%arg9 : memref<!tpu.dma_semaphore, #tpu.memory_space<semaphore_mem>>) src(%dma_wait3A_37 : memref<10000x16xf32, #tpu.memory_space<hbm>>) dst(%dma_wait3A_31 : memref<128x16xf32, #tpu.memory_space<vmem>>)
    }
    %scan3A_25 = arith.constant 40 : i32
    %mul3A_26 = arith.constant 5120 : i32
    %mul3A_27 = arith.muli %add3A, %mul3A_26 : i32
    "tpu.region"() ({
      %run_scoped3A = tpu.sem_alloc : memref<!tpu.dma_semaphore, #tpu.memory_space<semaphore_mem>>
      %dma_start3A = arith.constant 0 : i32
      %dma_start3A_28 = tpu.memref_slice %arg6[%mul3A_27, %dma_start3A] : memref<163840x16xf32, #tpu.memory_space<hbm>> -> memref<5120x16xf32, #tpu.memory_space<hbm>>
      %dma_start3A_29 = arith.constant 0 : i32
      %dma_start3A_30 = tpu.memref_slice %arg6[%mul3A_27, %dma_start3A_29] : memref<163840x16xf32, #tpu.memory_space<hbm>> -> memref<5120x16xf32, #tpu.memory_space<hbm>>
      tpu.enqueue_dma source(%arg8 : memref<5120x16xf32, #tpu.memory_space<vmem>>) target(%dma_start3A_30 : memref<5120x16xf32, #tpu.memory_space<hbm>>) target_semaphore(%run_scoped3A : memref<!tpu.dma_semaphore, #tpu.memory_space<semaphore_mem>>)
      %dma_wait3A = arith.constant 0 : i32
      %dma_wait3A_31 = tpu.memref_slice %arg6[%mul3A_27, %dma_wait3A] : memref<163840x16xf32, #tpu.memory_space<hbm>> -> memref<5120x16xf32, #tpu.memory_space<hbm>>
      %dma_wait3A_32 = arith.constant 0 : i32
      %dma_wait3A_33 = tpu.memref_slice %arg6[%mul3A_27, %dma_wait3A_32] : memref<163840x16xf32, #tpu.memory_space<hbm>> -> memref<5120x16xf32, #tpu.memory_space<hbm>>
      tpu.wait_dma2 semaphore(%run_scoped3A : memref<!tpu.dma_semaphore, #tpu.memory_space<semaphore_mem>>) src(%arg8 : memref<5120x16xf32, #tpu.memory_space<vmem>>) dst(%dma_wait3A_33 : memref<5120x16xf32, #tpu.memory_space<hbm>>)
      tpu.yield
    }) : () -> ()
    return
  }
}

#map = affine_map<(d0, d1) -> (0, 0)>
#map1 = affine_map<(d0, d1) -> (0, 0, 0)>
module attributes {stable_mosaic.version = 14 : i64} {
  func.func @sc_scatter(%arg0: i32, %arg1: i32, %arg2: memref<163840x16xf32, #tpu.memory_space<hbm>>, %arg3: memref<32x40x128xi32, #tpu.memory_space<hbm>>, %arg4: memref<10240x16xf32, #tpu.memory_space<hbm>>, %arg5: memref<20480x16xf32, #tpu.memory_space<hbm>>, %arg6: memref<40x128xi32, #tpu.memory_space<vmem>>, %arg7: memref<5120x16xf32, #tpu.memory_space<vmem>>, %arg8: memref<10240x16xf32, #tpu.memory_space<vmem_shared>>, %arg9: memref<!tpu.dma_semaphore, #tpu.memory_space<semaphore_mem>>) attributes {dimension_semantics = [#tpu.dimension_semantics<core_parallel>, #tpu.dimension_semantics<subcore_parallel>], iteration_bounds = array<i64: 2, 16>, scalar_prefetch = 0 : i64, scratch_operands = 4 : i64, tpu.core_type = #tpu.core_type<sc_vector_subcore>, window_params = [{transform_indices = #map}, {transform_indices = #map1}, {transform_indices = #map}, {transform_indices = #map}]} {
    %mul3A = arith.constant 2 : i32
    %mul3A_0 = arith.muli %arg1, %mul3A : i32
    %add3A = arith.addi %mul3A_0, %arg0 : i32
    %mul3A_1 = arith.constant 640 : i32
    %mul3A_2 = arith.muli %arg1, %mul3A_1 : i32
    %mul3A_3 = arith.constant 640 : i32
    %mul3A_4 = arith.muli %arg1, %mul3A_3 : i32
    "tpu.region"() ({
      %run_scoped3A = tpu.sem_alloc : memref<!tpu.dma_semaphore, #tpu.memory_space<semaphore_mem>>
      %dma_start3A = arith.constant 0 : i32
      %dma_start3A_26 = tpu.memref_slice %arg8[%mul3A_4, %dma_start3A] : memref<10240x16xf32, #tpu.memory_space<vmem_shared>> -> memref<640x16xf32, #tpu.memory_space<vmem_shared>>
      %dma_start3A_27 = arith.constant 0 : i32
      %dma_start3A_28 = tpu.memref_slice %arg4[%mul3A_2, %dma_start3A_27] : memref<10240x16xf32, #tpu.memory_space<hbm>> -> memref<640x16xf32, #tpu.memory_space<hbm>>
      tpu.enqueue_dma source(%dma_start3A_28 : memref<640x16xf32, #tpu.memory_space<hbm>>) target(%dma_start3A_26 : memref<640x16xf32, #tpu.memory_space<vmem_shared>>) target_semaphore(%run_scoped3A : memref<!tpu.dma_semaphore, #tpu.memory_space<semaphore_mem>>)
      %dma_wait3A = arith.constant 0 : i32
      %dma_wait3A_29 = tpu.memref_slice %arg8[%mul3A_4, %dma_wait3A] : memref<10240x16xf32, #tpu.memory_space<vmem_shared>> -> memref<640x16xf32, #tpu.memory_space<vmem_shared>>
      %dma_wait3A_30 = arith.constant 0 : i32
      %dma_wait3A_31 = tpu.memref_slice %arg4[%mul3A_2, %dma_wait3A_30] : memref<10240x16xf32, #tpu.memory_space<hbm>> -> memref<640x16xf32, #tpu.memory_space<hbm>>
      tpu.wait_dma2 semaphore(%run_scoped3A : memref<!tpu.dma_semaphore, #tpu.memory_space<semaphore_mem>>) src(%dma_wait3A_31 : memref<640x16xf32, #tpu.memory_space<hbm>>) dst(%dma_wait3A_29 : memref<640x16xf32, #tpu.memory_space<vmem_shared>>)
      tpu.yield
    }) : () -> ()
    %barrier3A = arith.constant 0 : index
    tpu.barrier barrier_id(%barrier3A)
    "tpu.region"() ({
      %run_scoped3A = tpu.sem_alloc : memref<!tpu.dma_semaphore, #tpu.memory_space<semaphore_mem>>
      %dma_start3A = arith.constant 0 : i32
      %dma_start3A_26 = arith.constant 0 : i32
      %dma_start3A_27 = tpu.memref_slice %arg3[%add3A, %dma_start3A, %dma_start3A_26] : memref<32x40x128xi32, #tpu.memory_space<hbm>> -> memref<1x40x128xi32, #tpu.memory_space<hbm>>
      %dma_start3A_28 = tpu.memref_squeeze %dma_start3A_27 : memref<1x40x128xi32, #tpu.memory_space<hbm>> -> memref<40x128xi32, #tpu.memory_space<hbm>>
      %dma_start3A_29 = arith.constant 0 : i32
      %dma_start3A_30 = arith.constant 0 : i32
      %dma_start3A_31 = tpu.memref_slice %arg3[%add3A, %dma_start3A_29, %dma_start3A_30] : memref<32x40x128xi32, #tpu.memory_space<hbm>> -> memref<1x40x128xi32, #tpu.memory_space<hbm>>
      %dma_start3A_32 = tpu.memref_squeeze %dma_start3A_31 : memref<1x40x128xi32, #tpu.memory_space<hbm>> -> memref<40x128xi32, #tpu.memory_space<hbm>>
      tpu.enqueue_dma source(%dma_start3A_32 : memref<40x128xi32, #tpu.memory_space<hbm>>) target(%arg6 : memref<40x128xi32, #tpu.memory_space<vmem>>) target_semaphore(%run_scoped3A : memref<!tpu.dma_semaphore, #tpu.memory_space<semaphore_mem>>)
      %dma_wait3A = arith.constant 0 : i32
      %dma_wait3A_33 = arith.constant 0 : i32
      %dma_wait3A_34 = tpu.memref_slice %arg3[%add3A, %dma_wait3A, %dma_wait3A_33] : memref<32x40x128xi32, #tpu.memory_space<hbm>> -> memref<1x40x128xi32, #tpu.memory_space<hbm>>
      %dma_wait3A_35 = tpu.memref_squeeze %dma_wait3A_34 : memref<1x40x128xi32, #tpu.memory_space<hbm>> -> memref<40x128xi32, #tpu.memory_space<hbm>>
      %dma_wait3A_36 = arith.constant 0 : i32
      %dma_wait3A_37 = arith.constant 0 : i32
      %dma_wait3A_38 = tpu.memref_slice %arg3[%add3A, %dma_wait3A_36, %dma_wait3A_37] : memref<32x40x128xi32, #tpu.memory_space<hbm>> -> memref<1x40x128xi32, #tpu.memory_space<hbm>>
      %dma_wait3A_39 = tpu.memref_squeeze %dma_wait3A_38 : memref<1x40x128xi32, #tpu.memory_space<hbm>> -> memref<40x128xi32, #tpu.memory_space<hbm>>
      tpu.wait_dma2 semaphore(%run_scoped3A : memref<!tpu.dma_semaphore, #tpu.memory_space<semaphore_mem>>) src(%dma_wait3A_39 : memref<40x128xi32, #tpu.memory_space<hbm>>) dst(%arg6 : memref<40x128xi32, #tpu.memory_space<vmem>>)
      tpu.yield
    }) : () -> ()
    %mul3A_5 = arith.constant 5120 : i32
    %mul3A_6 = arith.muli %add3A, %mul3A_5 : i32
    "tpu.region"() ({
      %run_scoped3A = tpu.sem_alloc : memref<!tpu.dma_semaphore, #tpu.memory_space<semaphore_mem>>
      %dma_start3A = arith.constant 0 : i32
      %dma_start3A_26 = tpu.memref_slice %arg2[%mul3A_6, %dma_start3A] : memref<163840x16xf32, #tpu.memory_space<hbm>> -> memref<5120x16xf32, #tpu.memory_space<hbm>>
      %dma_start3A_27 = arith.constant 0 : i32
      %dma_start3A_28 = tpu.memref_slice %arg2[%mul3A_6, %dma_start3A_27] : memref<163840x16xf32, #tpu.memory_space<hbm>> -> memref<5120x16xf32, #tpu.memory_space<hbm>>
      tpu.enqueue_dma source(%dma_start3A_28 : memref<5120x16xf32, #tpu.memory_space<hbm>>) target(%arg7 : memref<5120x16xf32, #tpu.memory_space<vmem>>) target_semaphore(%run_scoped3A : memref<!tpu.dma_semaphore, #tpu.memory_space<semaphore_mem>>)
      %dma_wait3A = arith.constant 0 : i32
      %dma_wait3A_29 = tpu.memref_slice %arg2[%mul3A_6, %dma_wait3A] : memref<163840x16xf32, #tpu.memory_space<hbm>> -> memref<5120x16xf32, #tpu.memory_space<hbm>>
      %dma_wait3A_30 = arith.constant 0 : i32
      %dma_wait3A_31 = tpu.memref_slice %arg2[%mul3A_6, %dma_wait3A_30] : memref<163840x16xf32, #tpu.memory_space<hbm>> -> memref<5120x16xf32, #tpu.memory_space<hbm>>
      tpu.wait_dma2 semaphore(%run_scoped3A : memref<!tpu.dma_semaphore, #tpu.memory_space<semaphore_mem>>) src(%dma_wait3A_31 : memref<5120x16xf32, #tpu.memory_space<hbm>>) dst(%arg7 : memref<5120x16xf32, #tpu.memory_space<vmem>>)
      tpu.yield
    }) : () -> ()
    %scan3A = arith.constant 0 : i32
    %scan3A_7 = arith.constant 0 : i32
    %scan3A_8 = arith.constant 40 : i32
    %scan3A_9 = arith.addi %scan3A_7, %scan3A_8 : i32
    %scan3A_10 = arith.constant 1 : i32
    scf.for %scan3A_26 = %scan3A_7 to %scan3A_9 step %scan3A_10  : i32 {
      %mul3A_27 = arith.constant 128 : i32
      %mul3A_28 = arith.muli %scan3A_26, %mul3A_27 : i32
      %dma_start3A = arith.constant 0 : i32
      %dma_start3A_29 = tpu.memref_slice %arg7[%mul3A_28, %dma_start3A] : memref<5120x16xf32, #tpu.memory_space<vmem>> -> memref<128x16xf32, #tpu.memory_space<vmem>>
      %dma_start3A_30 = arith.constant 0 : i32
      %dma_start3A_31 = tpu.memref_slice %arg6[%scan3A_26, %dma_start3A_30] : memref<40x128xi32, #tpu.memory_space<vmem>> -> memref<1x128xi32, #tpu.memory_space<vmem>>
      %dma_start3A_32 = tpu.memref_squeeze %dma_start3A_31 : memref<1x128xi32, #tpu.memory_space<vmem>> -> memref<128xi32, #tpu.memory_space<vmem>>
      %dma_start3A_33 = arith.constant 0 : i32
      %dma_start3A_34 = arith.constant 0 : i32
      %dma_start3A_35 = tpu.memref_slice %arg8[%dma_start3A_33, %dma_start3A_34] : memref<10240x16xf32, #tpu.memory_space<vmem_shared>> -> memref<10240x16xf32, #tpu.memory_space<vmem_shared>>
      tpu.enqueue_indirect_dma source(%dma_start3A_29 : memref<128x16xf32, #tpu.memory_space<vmem>>) target(%dma_start3A_35 : memref<10240x16xf32, #tpu.memory_space<vmem_shared>>) offsets(%dma_start3A_32 : memref<128xi32, #tpu.memory_space<vmem>>) semaphore(%arg9 : memref<!tpu.dma_semaphore, #tpu.memory_space<semaphore_mem>>) {add = true}
    }
    %scan3A_11 = arith.constant 40 : i32
    %scan3A_12 = arith.constant 0 : i32
    %scan3A_13 = arith.constant 0 : i32
    %scan3A_14 = arith.constant 40 : i32
    %scan3A_15 = arith.addi %scan3A_13, %scan3A_14 : i32
    %scan3A_16 = arith.constant 1 : i32
    scf.for %scan3A_26 = %scan3A_13 to %scan3A_15 step %scan3A_16  : i32 {
      %mul3A_27 = arith.constant 128 : i32
      %mul3A_28 = arith.muli %scan3A_26, %mul3A_27 : i32
      %dma_wait3A = arith.constant 0 : i32
      %dma_wait3A_29 = tpu.memref_slice %arg7[%mul3A_28, %dma_wait3A] : memref<5120x16xf32, #tpu.memory_space<vmem>> -> memref<128x16xf32, #tpu.memory_space<vmem>>
      %dma_wait3A_30 = arith.constant 0 : i32
      %dma_wait3A_31 = tpu.memref_slice %arg6[%scan3A_26, %dma_wait3A_30] : memref<40x128xi32, #tpu.memory_space<vmem>> -> memref<1x128xi32, #tpu.memory_space<vmem>>
      %dma_wait3A_32 = tpu.memref_squeeze %dma_wait3A_31 : memref<1x128xi32, #tpu.memory_space<vmem>> -> memref<128xi32, #tpu.memory_space<vmem>>
      %dma_wait3A_33 = arith.constant 0 : i32
      %dma_wait3A_34 = arith.constant 0 : i32
      %dma_wait3A_35 = tpu.memref_slice %arg8[%dma_wait3A_33, %dma_wait3A_34] : memref<10240x16xf32, #tpu.memory_space<vmem_shared>> -> memref<10240x16xf32, #tpu.memory_space<vmem_shared>>
      tpu.wait_indirect_dma semaphore(%arg9 : memref<!tpu.dma_semaphore, #tpu.memory_space<semaphore_mem>>) src(%dma_wait3A_29 : memref<128x16xf32, #tpu.memory_space<vmem>>) dst(%dma_wait3A_35 : memref<10240x16xf32, #tpu.memory_space<vmem_shared>>)
    }
    %scan3A_17 = arith.constant 40 : i32
    %barrier3A_18 = arith.constant 0 : index
    tpu.barrier barrier_id(%barrier3A_18)
    %mul3A_19 = arith.constant 640 : i32
    %mul3A_20 = arith.muli %arg1, %mul3A_19 : i32
    %mul3A_21 = arith.constant 10240 : i32
    %mul3A_22 = arith.muli %arg0, %mul3A_21 : i32
    %mul3A_23 = arith.constant 640 : i32
    %mul3A_24 = arith.muli %arg1, %mul3A_23 : i32
    %add3A_25 = arith.addi %mul3A_22, %mul3A_24 : i32
    "tpu.region"() ({
      %run_scoped3A = tpu.sem_alloc : memref<!tpu.dma_semaphore, #tpu.memory_space<semaphore_mem>>
      %dma_start3A = arith.constant 0 : i32
      %dma_start3A_26 = tpu.memref_slice %arg5[%add3A_25, %dma_start3A] : memref<20480x16xf32, #tpu.memory_space<hbm>> -> memref<640x16xf32, #tpu.memory_space<hbm>>
      %dma_start3A_27 = arith.constant 0 : i32
      %dma_start3A_28 = tpu.memref_slice %arg8[%mul3A_20, %dma_start3A_27] : memref<10240x16xf32, #tpu.memory_space<vmem_shared>> -> memref<640x16xf32, #tpu.memory_space<vmem_shared>>
      tpu.enqueue_dma source(%dma_start3A_28 : memref<640x16xf32, #tpu.memory_space<vmem_shared>>) target(%dma_start3A_26 : memref<640x16xf32, #tpu.memory_space<hbm>>) target_semaphore(%run_scoped3A : memref<!tpu.dma_semaphore, #tpu.memory_space<semaphore_mem>>)
      %dma_wait3A = arith.constant 0 : i32
      %dma_wait3A_29 = tpu.memref_slice %arg5[%add3A_25, %dma_wait3A] : memref<20480x16xf32, #tpu.memory_space<hbm>> -> memref<640x16xf32, #tpu.memory_space<hbm>>
      %dma_wait3A_30 = arith.constant 0 : i32
      %dma_wait3A_31 = tpu.memref_slice %arg8[%mul3A_20, %dma_wait3A_30] : memref<10240x16xf32, #tpu.memory_space<vmem_shared>> -> memref<640x16xf32, #tpu.memory_space<vmem_shared>>
      tpu.wait_dma2 semaphore(%run_scoped3A : memref<!tpu.dma_semaphore, #tpu.memory_space<semaphore_mem>>) src(%dma_wait3A_31 : memref<640x16xf32, #tpu.memory_space<vmem_shared>>) dst(%dma_wait3A_29 : memref<640x16xf32, #tpu.memory_space<hbm>>)
      tpu.yield
    }) : () -> ()
    return
  }
}

module attributes {stable_mosaic.version = 14 : i64} {
  func.func @body(%arg0: i32, %arg1: memref<2000x128xf32, #tpu.memory_space<vmem>>, %arg2: memref<128x16xf32, #tpu.memory_space<vmem>>, %arg3: memref<1x16xf32, #tpu.memory_space<vmem>>, %arg4: memref<2000x16xf32, #tpu.memory_space<vmem>>) attributes {dimension_semantics = [#tpu.dimension_semantics<arbitrary>], iteration_bounds = array<i64: 5>, scalar_prefetch = 0 : i64, scratch_operands = 0 : i64, tpu.core_type = #tpu.core_type<tc>, window_params = [{transform_indices = @transform_0, window_bounds = array<i64: 2000, 128>}, {pipeline_mode = #tpu.pipeline_mode<synchronous>, transform_indices = @transform_1, window_bounds = array<i64: 128, 16>}, {pipeline_mode = #tpu.pipeline_mode<synchronous>, transform_indices = @transform_2, window_bounds = array<i64: 1, 16>}, {transform_indices = @transform_3, window_bounds = array<i64: 2000, 16>}]} {
    %get3A = arith.constant 0 : index
    %get3A_0 = arith.constant 0 : index
    %get3A_1 = vector.load %arg1[%get3A, %get3A_0] : memref<2000x128xf32, #tpu.memory_space<vmem>>, vector<2000x128xf32>
    %get3A_2 = arith.constant 0 : index
    %get3A_3 = arith.constant 0 : index
    %get3A_4 = vector.load %arg2[%get3A_2, %get3A_3] : memref<128x16xf32, #tpu.memory_space<vmem>>, vector<128x16xf32>
    %dot_general3A = arith.constant dense<0.000000e+00> : vector<2000x16xf32>
    %dot_general3A_5 = tpu.matmul %get3A_1, %get3A_4, %dot_general3A {dimension_numbers = #tpu.dot_dimension_numbers<[1], [0], [0], [1], [0, 0, 1, 1], [], []>, transpose_lhs_hint = false} : vector<2000x128xf32>, vector<128x16xf32>, vector<2000x16xf32> -> vector<2000x16xf32>
    %get3A_6 = arith.constant 0 : index
    %get3A_7 = arith.constant 0 : index
    %get3A_8 = vector.load %arg3[%get3A_6, %get3A_7] : memref<1x16xf32, #tpu.memory_space<vmem>>, vector<1x16xf32>
    %add3A = vector.broadcast %get3A_8 : vector<1x16xf32> to vector<2000x16xf32>
    %add3A_9 = arith.addf %dot_general3A_5, %add3A : vector<2000x16xf32>
    %swap3A = arith.constant 0 : index
    %swap3A_10 = arith.constant 0 : index
    %swap3A_11 = vector.load %arg4[%swap3A, %swap3A_10] : memref<2000x16xf32, #tpu.memory_space<vmem>>, vector<2000x16xf32>
    tpu.vector_store %arg4[%swap3A, %swap3A_10], %add3A_9 {strides = array<i32>} : memref<2000x16xf32, #tpu.memory_space<vmem>>, vector<2000x16xf32>,
    return
  }
  func.func @transform_0(%arg0: i32) -> (i32, i32) {
    %c0_i32 = arith.constant 0 : i32
    %c0_i32_0 = arith.constant 0 : i32
    return %arg0, %c0_i32 : i32, i32
  }
  func.func @transform_1(%arg0: i32) -> (i32, i32) {
    %c0_i32 = arith.constant 0 : i32
    %c0_i32_0 = arith.constant 0 : i32
    %c0_i32_1 = arith.constant 0 : i32
    return %c0_i32, %c0_i32_0 : i32, i32
  }
  func.func @transform_2(%arg0: i32) -> (i32, i32) {
    %c0_i32 = arith.constant 0 : i32
    %c0_i32_0 = arith.constant 0 : i32
    %c0_i32_1 = arith.constant 0 : i32
    return %c0_i32, %c0_i32_0 : i32, i32
  }
  func.func @transform_3(%arg0: i32) -> (i32, i32) {
    %c0_i32 = arith.constant 0 : i32
    %c0_i32_0 = arith.constant 0 : i32
    return %arg0, %c0_i32 : i32, i32
  }
}

module attributes {stable_mosaic.version = 14 : i64} {
  func.func @body(%arg0: i32, %arg1: memref<16x128xf32, #tpu.memory_space<vmem>>, %arg2: memref<1x256xf32, #tpu.memory_space<vmem>>, %arg3: memref<1x256xf32, #tpu.memory_space<vmem>>, %arg4: memref<1x256xf32, #tpu.memory_space<vmem>>, %arg5: memref<64x256xbf16, #tpu.memory_space<vmem>>, %arg6: memref<1x256xf32, #tpu.memory_space<vmem>>, %arg7: memref<1x256xf32, #tpu.memory_space<vmem>>, %arg8: memref<2x64xf32, #tpu.memory_space<vmem>>, %arg9: memref<2048x64xf32, #tpu.memory_space<vmem>>) attributes {dimension_semantics = [#tpu.dimension_semantics<arbitrary>], iteration_bounds = array<i64: 80>, scalar_prefetch = 0 : i64, scratch_operands = 0 : i64, tpu.core_type = #tpu.core_type<tc>, window_params = [{transform_indices = @transform_0, window_bounds = array<i64: 16, 128>}, {pipeline_mode = #tpu.pipeline_mode<synchronous>, transform_indices = @transform_1, window_bounds = array<i64: 1, 256>}, {pipeline_mode = #tpu.pipeline_mode<synchronous>, transform_indices = @transform_2, window_bounds = array<i64: 1, 256>}, {pipeline_mode = #tpu.pipeline_mode<synchronous>, transform_indices = @transform_3, window_bounds = array<i64: 1, 256>}, {pipeline_mode = #tpu.pipeline_mode<synchronous>, transform_indices = @transform_4, window_bounds = array<i64: 64, 256>}, {pipeline_mode = #tpu.pipeline_mode<synchronous>, transform_indices = @transform_5, window_bounds = array<i64: 1, 256>}, {pipeline_mode = #tpu.pipeline_mode<synchronous>, transform_indices = @transform_6, window_bounds = array<i64: 1, 256>}, {pipeline_mode = #tpu.pipeline_mode<synchronous>, transform_indices = @transform_7, window_bounds = array<i64: 2, 64>}, {transform_indices = @transform_8, window_bounds = array<i64: 2048, 64>}]} {
    %eq3A = arith.constant 0 : i32
    %eq3A_0 = arith.cmpi eq, %arg0, %eq3A : i32
    %convert_element_type3A = arith.extui %eq3A_0 : i1 to i32
    %cond3A = arith.constant 0 : i32
    %cond3A_1 = arith.cmpi ne, %convert_element_type3A, %cond3A : i32
    scf.if %cond3A_1 {
      %broadcast_in_dim3A_180 = arith.constant 0.000000e+00 : f32
      %broadcast_in_dim3A_181 = vector.broadcast %broadcast_in_dim3A_180 : f32 to vector<2x64xf32>
      %swap3A_182 = arith.constant 0 : index
      %swap3A_183 = arith.constant 0 : index
      %swap3A_184 = vector.load %arg8[%swap3A_182, %swap3A_183] : memref<2x64xf32, #tpu.memory_space<vmem>>, vector<2x64xf32>
      tpu.vector_store %arg8[%swap3A_182, %swap3A_183], %broadcast_in_dim3A_181 {strides = array<i32>} : memref<2x64xf32, #tpu.memory_space<vmem>>, vector<2x64xf32>,
    } else {
    }
    %iota3A = tpu.iota {dimensions = array<i32: 0>} : vector<16x16xi32>
    %iota3A_2 = tpu.iota {dimensions = array<i32: 1>} : vector<16x16xi32>
    %add3A = arith.constant 0 : i32
    %add3A_3 = vector.broadcast %add3A : i32 to vector<16x16xi32>
    %add3A_4 = arith.addi %iota3A, %add3A_3 : vector<16x16xi32>
    %eq3A_5 = arith.cmpi eq, %add3A_4, %iota3A_2 : vector<16x16xi32>
    %convert_element_type3A_6 = arith.extui %eq3A_5 : vector<16x16xi1> to vector<16x16xi32>
    %convert_element_type3A_7 = arith.sitofp %convert_element_type3A_6 : vector<16x16xi32> to vector<16x16xf32>
    %get3A = arith.constant 0 : index
    %get3A_8 = arith.constant 0 : index
    %get3A_9 = vector.load %arg1[%get3A, %get3A_8] : memref<16x128xf32, #tpu.memory_space<vmem>>, vector<16x128xf32>
    %dot_general3A = arith.constant dense<0.000000e+00> : vector<128x16xf32>
    %dot_general3A_10 = tpu.matmul %get3A_9, %convert_element_type3A_7, %dot_general3A {dimension_numbers = #tpu.dot_dimension_numbers<[0], [0], [1], [1], [0, 1, 1, 1], [], []>, precision = #tpu.contract_precision<fp32>, transpose_lhs_hint = false} : vector<16x128xf32>, vector<16x16xf32>, vector<128x16xf32> -> vector<128x16xf32>
    %slice3A = vector.extract_strided_slice %dot_general3A_10 {offsets = [0, 0], sizes = [128, 1], strides = [1, 1]} : vector<128x16xf32> to vector<128x1xf32>
    %slice3A_11 = vector.extract_strided_slice %dot_general3A_10 {offsets = [0, 1], sizes = [128, 1], strides = [1, 1]} : vector<128x16xf32> to vector<128x1xf32>
    %slice3A_12 = vector.extract_strided_slice %dot_general3A_10 {offsets = [0, 2], sizes = [128, 1], strides = [1, 1]} : vector<128x16xf32> to vector<128x1xf32>
    %slice3A_13 = vector.extract_strided_slice %dot_general3A_10 {offsets = [0, 3], sizes = [128, 1], strides = [1, 1]} : vector<128x16xf32> to vector<128x1xf32>
    %slice3A_14 = vector.extract_strided_slice %dot_general3A_10 {offsets = [0, 4], sizes = [128, 1], strides = [1, 1]} : vector<128x16xf32> to vector<128x1xf32>
    %slice3A_15 = vector.extract_strided_slice %dot_general3A_10 {offsets = [0, 5], sizes = [128, 1], strides = [1, 1]} : vector<128x16xf32> to vector<128x1xf32>
    %slice3A_16 = vector.extract_strided_slice %dot_general3A_10 {offsets = [0, 6], sizes = [128, 1], strides = [1, 1]} : vector<128x16xf32> to vector<128x1xf32>
    %slice3A_17 = vector.extract_strided_slice %dot_general3A_10 {offsets = [0, 7], sizes = [128, 1], strides = [1, 1]} : vector<128x16xf32> to vector<128x1xf32>
    %slice3A_18 = vector.extract_strided_slice %dot_general3A_10 {offsets = [0, 8], sizes = [128, 1], strides = [1, 1]} : vector<128x16xf32> to vector<128x1xf32>
    %slice3A_19 = vector.extract_strided_slice %dot_general3A_10 {offsets = [0, 9], sizes = [128, 1], strides = [1, 1]} : vector<128x16xf32> to vector<128x1xf32>
    %slice3A_20 = vector.extract_strided_slice %dot_general3A_10 {offsets = [0, 10], sizes = [128, 1], strides = [1, 1]} : vector<128x16xf32> to vector<128x1xf32>
    %slice3A_21 = vector.extract_strided_slice %dot_general3A_10 {offsets = [0, 11], sizes = [128, 1], strides = [1, 1]} : vector<128x16xf32> to vector<128x1xf32>
    %slice3A_22 = vector.extract_strided_slice %dot_general3A_10 {offsets = [0, 12], sizes = [128, 1], strides = [1, 1]} : vector<128x16xf32> to vector<128x1xf32>
    %slice3A_23 = vector.extract_strided_slice %dot_general3A_10 {offsets = [0, 13], sizes = [128, 1], strides = [1, 1]} : vector<128x16xf32> to vector<128x1xf32>
    %slice3A_24 = vector.extract_strided_slice %dot_general3A_10 {offsets = [0, 14], sizes = [128, 1], strides = [1, 1]} : vector<128x16xf32> to vector<128x1xf32>
    %slice3A_25 = vector.extract_strided_slice %dot_general3A_10 {offsets = [0, 15], sizes = [128, 1], strides = [1, 1]} : vector<128x16xf32> to vector<128x1xf32>
    %concatenate3A = tpu.concatenate %slice3A, %slice3A_11, %slice3A_12, %slice3A_13, %slice3A_14, %slice3A_15, %slice3A_16, %slice3A_17, %slice3A_18, %slice3A_19, %slice3A_20, %slice3A_21, %slice3A_22, %slice3A_23, %slice3A_24, %slice3A_25 in 0 : vector<128x1xf32>, vector<128x1xf32>, vector<128x1xf32>, vector<128x1xf32>, vector<128x1xf32>, vector<128x1xf32>, vector<128x1xf32>, vector<128x1xf32>, vector<128x1xf32>, vector<128x1xf32>, vector<128x1xf32>, vector<128x1xf32>, vector<128x1xf32>, vector<128x1xf32>, vector<128x1xf32>, vector<128x1xf32> -> vector<2048x1xf32>
    %get3A_26 = arith.constant 0 : index
    %get3A_27 = arith.constant 0 : index
    %get3A_28 = vector.load %arg2[%get3A_26, %get3A_27] : memref<1x256xf32, #tpu.memory_space<vmem>>, vector<1x256xf32>
    %mul3A = vector.broadcast %concatenate3A : vector<2048x1xf32> to vector<2048x256xf32>
    %mul3A_29 = vector.broadcast %get3A_28 : vector<1x256xf32> to vector<2048x256xf32>
    %mul3A_30 = arith.mulf %mul3A, %mul3A_29 : vector<2048x256xf32>
    %get3A_31 = arith.constant 0 : index
    %get3A_32 = arith.constant 0 : index
    %get3A_33 = vector.load %arg3[%get3A_31, %get3A_32] : memref<1x256xf32, #tpu.memory_space<vmem>>, vector<1x256xf32>
    %add3A_34 = vector.broadcast %get3A_33 : vector<1x256xf32> to vector<2048x256xf32>
    %add3A_35 = arith.addf %mul3A_30, %add3A_34 : vector<2048x256xf32>
    %slice3A_36 = vector.extract_strided_slice %add3A_35 {offsets = [0, 0], sizes = [2048, 64], strides = [1, 1]} : vector<2048x256xf32> to vector<2048x64xf32>
    %slice3A_37 = vector.extract_strided_slice %add3A_35 {offsets = [0, 64], sizes = [2048, 64], strides = [1, 1]} : vector<2048x256xf32> to vector<2048x64xf32>
    %ge3A = arith.constant 0.000000e+00 : f32
    %ge3A_38 = vector.broadcast %ge3A : f32 to vector<2048x64xf32>
    %ge3A_39 = arith.cmpf oge, %slice3A_37, %ge3A_38 : vector<2048x64xf32>
    %mul3A_40 = arith.constant 1.000000e-01 : f32
    %mul3A_41 = vector.broadcast %mul3A_40 : f32 to vector<2048x64xf32>
    %mul3A_42 = arith.mulf %mul3A_41, %slice3A_37 : vector<2048x64xf32>
    %select_n3A = arith.select %ge3A_39, %slice3A_37, %mul3A_42 : vector<2048x64xi1>, vector<2048x64xf32>
    %slice3A_43 = vector.extract_strided_slice %add3A_35 {offsets = [0, 128], sizes = [2048, 64], strides = [1, 1]} : vector<2048x256xf32> to vector<2048x64xf32>
    %ge3A_44 = arith.constant 0.000000e+00 : f32
    %ge3A_45 = vector.broadcast %ge3A_44 : f32 to vector<2048x64xf32>
    %ge3A_46 = arith.cmpf oge, %slice3A_43, %ge3A_45 : vector<2048x64xf32>
    %mul3A_47 = arith.constant 1.000000e-01 : f32
    %mul3A_48 = vector.broadcast %mul3A_47 : f32 to vector<2048x64xf32>
    %mul3A_49 = arith.mulf %mul3A_48, %slice3A_43 : vector<2048x64xf32>
    %select_n3A_50 = arith.select %ge3A_46, %slice3A_43, %mul3A_49 : vector<2048x64xi1>, vector<2048x64xf32>
    %slice3A_51 = vector.extract_strided_slice %add3A_35 {offsets = [0, 192], sizes = [2048, 64], strides = [1, 1]} : vector<2048x256xf32> to vector<2048x64xf32>
    %ge3A_52 = arith.constant 0.000000e+00 : f32
    %ge3A_53 = vector.broadcast %ge3A_52 : f32 to vector<2048x64xf32>
    %ge3A_54 = arith.cmpf oge, %slice3A_51, %ge3A_53 : vector<2048x64xf32>
    %mul3A_55 = arith.constant 1.000000e-01 : f32
    %mul3A_56 = vector.broadcast %mul3A_55 : f32 to vector<2048x64xf32>
    %mul3A_57 = arith.mulf %mul3A_56, %slice3A_51 : vector<2048x64xf32>
    %select_n3A_58 = arith.select %ge3A_54, %slice3A_51, %mul3A_57 : vector<2048x64xi1>, vector<2048x64xf32>
    %get3A_59 = arith.constant 0 : index
    %get3A_60 = arith.constant 0 : index
    %get3A_61 = vector.load %arg4[%get3A_59, %get3A_60] : memref<1x256xf32, #tpu.memory_space<vmem>>, vector<1x64xf32>
    %mul3A_62 = vector.broadcast %get3A_61 : vector<1x64xf32> to vector<2048x64xf32>
    %mul3A_63 = arith.mulf %mul3A_62, %slice3A_36 : vector<2048x64xf32>
    %get3A_64 = arith.constant 0 : index
    %get3A_65 = arith.constant 64 : index
    %get3A_66 = vector.load %arg4[%get3A_64, %get3A_65] : memref<1x256xf32, #tpu.memory_space<vmem>>, vector<1x64xf32>
    %mul3A_67 = vector.broadcast %get3A_66 : vector<1x64xf32> to vector<2048x64xf32>
    %mul3A_68 = arith.mulf %mul3A_67, %select_n3A : vector<2048x64xf32>
    %add3A_69 = arith.addf %mul3A_63, %mul3A_68 : vector<2048x64xf32>
    %get3A_70 = arith.constant 0 : index
    %get3A_71 = arith.constant 128 : index
    %get3A_72 = vector.load %arg4[%get3A_70, %get3A_71] : memref<1x256xf32, #tpu.memory_space<vmem>>, vector<1x64xf32>
    %mul3A_73 = arith.mulf %select_n3A_50, %select_n3A_50 : vector<2048x64xf32>
    %mul3A_74 = vector.broadcast %get3A_72 : vector<1x64xf32> to vector<2048x64xf32>
    %mul3A_75 = arith.mulf %mul3A_74, %mul3A_73 : vector<2048x64xf32>
    %add3A_76 = arith.addf %add3A_69, %mul3A_75 : vector<2048x64xf32>
    %get3A_77 = arith.constant 0 : index
    %get3A_78 = arith.constant 192 : index
    %get3A_79 = vector.load %arg4[%get3A_77, %get3A_78] : memref<1x256xf32, #tpu.memory_space<vmem>>, vector<1x64xf32>
    %mul3A_80 = arith.mulf %select_n3A_58, %select_n3A_58 : vector<2048x64xf32>
    %mul3A_81 = arith.mulf %mul3A_80, %select_n3A_58 : vector<2048x64xf32>
    %mul3A_82 = vector.broadcast %get3A_79 : vector<1x64xf32> to vector<2048x64xf32>
    %mul3A_83 = arith.mulf %mul3A_82, %mul3A_81 : vector<2048x64xf32>
    %add3A_84 = arith.addf %add3A_76, %mul3A_83 : vector<2048x64xf32>
    %convert_element_type3A_85 = arith.truncf %add3A_84 : vector<2048x64xf32> to vector<2048x64xbf16>
    %get3A_86 = arith.constant 0 : index
    %get3A_87 = arith.constant 0 : index
    %get3A_88 = vector.load %arg5[%get3A_86, %get3A_87] : memref<64x256xbf16, #tpu.memory_space<vmem>>, vector<64x256xbf16>
    %dot_general3A_89 = arith.constant dense<0.000000e+00> : vector<2048x256xf32>
    %dot_general3A_90 = tpu.matmul %convert_element_type3A_85, %get3A_88, %dot_general3A_89 {dimension_numbers = #tpu.dot_dimension_numbers<[1], [0], [0], [1], [0, 0, 1, 1], [], []>, transpose_lhs_hint = false} : vector<2048x64xbf16>, vector<64x256xbf16>, vector<2048x256xf32> -> vector<2048x256xf32>
    %get3A_91 = arith.constant 0 : index
    %get3A_92 = arith.constant 0 : index
    %get3A_93 = vector.load %arg6[%get3A_91, %get3A_92] : memref<1x256xf32, #tpu.memory_space<vmem>>, vector<1x256xf32>
    %add3A_94 = vector.broadcast %get3A_93 : vector<1x256xf32> to vector<2048x256xf32>
    %add3A_95 = arith.addf %dot_general3A_90, %add3A_94 : vector<2048x256xf32>
    %slice3A_96 = vector.extract_strided_slice %add3A_95 {offsets = [0, 0], sizes = [2048, 64], strides = [1, 1]} : vector<2048x256xf32> to vector<2048x64xf32>
    %slice3A_97 = vector.extract_strided_slice %add3A_95 {offsets = [0, 64], sizes = [2048, 64], strides = [1, 1]} : vector<2048x256xf32> to vector<2048x64xf32>
    %ge3A_98 = arith.constant 0.000000e+00 : f32
    %ge3A_99 = vector.broadcast %ge3A_98 : f32 to vector<2048x64xf32>
    %ge3A_100 = arith.cmpf oge, %slice3A_97, %ge3A_99 : vector<2048x64xf32>
    %mul3A_101 = arith.constant 1.000000e-01 : f32
    %mul3A_102 = vector.broadcast %mul3A_101 : f32 to vector<2048x64xf32>
    %mul3A_103 = arith.mulf %mul3A_102, %slice3A_97 : vector<2048x64xf32>
    %select_n3A_104 = arith.select %ge3A_100, %slice3A_97, %mul3A_103 : vector<2048x64xi1>, vector<2048x64xf32>
    %slice3A_105 = vector.extract_strided_slice %add3A_95 {offsets = [0, 128], sizes = [2048, 64], strides = [1, 1]} : vector<2048x256xf32> to vector<2048x64xf32>
    %ge3A_106 = arith.constant 0.000000e+00 : f32
    %ge3A_107 = vector.broadcast %ge3A_106 : f32 to vector<2048x64xf32>
    %ge3A_108 = arith.cmpf oge, %slice3A_105, %ge3A_107 : vector<2048x64xf32>
    %mul3A_109 = arith.constant 1.000000e-01 : f32
    %mul3A_110 = vector.broadcast %mul3A_109 : f32 to vector<2048x64xf32>
    %mul3A_111 = arith.mulf %mul3A_110, %slice3A_105 : vector<2048x64xf32>
    %select_n3A_112 = arith.select %ge3A_108, %slice3A_105, %mul3A_111 : vector<2048x64xi1>, vector<2048x64xf32>
    %slice3A_113 = vector.extract_strided_slice %add3A_95 {offsets = [0, 192], sizes = [2048, 64], strides = [1, 1]} : vector<2048x256xf32> to vector<2048x64xf32>
    %ge3A_114 = arith.constant 0.000000e+00 : f32
    %ge3A_115 = vector.broadcast %ge3A_114 : f32 to vector<2048x64xf32>
    %ge3A_116 = arith.cmpf oge, %slice3A_113, %ge3A_115 : vector<2048x64xf32>
    %mul3A_117 = arith.constant 1.000000e-01 : f32
    %mul3A_118 = vector.broadcast %mul3A_117 : f32 to vector<2048x64xf32>
    %mul3A_119 = arith.mulf %mul3A_118, %slice3A_113 : vector<2048x64xf32>
    %select_n3A_120 = arith.select %ge3A_116, %slice3A_113, %mul3A_119 : vector<2048x64xi1>, vector<2048x64xf32>
    %get3A_121 = arith.constant 0 : index
    %get3A_122 = arith.constant 0 : index
    %get3A_123 = vector.load %arg7[%get3A_121, %get3A_122] : memref<1x256xf32, #tpu.memory_space<vmem>>, vector<1x64xf32>
    %mul3A_124 = vector.broadcast %get3A_123 : vector<1x64xf32> to vector<2048x64xf32>
    %mul3A_125 = arith.mulf %mul3A_124, %slice3A_96 : vector<2048x64xf32>
    %get3A_126 = arith.constant 0 : index
    %get3A_127 = arith.constant 64 : index
    %get3A_128 = vector.load %arg7[%get3A_126, %get3A_127] : memref<1x256xf32, #tpu.memory_space<vmem>>, vector<1x64xf32>
    %mul3A_129 = vector.broadcast %get3A_128 : vector<1x64xf32> to vector<2048x64xf32>
    %mul3A_130 = arith.mulf %mul3A_129, %select_n3A_104 : vector<2048x64xf32>
    %add3A_131 = arith.addf %mul3A_125, %mul3A_130 : vector<2048x64xf32>
    %get3A_132 = arith.constant 0 : index
    %get3A_133 = arith.constant 128 : index
    %get3A_134 = vector.load %arg7[%get3A_132, %get3A_133] : memref<1x256xf32, #tpu.memory_space<vmem>>, vector<1x64xf32>
    %mul3A_135 = arith.mulf %select_n3A_112, %select_n3A_112 : vector<2048x64xf32>
    %mul3A_136 = vector.broadcast %get3A_134 : vector<1x64xf32> to vector<2048x64xf32>
    %mul3A_137 = arith.mulf %mul3A_136, %mul3A_135 : vector<2048x64xf32>
    %add3A_138 = arith.addf %add3A_131, %mul3A_137 : vector<2048x64xf32>
    %get3A_139 = arith.constant 0 : index
    %get3A_140 = arith.constant 192 : index
    %get3A_141 = vector.load %arg7[%get3A_139, %get3A_140] : memref<1x256xf32, #tpu.memory_space<vmem>>, vector<1x64xf32>
    %mul3A_142 = arith.mulf %select_n3A_120, %select_n3A_120 : vector<2048x64xf32>
    %mul3A_143 = arith.mulf %mul3A_142, %select_n3A_120 : vector<2048x64xf32>
    %mul3A_144 = vector.broadcast %get3A_141 : vector<1x64xf32> to vector<2048x64xf32>
    %mul3A_145 = arith.mulf %mul3A_144, %mul3A_143 : vector<2048x64xf32>
    %add3A_146 = arith.addf %add3A_138, %mul3A_145 : vector<2048x64xf32>
    %swap3A = arith.constant 0 : index
    %swap3A_147 = arith.constant 0 : index
    %swap3A_148 = vector.load %arg9[%swap3A, %swap3A_147] : memref<2048x64xf32, #tpu.memory_space<vmem>>, vector<2048x64xf32>
    tpu.vector_store %arg9[%swap3A, %swap3A_147], %add3A_146 {strides = array<i32>} : memref<2048x64xf32, #tpu.memory_space<vmem>>, vector<2048x64xf32>,
    %iota3A_149 = tpu.iota {dimensions = array<i32: 0>} : vector<2048x64xi32>
    %mul3A_150 = arith.constant 2048 : i32
    %mul3A_151 = arith.muli %arg0, %mul3A_150 : i32
    %sub3A = arith.constant 160000 : i32
    %sub3A_152 = arith.subi %sub3A, %mul3A_151 : i32
    %lt3A = vector.broadcast %sub3A_152 : i32 to vector<2048x64xi32>
    %lt3A_153 = arith.cmpi slt, %iota3A_149, %lt3A : vector<2048x64xi32>
    %jit3A = arith.constant 0.000000e+00 : f32
    %broadcast_in_dim3A = vector.broadcast %jit3A : f32 to vector<2048x64xf32>
    %select_n3A_154 = arith.select %lt3A_153, %add3A_146, %broadcast_in_dim3A : vector<2048x64xi1>, vector<2048x64xf32>
    %get3A_155 = arith.constant 0 : index
    %get3A_156 = arith.constant 0 : index
    %get3A_157 = vector.load %arg8[%get3A_155, %get3A_156] : memref<2x64xf32, #tpu.memory_space<vmem>>, vector<1x64xf32>
    %reduce_sum3A = arith.constant dense<0.000000e+00> : vector<64xf32>
    %reduce_sum3A_158 = vector.multi_reduction <add>, %select_n3A_154, %reduce_sum3A [0] : vector<2048x64xf32> to vector<64xf32>
    %broadcast_in_dim3A_159 = vector.shape_cast %reduce_sum3A_158 : vector<64xf32> to vector<1x64xf32>
    %add3A_160 = arith.addf %get3A_157, %broadcast_in_dim3A_159 : vector<1x64xf32>
    %swap3A_161 = arith.constant 0 : index
    %swap3A_162 = arith.constant 0 : index
    %swap3A_163 = vector.load %arg8[%swap3A_161, %swap3A_162] : memref<2x64xf32, #tpu.memory_space<vmem>>, vector<1x64xf32>
    tpu.vector_store %arg8[%swap3A_161, %swap3A_162], %add3A_160 {strides = array<i32>} : memref<2x64xf32, #tpu.memory_space<vmem>>, vector<1x64xf32>,
    %get3A_164 = arith.constant 1 : index
    %get3A_165 = arith.constant 0 : index
    %get3A_166 = vector.load %arg8[%get3A_164, %get3A_165] : memref<2x64xf32, #tpu.memory_space<vmem>>, vector<1x64xf32>
    %mul3A_167 = arith.mulf %select_n3A_154, %select_n3A_154 : vector<2048x64xf32>
    %reduce_sum3A_168 = arith.constant dense<0.000000e+00> : vector<64xf32>
    %reduce_sum3A_169 = vector.multi_reduction <add>, %mul3A_167, %reduce_sum3A_168 [0] : vector<2048x64xf32> to vector<64xf32>
    %broadcast_in_dim3A_170 = vector.shape_cast %reduce_sum3A_169 : vector<64xf32> to vector<1x64xf32>
    %add3A_171 = arith.addf %get3A_166, %broadcast_in_dim3A_170 : vector<1x64xf32>
    %swap3A_172 = arith.constant 1 : index
    %swap3A_173 = arith.constant 0 : index
    %swap3A_174 = vector.load %arg8[%swap3A_172, %swap3A_173] : memref<2x64xf32, #tpu.memory_space<vmem>>, vector<1x64xf32>
    tpu.vector_store %arg8[%swap3A_172, %swap3A_173], %add3A_171 {strides = array<i32>} : memref<2x64xf32, #tpu.memory_space<vmem>>, vector<1x64xf32>,
    %eq3A_175 = arith.constant 79 : i32
    %eq3A_176 = arith.cmpi eq, %arg0, %eq3A_175 : i32
    %convert_element_type3A_177 = arith.extui %eq3A_176 : i1 to i32
    %cond3A_178 = arith.constant 0 : i32
    %cond3A_179 = arith.cmpi ne, %convert_element_type3A_177, %cond3A_178 : i32
    scf.if %cond3A_179 {
      %get3A_180 = arith.constant 0 : index
      %get3A_181 = arith.constant 0 : index
      %get3A_182 = vector.load %arg8[%get3A_180, %get3A_181] : memref<2x64xf32, #tpu.memory_space<vmem>>, vector<1x64xf32>
      %get3A_183 = arith.constant 1 : index
      %get3A_184 = arith.constant 0 : index
      %get3A_185 = vector.load %arg8[%get3A_183, %get3A_184] : memref<2x64xf32, #tpu.memory_space<vmem>>, vector<1x64xf32>
      %mul3A_186 = arith.constant 6.250000e-06 : f32
      %mul3A_187 = vector.broadcast %mul3A_186 : f32 to vector<1x64xf32>
      %mul3A_188 = arith.mulf %get3A_182, %mul3A_187 : vector<1x64xf32>
      %mul3A_189 = arith.constant 6.250000e-06 : f32
      %mul3A_190 = vector.broadcast %mul3A_189 : f32 to vector<1x64xf32>
      %mul3A_191 = arith.mulf %get3A_185, %mul3A_190 : vector<1x64xf32>
      %mul3A_192 = arith.mulf %mul3A_188, %mul3A_188 : vector<1x64xf32>
      %sub3A_193 = arith.subf %mul3A_191, %mul3A_192 : vector<1x64xf32>
      %swap3A_194 = arith.constant 0 : index
      %swap3A_195 = arith.constant 0 : index
      %swap3A_196 = vector.load %arg8[%swap3A_194, %swap3A_195] : memref<2x64xf32, #tpu.memory_space<vmem>>, vector<1x64xf32>
      tpu.vector_store %arg8[%swap3A_194, %swap3A_195], %mul3A_188 {strides = array<i32>} : memref<2x64xf32, #tpu.memory_space<vmem>>, vector<1x64xf32>,
      %swap3A_197 = arith.constant 1 : index
      %swap3A_198 = arith.constant 0 : index
      %swap3A_199 = vector.load %arg8[%swap3A_197, %swap3A_198] : memref<2x64xf32, #tpu.memory_space<vmem>>, vector<1x64xf32>
      tpu.vector_store %arg8[%swap3A_197, %swap3A_198], %sub3A_193 {strides = array<i32>} : memref<2x64xf32, #tpu.memory_space<vmem>>, vector<1x64xf32>,
    } else {
    }
    return
  }
  func.func @transform_0(%arg0: i32) -> (i32, i32) {
    %c0_i32 = arith.constant 0 : i32
    %c0_i32_0 = arith.constant 0 : i32
    return %arg0, %c0_i32 : i32, i32
  }
  func.func @transform_1(%arg0: i32) -> (i32, i32) {
    %c0_i32 = arith.constant 0 : i32
    %c0_i32_0 = arith.constant 0 : i32
    %c0_i32_1 = arith.constant 0 : i32
    return %c0_i32, %c0_i32_0 : i32, i32
  }
  func.func @transform_2(%arg0: i32) -> (i32, i32) {
    %c0_i32 = arith.constant 0 : i32
    %c0_i32_0 = arith.constant 0 : i32
    %c0_i32_1 = arith.constant 0 : i32
    return %c0_i32, %c0_i32_0 : i32, i32
  }
  func.func @transform_3(%arg0: i32) -> (i32, i32) {
    %c0_i32 = arith.constant 0 : i32
    %c0_i32_0 = arith.constant 0 : i32
    %c0_i32_1 = arith.constant 0 : i32
    return %c0_i32, %c0_i32_0 : i32, i32
  }
  func.func @transform_4(%arg0: i32) -> (i32, i32) {
    %c0_i32 = arith.constant 0 : i32
    %c0_i32_0 = arith.constant 0 : i32
    %c0_i32_1 = arith.constant 0 : i32
    return %c0_i32, %c0_i32_0 : i32, i32
  }
  func.func @transform_5(%arg0: i32) -> (i32, i32) {
    %c0_i32 = arith.constant 0 : i32
    %c0_i32_0 = arith.constant 0 : i32
    %c0_i32_1 = arith.constant 0 : i32
    return %c0_i32, %c0_i32_0 : i32, i32
  }
  func.func @transform_6(%arg0: i32) -> (i32, i32) {
    %c0_i32 = arith.constant 0 : i32
    %c0_i32_0 = arith.constant 0 : i32
    %c0_i32_1 = arith.constant 0 : i32
    return %c0_i32, %c0_i32_0 : i32, i32
  }
  func.func @transform_7(%arg0: i32) -> (i32, i32) {
    %c0_i32 = arith.constant 0 : i32
    %c0_i32_0 = arith.constant 0 : i32
    %c0_i32_1 = arith.constant 0 : i32
    return %c0_i32, %c0_i32_0 : i32, i32
  }
  func.func @transform_8(%arg0: i32) -> (i32, i32) {
    %c0_i32 = arith.constant 0 : i32
    %c0_i32_0 = arith.constant 0 : i32
    return %arg0, %c0_i32 : i32, i32
  }
}

module attributes {stable_mosaic.version = 14 : i64} {
  func.func @body(%arg0: i32, %arg1: memref<2048x64xf32, #tpu.memory_space<vmem>>, %arg2: memref<2x64xf32, #tpu.memory_space<vmem>>, %arg3: memref<1x64xf32, #tpu.memory_space<vmem>>, %arg4: memref<1x64xf32, #tpu.memory_space<vmem>>, %arg5: memref<64x256xbf16, #tpu.memory_space<vmem>>, %arg6: memref<1x256xf32, #tpu.memory_space<vmem>>, %arg7: memref<1x256xf32, #tpu.memory_space<vmem>>, %arg8: memref<2x64xf32, #tpu.memory_space<vmem>>, %arg9: memref<2048x64xf32, #tpu.memory_space<vmem>>) attributes {dimension_semantics = [#tpu.dimension_semantics<arbitrary>], iteration_bounds = array<i64: 80>, scalar_prefetch = 0 : i64, scratch_operands = 0 : i64, tpu.core_type = #tpu.core_type<tc>, window_params = [{transform_indices = @transform_0, window_bounds = array<i64: 2048, 64>}, {pipeline_mode = #tpu.pipeline_mode<synchronous>, transform_indices = @transform_1, window_bounds = array<i64: 2, 64>}, {pipeline_mode = #tpu.pipeline_mode<synchronous>, transform_indices = @transform_2, window_bounds = array<i64: 1, 64>}, {pipeline_mode = #tpu.pipeline_mode<synchronous>, transform_indices = @transform_3, window_bounds = array<i64: 1, 64>}, {pipeline_mode = #tpu.pipeline_mode<synchronous>, transform_indices = @transform_4, window_bounds = array<i64: 64, 256>}, {pipeline_mode = #tpu.pipeline_mode<synchronous>, transform_indices = @transform_5, window_bounds = array<i64: 1, 256>}, {pipeline_mode = #tpu.pipeline_mode<synchronous>, transform_indices = @transform_6, window_bounds = array<i64: 1, 256>}, {pipeline_mode = #tpu.pipeline_mode<synchronous>, transform_indices = @transform_7, window_bounds = array<i64: 2, 64>}, {transform_indices = @transform_8, window_bounds = array<i64: 2048, 64>}]} {
    %eq3A = arith.constant 0 : i32
    %eq3A_0 = arith.cmpi eq, %arg0, %eq3A : i32
    %convert_element_type3A = arith.extui %eq3A_0 : i1 to i32
    %cond3A = arith.constant 0 : i32
    %cond3A_1 = arith.cmpi ne, %convert_element_type3A, %cond3A : i32
    scf.if %cond3A_1 {
      %broadcast_in_dim3A_115 = arith.constant 0.000000e+00 : f32
      %broadcast_in_dim3A_116 = vector.broadcast %broadcast_in_dim3A_115 : f32 to vector<2x64xf32>
      %swap3A_117 = arith.constant 0 : index
      %swap3A_118 = arith.constant 0 : index
      %swap3A_119 = vector.load %arg8[%swap3A_117, %swap3A_118] : memref<2x64xf32, #tpu.memory_space<vmem>>, vector<2x64xf32>
      tpu.vector_store %arg8[%swap3A_117, %swap3A_118], %broadcast_in_dim3A_116 {strides = array<i32>} : memref<2x64xf32, #tpu.memory_space<vmem>>, vector<2x64xf32>,
    } else {
    }
    %get3A = arith.constant 0 : index
    %get3A_2 = arith.constant 0 : index
    %get3A_3 = vector.load %arg1[%get3A, %get3A_2] : memref<2048x64xf32, #tpu.memory_space<vmem>>, vector<2048x64xf32>
    %get3A_4 = arith.constant 0 : index
    %get3A_5 = arith.constant 0 : index
    %get3A_6 = vector.load %arg2[%get3A_4, %get3A_5] : memref<2x64xf32, #tpu.memory_space<vmem>>, vector<1x64xf32>
    %sub3A = vector.broadcast %get3A_6 : vector<1x64xf32> to vector<2048x64xf32>
    %sub3A_7 = arith.subf %get3A_3, %sub3A : vector<2048x64xf32>
    %get3A_8 = arith.constant 1 : index
    %get3A_9 = arith.constant 0 : index
    %get3A_10 = vector.load %arg2[%get3A_8, %get3A_9] : memref<2x64xf32, #tpu.memory_space<vmem>>, vector<1x64xf32>
    %add3A = arith.constant 9.99999974E-6 : f32
    %add3A_11 = vector.broadcast %add3A : f32 to vector<1x64xf32>
    %add3A_12 = arith.addf %get3A_10, %add3A_11 : vector<1x64xf32>
    %rsqrt3A = math.rsqrt %add3A_12 : vector<1x64xf32>
    %mul3A = vector.broadcast %rsqrt3A : vector<1x64xf32> to vector<2048x64xf32>
    %mul3A_13 = arith.mulf %sub3A_7, %mul3A : vector<2048x64xf32>
    %get3A_14 = arith.constant 0 : index
    %get3A_15 = arith.constant 0 : index
    %get3A_16 = vector.load %arg3[%get3A_14, %get3A_15] : memref<1x64xf32, #tpu.memory_space<vmem>>, vector<1x64xf32>
    %mul3A_17 = vector.broadcast %get3A_16 : vector<1x64xf32> to vector<2048x64xf32>
    %mul3A_18 = arith.mulf %mul3A_13, %mul3A_17 : vector<2048x64xf32>
    %get3A_19 = arith.constant 0 : index
    %get3A_20 = arith.constant 0 : index
    %get3A_21 = vector.load %arg4[%get3A_19, %get3A_20] : memref<1x64xf32, #tpu.memory_space<vmem>>, vector<1x64xf32>
    %add3A_22 = vector.broadcast %get3A_21 : vector<1x64xf32> to vector<2048x64xf32>
    %add3A_23 = arith.addf %mul3A_18, %add3A_22 : vector<2048x64xf32>
    %convert_element_type3A_24 = arith.truncf %add3A_23 : vector<2048x64xf32> to vector<2048x64xbf16>
    %get3A_25 = arith.constant 0 : index
    %get3A_26 = arith.constant 0 : index
    %get3A_27 = vector.load %arg5[%get3A_25, %get3A_26] : memref<64x256xbf16, #tpu.memory_space<vmem>>, vector<64x256xbf16>
    %dot_general3A = arith.constant dense<0.000000e+00> : vector<2048x256xf32>
    %dot_general3A_28 = tpu.matmul %convert_element_type3A_24, %get3A_27, %dot_general3A {dimension_numbers = #tpu.dot_dimension_numbers<[1], [0], [0], [1], [0, 0, 1, 1], [], []>, transpose_lhs_hint = false} : vector<2048x64xbf16>, vector<64x256xbf16>, vector<2048x256xf32> -> vector<2048x256xf32>
    %get3A_29 = arith.constant 0 : index
    %get3A_30 = arith.constant 0 : index
    %get3A_31 = vector.load %arg6[%get3A_29, %get3A_30] : memref<1x256xf32, #tpu.memory_space<vmem>>, vector<1x256xf32>
    %add3A_32 = vector.broadcast %get3A_31 : vector<1x256xf32> to vector<2048x256xf32>
    %add3A_33 = arith.addf %dot_general3A_28, %add3A_32 : vector<2048x256xf32>
    %slice3A = vector.extract_strided_slice %add3A_33 {offsets = [0, 0], sizes = [2048, 64], strides = [1, 1]} : vector<2048x256xf32> to vector<2048x64xf32>
    %slice3A_34 = vector.extract_strided_slice %add3A_33 {offsets = [0, 64], sizes = [2048, 64], strides = [1, 1]} : vector<2048x256xf32> to vector<2048x64xf32>
    %ge3A = arith.constant 0.000000e+00 : f32
    %ge3A_35 = vector.broadcast %ge3A : f32 to vector<2048x64xf32>
    %ge3A_36 = arith.cmpf oge, %slice3A_34, %ge3A_35 : vector<2048x64xf32>
    %mul3A_37 = arith.constant 1.000000e-01 : f32
    %mul3A_38 = vector.broadcast %mul3A_37 : f32 to vector<2048x64xf32>
    %mul3A_39 = arith.mulf %mul3A_38, %slice3A_34 : vector<2048x64xf32>
    %select_n3A = arith.select %ge3A_36, %slice3A_34, %mul3A_39 : vector<2048x64xi1>, vector<2048x64xf32>
    %slice3A_40 = vector.extract_strided_slice %add3A_33 {offsets = [0, 128], sizes = [2048, 64], strides = [1, 1]} : vector<2048x256xf32> to vector<2048x64xf32>
    %ge3A_41 = arith.constant 0.000000e+00 : f32
    %ge3A_42 = vector.broadcast %ge3A_41 : f32 to vector<2048x64xf32>
    %ge3A_43 = arith.cmpf oge, %slice3A_40, %ge3A_42 : vector<2048x64xf32>
    %mul3A_44 = arith.constant 1.000000e-01 : f32
    %mul3A_45 = vector.broadcast %mul3A_44 : f32 to vector<2048x64xf32>
    %mul3A_46 = arith.mulf %mul3A_45, %slice3A_40 : vector<2048x64xf32>
    %select_n3A_47 = arith.select %ge3A_43, %slice3A_40, %mul3A_46 : vector<2048x64xi1>, vector<2048x64xf32>
    %slice3A_48 = vector.extract_strided_slice %add3A_33 {offsets = [0, 192], sizes = [2048, 64], strides = [1, 1]} : vector<2048x256xf32> to vector<2048x64xf32>
    %ge3A_49 = arith.constant 0.000000e+00 : f32
    %ge3A_50 = vector.broadcast %ge3A_49 : f32 to vector<2048x64xf32>
    %ge3A_51 = arith.cmpf oge, %slice3A_48, %ge3A_50 : vector<2048x64xf32>
    %mul3A_52 = arith.constant 1.000000e-01 : f32
    %mul3A_53 = vector.broadcast %mul3A_52 : f32 to vector<2048x64xf32>
    %mul3A_54 = arith.mulf %mul3A_53, %slice3A_48 : vector<2048x64xf32>
    %select_n3A_55 = arith.select %ge3A_51, %slice3A_48, %mul3A_54 : vector<2048x64xi1>, vector<2048x64xf32>
    %get3A_56 = arith.constant 0 : index
    %get3A_57 = arith.constant 0 : index
    %get3A_58 = vector.load %arg7[%get3A_56, %get3A_57] : memref<1x256xf32, #tpu.memory_space<vmem>>, vector<1x64xf32>
    %mul3A_59 = vector.broadcast %get3A_58 : vector<1x64xf32> to vector<2048x64xf32>
    %mul3A_60 = arith.mulf %mul3A_59, %slice3A : vector<2048x64xf32>
    %get3A_61 = arith.constant 0 : index
    %get3A_62 = arith.constant 64 : index
    %get3A_63 = vector.load %arg7[%get3A_61, %get3A_62] : memref<1x256xf32, #tpu.memory_space<vmem>>, vector<1x64xf32>
    %mul3A_64 = vector.broadcast %get3A_63 : vector<1x64xf32> to vector<2048x64xf32>
    %mul3A_65 = arith.mulf %mul3A_64, %select_n3A : vector<2048x64xf32>
    %add3A_66 = arith.addf %mul3A_60, %mul3A_65 : vector<2048x64xf32>
    %get3A_67 = arith.constant 0 : index
    %get3A_68 = arith.constant 128 : index
    %get3A_69 = vector.load %arg7[%get3A_67, %get3A_68] : memref<1x256xf32, #tpu.memory_space<vmem>>, vector<1x64xf32>
    %mul3A_70 = arith.mulf %select_n3A_47, %select_n3A_47 : vector<2048x64xf32>
    %mul3A_71 = vector.broadcast %get3A_69 : vector<1x64xf32> to vector<2048x64xf32>
    %mul3A_72 = arith.mulf %mul3A_71, %mul3A_70 : vector<2048x64xf32>
    %add3A_73 = arith.addf %add3A_66, %mul3A_72 : vector<2048x64xf32>
    %get3A_74 = arith.constant 0 : index
    %get3A_75 = arith.constant 192 : index
    %get3A_76 = vector.load %arg7[%get3A_74, %get3A_75] : memref<1x256xf32, #tpu.memory_space<vmem>>, vector<1x64xf32>
    %mul3A_77 = arith.mulf %select_n3A_55, %select_n3A_55 : vector<2048x64xf32>
    %mul3A_78 = arith.mulf %mul3A_77, %select_n3A_55 : vector<2048x64xf32>
    %mul3A_79 = vector.broadcast %get3A_76 : vector<1x64xf32> to vector<2048x64xf32>
    %mul3A_80 = arith.mulf %mul3A_79, %mul3A_78 : vector<2048x64xf32>
    %add3A_81 = arith.addf %add3A_73, %mul3A_80 : vector<2048x64xf32>
    %swap3A = arith.constant 0 : index
    %swap3A_82 = arith.constant 0 : index
    %swap3A_83 = vector.load %arg9[%swap3A, %swap3A_82] : memref<2048x64xf32, #tpu.memory_space<vmem>>, vector<2048x64xf32>
    tpu.vector_store %arg9[%swap3A, %swap3A_82], %add3A_81 {strides = array<i32>} : memref<2048x64xf32, #tpu.memory_space<vmem>>, vector<2048x64xf32>,
    %iota3A = tpu.iota {dimensions = array<i32: 0>} : vector<2048x64xi32>
    %mul3A_84 = arith.constant 2048 : i32
    %mul3A_85 = arith.muli %arg0, %mul3A_84 : i32
    %sub3A_86 = arith.constant 160000 : i32
    %sub3A_87 = arith.subi %sub3A_86, %mul3A_85 : i32
    %lt3A = vector.broadcast %sub3A_87 : i32 to vector<2048x64xi32>
    %lt3A_88 = arith.cmpi slt, %iota3A, %lt3A : vector<2048x64xi32>
    %jit3A = arith.constant 0.000000e+00 : f32
    %broadcast_in_dim3A = vector.broadcast %jit3A : f32 to vector<2048x64xf32>
    %select_n3A_89 = arith.select %lt3A_88, %add3A_81, %broadcast_in_dim3A : vector<2048x64xi1>, vector<2048x64xf32>
    %get3A_90 = arith.constant 0 : index
    %get3A_91 = arith.constant 0 : index
    %get3A_92 = vector.load %arg8[%get3A_90, %get3A_91] : memref<2x64xf32, #tpu.memory_space<vmem>>, vector<1x64xf32>
    %reduce_sum3A = arith.constant dense<0.000000e+00> : vector<64xf32>
    %reduce_sum3A_93 = vector.multi_reduction <add>, %select_n3A_89, %reduce_sum3A [0] : vector<2048x64xf32> to vector<64xf32>
    %broadcast_in_dim3A_94 = vector.shape_cast %reduce_sum3A_93 : vector<64xf32> to vector<1x64xf32>
    %add3A_95 = arith.addf %get3A_92, %broadcast_in_dim3A_94 : vector<1x64xf32>
    %swap3A_96 = arith.constant 0 : index
    %swap3A_97 = arith.constant 0 : index
    %swap3A_98 = vector.load %arg8[%swap3A_96, %swap3A_97] : memref<2x64xf32, #tpu.memory_space<vmem>>, vector<1x64xf32>
    tpu.vector_store %arg8[%swap3A_96, %swap3A_97], %add3A_95 {strides = array<i32>} : memref<2x64xf32, #tpu.memory_space<vmem>>, vector<1x64xf32>,
    %get3A_99 = arith.constant 1 : index
    %get3A_100 = arith.constant 0 : index
    %get3A_101 = vector.load %arg8[%get3A_99, %get3A_100] : memref<2x64xf32, #tpu.memory_space<vmem>>, vector<1x64xf32>
    %mul3A_102 = arith.mulf %select_n3A_89, %select_n3A_89 : vector<2048x64xf32>
    %reduce_sum3A_103 = arith.constant dense<0.000000e+00> : vector<64xf32>
    %reduce_sum3A_104 = vector.multi_reduction <add>, %mul3A_102, %reduce_sum3A_103 [0] : vector<2048x64xf32> to vector<64xf32>
    %broadcast_in_dim3A_105 = vector.shape_cast %reduce_sum3A_104 : vector<64xf32> to vector<1x64xf32>
    %add3A_106 = arith.addf %get3A_101, %broadcast_in_dim3A_105 : vector<1x64xf32>
    %swap3A_107 = arith.constant 1 : index
    %swap3A_108 = arith.constant 0 : index
    %swap3A_109 = vector.load %arg8[%swap3A_107, %swap3A_108] : memref<2x64xf32, #tpu.memory_space<vmem>>, vector<1x64xf32>
    tpu.vector_store %arg8[%swap3A_107, %swap3A_108], %add3A_106 {strides = array<i32>} : memref<2x64xf32, #tpu.memory_space<vmem>>, vector<1x64xf32>,
    %eq3A_110 = arith.constant 79 : i32
    %eq3A_111 = arith.cmpi eq, %arg0, %eq3A_110 : i32
    %convert_element_type3A_112 = arith.extui %eq3A_111 : i1 to i32
    %cond3A_113 = arith.constant 0 : i32
    %cond3A_114 = arith.cmpi ne, %convert_element_type3A_112, %cond3A_113 : i32
    scf.if %cond3A_114 {
      %get3A_115 = arith.constant 0 : index
      %get3A_116 = arith.constant 0 : index
      %get3A_117 = vector.load %arg8[%get3A_115, %get3A_116] : memref<2x64xf32, #tpu.memory_space<vmem>>, vector<1x64xf32>
      %get3A_118 = arith.constant 1 : index
      %get3A_119 = arith.constant 0 : index
      %get3A_120 = vector.load %arg8[%get3A_118, %get3A_119] : memref<2x64xf32, #tpu.memory_space<vmem>>, vector<1x64xf32>
      %mul3A_121 = arith.constant 6.250000e-06 : f32
      %mul3A_122 = vector.broadcast %mul3A_121 : f32 to vector<1x64xf32>
      %mul3A_123 = arith.mulf %get3A_117, %mul3A_122 : vector<1x64xf32>
      %mul3A_124 = arith.constant 6.250000e-06 : f32
      %mul3A_125 = vector.broadcast %mul3A_124 : f32 to vector<1x64xf32>
      %mul3A_126 = arith.mulf %get3A_120, %mul3A_125 : vector<1x64xf32>
      %mul3A_127 = arith.mulf %mul3A_123, %mul3A_123 : vector<1x64xf32>
      %sub3A_128 = arith.subf %mul3A_126, %mul3A_127 : vector<1x64xf32>
      %swap3A_129 = arith.constant 0 : index
      %swap3A_130 = arith.constant 0 : index
      %swap3A_131 = vector.load %arg8[%swap3A_129, %swap3A_130] : memref<2x64xf32, #tpu.memory_space<vmem>>, vector<1x64xf32>
      tpu.vector_store %arg8[%swap3A_129, %swap3A_130], %mul3A_123 {strides = array<i32>} : memref<2x64xf32, #tpu.memory_space<vmem>>, vector<1x64xf32>,
      %swap3A_132 = arith.constant 1 : index
      %swap3A_133 = arith.constant 0 : index
      %swap3A_134 = vector.load %arg8[%swap3A_132, %swap3A_133] : memref<2x64xf32, #tpu.memory_space<vmem>>, vector<1x64xf32>
      tpu.vector_store %arg8[%swap3A_132, %swap3A_133], %sub3A_128 {strides = array<i32>} : memref<2x64xf32, #tpu.memory_space<vmem>>, vector<1x64xf32>,
    } else {
    }
    return
  }
  func.func @transform_0(%arg0: i32) -> (i32, i32) {
    %c0_i32 = arith.constant 0 : i32
    %c0_i32_0 = arith.constant 0 : i32
    return %arg0, %c0_i32 : i32, i32
  }
  func.func @transform_1(%arg0: i32) -> (i32, i32) {
    %c0_i32 = arith.constant 0 : i32
    %c0_i32_0 = arith.constant 0 : i32
    %c0_i32_1 = arith.constant 0 : i32
    return %c0_i32, %c0_i32_0 : i32, i32
  }
  func.func @transform_2(%arg0: i32) -> (i32, i32) {
    %c0_i32 = arith.constant 0 : i32
    %c0_i32_0 = arith.constant 0 : i32
    %c0_i32_1 = arith.constant 0 : i32
    return %c0_i32, %c0_i32_0 : i32, i32
  }
  func.func @transform_3(%arg0: i32) -> (i32, i32) {
    %c0_i32 = arith.constant 0 : i32
    %c0_i32_0 = arith.constant 0 : i32
    %c0_i32_1 = arith.constant 0 : i32
    return %c0_i32, %c0_i32_0 : i32, i32
  }
  func.func @transform_4(%arg0: i32) -> (i32, i32) {
    %c0_i32 = arith.constant 0 : i32
    %c0_i32_0 = arith.constant 0 : i32
    %c0_i32_1 = arith.constant 0 : i32
    return %c0_i32, %c0_i32_0 : i32, i32
  }
  func.func @transform_5(%arg0: i32) -> (i32, i32) {
    %c0_i32 = arith.constant 0 : i32
    %c0_i32_0 = arith.constant 0 : i32
    %c0_i32_1 = arith.constant 0 : i32
    return %c0_i32, %c0_i32_0 : i32, i32
  }
  func.func @transform_6(%arg0: i32) -> (i32, i32) {
    %c0_i32 = arith.constant 0 : i32
    %c0_i32_0 = arith.constant 0 : i32
    %c0_i32_1 = arith.constant 0 : i32
    return %c0_i32, %c0_i32_0 : i32, i32
  }
  func.func @transform_7(%arg0: i32) -> (i32, i32) {
    %c0_i32 = arith.constant 0 : i32
    %c0_i32_0 = arith.constant 0 : i32
    %c0_i32_1 = arith.constant 0 : i32
    return %c0_i32, %c0_i32_0 : i32, i32
  }
  func.func @transform_8(%arg0: i32) -> (i32, i32) {
    %c0_i32 = arith.constant 0 : i32
    %c0_i32_0 = arith.constant 0 : i32
    return %arg0, %c0_i32 : i32, i32
  }
}

module attributes {stable_mosaic.version = 14 : i64} {
  func.func @body(%arg0: i32, %arg1: memref<16x128xf32, #tpu.memory_space<vmem>>, %arg2: memref<2048x64xf32, #tpu.memory_space<vmem>>, %arg3: memref<1x64xf32, #tpu.memory_space<vmem>>, %arg4: memref<1x64xf32, #tpu.memory_space<vmem>>, %arg5: memref<2x64xf32, #tpu.memory_space<vmem>>, %arg6: memref<64x1024xbf16, #tpu.memory_space<vmem>>, %arg7: memref<1x1024xf32, #tpu.memory_space<vmem>>, %arg8: memref<1x1024xf32, #tpu.memory_space<vmem>>, %arg9: memref<1x128xf32, #tpu.memory_space<vmem>>, %arg10: memref<1x128xf32, #tpu.memory_space<vmem>>, %arg11: memref<128x128xbf16, #tpu.memory_space<vmem>>, %arg12: memref<1x128xf32, #tpu.memory_space<vmem>>, %arg13: memref<128x256xbf16, #tpu.memory_space<vmem>>, %arg14: memref<1x256xf32, #tpu.memory_space<vmem>>, %arg15: memref<2048x256xbf16, #tpu.memory_space<vmem>>, %arg16: memref<2048x256xbf16, #tpu.memory_space<vmem>>) attributes {dimension_semantics = [#tpu.dimension_semantics<arbitrary>], iteration_bounds = array<i64: 80>, scalar_prefetch = 0 : i64, scratch_operands = 0 : i64, tpu.core_type = #tpu.core_type<tc>, window_params = [{transform_indices = @transform_0, window_bounds = array<i64: 16, 128>}, {transform_indices = @transform_1, window_bounds = array<i64: 2048, 64>}, {pipeline_mode = #tpu.pipeline_mode<synchronous>, transform_indices = @transform_2, window_bounds = array<i64: 1, 64>}, {pipeline_mode = #tpu.pipeline_mode<synchronous>, transform_indices = @transform_3, window_bounds = array<i64: 1, 64>}, {pipeline_mode = #tpu.pipeline_mode<synchronous>, transform_indices = @transform_4, window_bounds = array<i64: 2, 64>}, {pipeline_mode = #tpu.pipeline_mode<synchronous>, transform_indices = @transform_5, window_bounds = array<i64: 64, 1024>}, {pipeline_mode = #tpu.pipeline_mode<synchronous>, transform_indices = @transform_6, window_bounds = array<i64: 1, 1024>}, {pipeline_mode = #tpu.pipeline_mode<synchronous>, transform_indices = @transform_7, window_bounds = array<i64: 1, 1024>}, {pipeline_mode = #tpu.pipeline_mode<synchronous>, transform_indices = @transform_8, window_bounds = array<i64: 1, 128>}, {pipeline_mode = #tpu.pipeline_mode<synchronous>, transform_indices = @transform_9, window_bounds = array<i64: 1, 128>}, {pipeline_mode = #tpu.pipeline_mode<synchronous>, transform_indices = @transform_10, window_bounds = array<i64: 128, 128>}, {pipeline_mode = #tpu.pipeline_mode<synchronous>, transform_indices = @transform_11, window_bounds = array<i64: 1, 128>}, {pipeline_mode = #tpu.pipeline_mode<synchronous>, transform_indices = @transform_12, window_bounds = array<i64: 128, 256>}, {pipeline_mode = #tpu.pipeline_mode<synchronous>, transform_indices = @transform_13, window_bounds = array<i64: 1, 256>}, {transform_indices = @transform_14, window_bounds = array<i64: 2048, 256>}, {transform_indices = @transform_15, window_bounds = array<i64: 2048, 256>}]} {
    %iota3A = tpu.iota {dimensions = array<i32: 0>} : vector<16x16xi32>
    %iota3A_0 = tpu.iota {dimensions = array<i32: 1>} : vector<16x16xi32>
    %add3A = arith.constant 0 : i32
    %add3A_1 = vector.broadcast %add3A : i32 to vector<16x16xi32>
    %add3A_2 = arith.addi %iota3A, %add3A_1 : vector<16x16xi32>
    %eq3A = arith.cmpi eq, %add3A_2, %iota3A_0 : vector<16x16xi32>
    %convert_element_type3A = arith.extui %eq3A : vector<16x16xi1> to vector<16x16xi32>
    %convert_element_type3A_3 = arith.sitofp %convert_element_type3A : vector<16x16xi32> to vector<16x16xf32>
    %get3A = arith.constant 0 : index
    %get3A_4 = arith.constant 0 : index
    %get3A_5 = vector.load %arg1[%get3A, %get3A_4] : memref<16x128xf32, #tpu.memory_space<vmem>>, vector<16x128xf32>
    %dot_general3A = arith.constant dense<0.000000e+00> : vector<128x16xf32>
    %dot_general3A_6 = tpu.matmul %get3A_5, %convert_element_type3A_3, %dot_general3A {dimension_numbers = #tpu.dot_dimension_numbers<[0], [0], [1], [1], [0, 1, 1, 1], [], []>, precision = #tpu.contract_precision<fp32>, transpose_lhs_hint = false} : vector<16x128xf32>, vector<16x16xf32>, vector<128x16xf32> -> vector<128x16xf32>
    %slice3A = vector.extract_strided_slice %dot_general3A_6 {offsets = [0, 0], sizes = [128, 1], strides = [1, 1]} : vector<128x16xf32> to vector<128x1xf32>
    %slice3A_7 = vector.extract_strided_slice %dot_general3A_6 {offsets = [0, 1], sizes = [128, 1], strides = [1, 1]} : vector<128x16xf32> to vector<128x1xf32>
    %slice3A_8 = vector.extract_strided_slice %dot_general3A_6 {offsets = [0, 2], sizes = [128, 1], strides = [1, 1]} : vector<128x16xf32> to vector<128x1xf32>
    %slice3A_9 = vector.extract_strided_slice %dot_general3A_6 {offsets = [0, 3], sizes = [128, 1], strides = [1, 1]} : vector<128x16xf32> to vector<128x1xf32>
    %slice3A_10 = vector.extract_strided_slice %dot_general3A_6 {offsets = [0, 4], sizes = [128, 1], strides = [1, 1]} : vector<128x16xf32> to vector<128x1xf32>
    %slice3A_11 = vector.extract_strided_slice %dot_general3A_6 {offsets = [0, 5], sizes = [128, 1], strides = [1, 1]} : vector<128x16xf32> to vector<128x1xf32>
    %slice3A_12 = vector.extract_strided_slice %dot_general3A_6 {offsets = [0, 6], sizes = [128, 1], strides = [1, 1]} : vector<128x16xf32> to vector<128x1xf32>
    %slice3A_13 = vector.extract_strided_slice %dot_general3A_6 {offsets = [0, 7], sizes = [128, 1], strides = [1, 1]} : vector<128x16xf32> to vector<128x1xf32>
    %slice3A_14 = vector.extract_strided_slice %dot_general3A_6 {offsets = [0, 8], sizes = [128, 1], strides = [1, 1]} : vector<128x16xf32> to vector<128x1xf32>
    %slice3A_15 = vector.extract_strided_slice %dot_general3A_6 {offsets = [0, 9], sizes = [128, 1], strides = [1, 1]} : vector<128x16xf32> to vector<128x1xf32>
    %slice3A_16 = vector.extract_strided_slice %dot_general3A_6 {offsets = [0, 10], sizes = [128, 1], strides = [1, 1]} : vector<128x16xf32> to vector<128x1xf32>
    %slice3A_17 = vector.extract_strided_slice %dot_general3A_6 {offsets = [0, 11], sizes = [128, 1], strides = [1, 1]} : vector<128x16xf32> to vector<128x1xf32>
    %slice3A_18 = vector.extract_strided_slice %dot_general3A_6 {offsets = [0, 12], sizes = [128, 1], strides = [1, 1]} : vector<128x16xf32> to vector<128x1xf32>
    %slice3A_19 = vector.extract_strided_slice %dot_general3A_6 {offsets = [0, 13], sizes = [128, 1], strides = [1, 1]} : vector<128x16xf32> to vector<128x1xf32>
    %slice3A_20 = vector.extract_strided_slice %dot_general3A_6 {offsets = [0, 14], sizes = [128, 1], strides = [1, 1]} : vector<128x16xf32> to vector<128x1xf32>
    %slice3A_21 = vector.extract_strided_slice %dot_general3A_6 {offsets = [0, 15], sizes = [128, 1], strides = [1, 1]} : vector<128x16xf32> to vector<128x1xf32>
    %concatenate3A = tpu.concatenate %slice3A, %slice3A_7, %slice3A_8, %slice3A_9, %slice3A_10, %slice3A_11, %slice3A_12, %slice3A_13, %slice3A_14, %slice3A_15, %slice3A_16, %slice3A_17, %slice3A_18, %slice3A_19, %slice3A_20, %slice3A_21 in 0 : vector<128x1xf32>, vector<128x1xf32>, vector<128x1xf32>, vector<128x1xf32>, vector<128x1xf32>, vector<128x1xf32>, vector<128x1xf32>, vector<128x1xf32>, vector<128x1xf32>, vector<128x1xf32>, vector<128x1xf32>, vector<128x1xf32>, vector<128x1xf32>, vector<128x1xf32>, vector<128x1xf32>, vector<128x1xf32> -> vector<2048x1xf32>
    %get3A_22 = arith.constant 0 : index
    %get3A_23 = arith.constant 0 : index
    %get3A_24 = vector.load %arg2[%get3A_22, %get3A_23] : memref<2048x64xf32, #tpu.memory_space<vmem>>, vector<2048x64xf32>
    %get3A_25 = arith.constant 0 : index
    %get3A_26 = arith.constant 0 : index
    %get3A_27 = vector.load %arg5[%get3A_25, %get3A_26] : memref<2x64xf32, #tpu.memory_space<vmem>>, vector<1x64xf32>
    %sub3A = vector.broadcast %get3A_27 : vector<1x64xf32> to vector<2048x64xf32>
    %sub3A_28 = arith.subf %get3A_24, %sub3A : vector<2048x64xf32>
    %get3A_29 = arith.constant 1 : index
    %get3A_30 = arith.constant 0 : index
    %get3A_31 = vector.load %arg5[%get3A_29, %get3A_30] : memref<2x64xf32, #tpu.memory_space<vmem>>, vector<1x64xf32>
    %add3A_32 = arith.constant 9.99999974E-6 : f32
    %add3A_33 = vector.broadcast %add3A_32 : f32 to vector<1x64xf32>
    %add3A_34 = arith.addf %get3A_31, %add3A_33 : vector<1x64xf32>
    %rsqrt3A = math.rsqrt %add3A_34 : vector<1x64xf32>
    %mul3A = vector.broadcast %rsqrt3A : vector<1x64xf32> to vector<2048x64xf32>
    %mul3A_35 = arith.mulf %sub3A_28, %mul3A : vector<2048x64xf32>
    %get3A_36 = arith.constant 0 : index
    %get3A_37 = arith.constant 0 : index
    %get3A_38 = vector.load %arg3[%get3A_36, %get3A_37] : memref<1x64xf32, #tpu.memory_space<vmem>>, vector<1x64xf32>
    %mul3A_39 = vector.broadcast %get3A_38 : vector<1x64xf32> to vector<2048x64xf32>
    %mul3A_40 = arith.mulf %mul3A_35, %mul3A_39 : vector<2048x64xf32>
    %get3A_41 = arith.constant 0 : index
    %get3A_42 = arith.constant 0 : index
    %get3A_43 = vector.load %arg4[%get3A_41, %get3A_42] : memref<1x64xf32, #tpu.memory_space<vmem>>, vector<1x64xf32>
    %add3A_44 = vector.broadcast %get3A_43 : vector<1x64xf32> to vector<2048x64xf32>
    %add3A_45 = arith.addf %mul3A_40, %add3A_44 : vector<2048x64xf32>
    %convert_element_type3A_46 = arith.truncf %add3A_45 : vector<2048x64xf32> to vector<2048x64xbf16>
    %get3A_47 = arith.constant 0 : index
    %get3A_48 = arith.constant 0 : index
    %get3A_49 = vector.load %arg6[%get3A_47, %get3A_48] : memref<64x1024xbf16, #tpu.memory_space<vmem>>, vector<64x1024xbf16>
    %dot_general3A_50 = arith.constant dense<0.000000e+00> : vector<2048x1024xf32>
    %dot_general3A_51 = tpu.matmul %convert_element_type3A_46, %get3A_49, %dot_general3A_50 {dimension_numbers = #tpu.dot_dimension_numbers<[1], [0], [0], [1], [0, 0, 1, 1], [], []>, transpose_lhs_hint = false} : vector<2048x64xbf16>, vector<64x1024xbf16>, vector<2048x1024xf32> -> vector<2048x1024xf32>
    %get3A_52 = arith.constant 0 : index
    %get3A_53 = arith.constant 0 : index
    %get3A_54 = vector.load %arg7[%get3A_52, %get3A_53] : memref<1x1024xf32, #tpu.memory_space<vmem>>, vector<1x1024xf32>
    %add3A_55 = vector.broadcast %get3A_54 : vector<1x1024xf32> to vector<2048x1024xf32>
    %add3A_56 = arith.addf %dot_general3A_51, %add3A_55 : vector<2048x1024xf32>
    %convert_element_type3A_57 = arith.truncf %add3A_56 : vector<2048x1024xf32> to vector<2048x1024xbf16>
    %get3A_58 = arith.constant 0 : index
    %get3A_59 = arith.constant 0 : index
    %get3A_60 = vector.load %arg8[%get3A_58, %get3A_59] : memref<1x1024xf32, #tpu.memory_space<vmem>>, vector<1x1024xf32>
    %convert_element_type3A_61 = arith.truncf %get3A_60 : vector<1x1024xf32> to vector<1x1024xbf16>
    %slice3A_62 = vector.extract_strided_slice %convert_element_type3A_57 {offsets = [0, 0], sizes = [2048, 256], strides = [1, 1]} : vector<2048x1024xbf16> to vector<2048x256xbf16>
    %slice3A_63 = vector.extract_strided_slice %convert_element_type3A_57 {offsets = [0, 256], sizes = [2048, 256], strides = [1, 1]} : vector<2048x1024xbf16> to vector<2048x256xbf16>
    %ge3A = arith.constant 0.000000e+00 : bf16
    %ge3A_64 = vector.broadcast %ge3A : bf16 to vector<2048x256xbf16>
    %ge3A_65 = arith.cmpf oge, %slice3A_63, %ge3A_64 : vector<2048x256xbf16>
    %mul3A_66 = arith.constant 1.000980e-01 : bf16
    %mul3A_67 = vector.broadcast %mul3A_66 : bf16 to vector<2048x256xbf16>
    %mul3A_68 = arith.mulf %mul3A_67, %slice3A_63 : vector<2048x256xbf16>
    %select_n3A = arith.select %ge3A_65, %slice3A_63, %mul3A_68 : vector<2048x256xi1>, vector<2048x256xbf16>
    %slice3A_69 = vector.extract_strided_slice %convert_element_type3A_57 {offsets = [0, 512], sizes = [2048, 256], strides = [1, 1]} : vector<2048x1024xbf16> to vector<2048x256xbf16>
    %ge3A_70 = arith.constant 0.000000e+00 : bf16
    %ge3A_71 = vector.broadcast %ge3A_70 : bf16 to vector<2048x256xbf16>
    %ge3A_72 = arith.cmpf oge, %slice3A_69, %ge3A_71 : vector<2048x256xbf16>
    %mul3A_73 = arith.constant 1.000980e-01 : bf16
    %mul3A_74 = vector.broadcast %mul3A_73 : bf16 to vector<2048x256xbf16>
    %mul3A_75 = arith.mulf %mul3A_74, %slice3A_69 : vector<2048x256xbf16>
    %select_n3A_76 = arith.select %ge3A_72, %slice3A_69, %mul3A_75 : vector<2048x256xi1>, vector<2048x256xbf16>
    %slice3A_77 = vector.extract_strided_slice %convert_element_type3A_57 {offsets = [0, 768], sizes = [2048, 256], strides = [1, 1]} : vector<2048x1024xbf16> to vector<2048x256xbf16>
    %ge3A_78 = arith.constant 0.000000e+00 : bf16
    %ge3A_79 = vector.broadcast %ge3A_78 : bf16 to vector<2048x256xbf16>
    %ge3A_80 = arith.cmpf oge, %slice3A_77, %ge3A_79 : vector<2048x256xbf16>
    %mul3A_81 = arith.constant 1.000980e-01 : bf16
    %mul3A_82 = vector.broadcast %mul3A_81 : bf16 to vector<2048x256xbf16>
    %mul3A_83 = arith.mulf %mul3A_82, %slice3A_77 : vector<2048x256xbf16>
    %select_n3A_84 = arith.select %ge3A_80, %slice3A_77, %mul3A_83 : vector<2048x256xi1>, vector<2048x256xbf16>
    %slice3A_85 = vector.extract_strided_slice %convert_element_type3A_61 {offsets = [0, 0], sizes = [1, 256], strides = [1, 1]} : vector<1x1024xbf16> to vector<1x256xbf16>
    %mul3A_86 = vector.broadcast %slice3A_85 : vector<1x256xbf16> to vector<2048x256xbf16>
    %mul3A_87 = arith.mulf %mul3A_86, %slice3A_62 : vector<2048x256xbf16>
    %slice3A_88 = vector.extract_strided_slice %convert_element_type3A_61 {offsets = [0, 256], sizes = [1, 256], strides = [1, 1]} : vector<1x1024xbf16> to vector<1x256xbf16>
    %mul3A_89 = vector.broadcast %slice3A_88 : vector<1x256xbf16> to vector<2048x256xbf16>
    %mul3A_90 = arith.mulf %mul3A_89, %select_n3A : vector<2048x256xbf16>
    %add3A_91 = arith.addf %mul3A_87, %mul3A_90 : vector<2048x256xbf16>
    %slice3A_92 = vector.extract_strided_slice %convert_element_type3A_61 {offsets = [0, 512], sizes = [1, 256], strides = [1, 1]} : vector<1x1024xbf16> to vector<1x256xbf16>
    %mul3A_93 = arith.mulf %select_n3A_76, %select_n3A_76 : vector<2048x256xbf16>
    %mul3A_94 = vector.broadcast %slice3A_92 : vector<1x256xbf16> to vector<2048x256xbf16>
    %mul3A_95 = arith.mulf %mul3A_94, %mul3A_93 : vector<2048x256xbf16>
    %add3A_96 = arith.addf %add3A_91, %mul3A_95 : vector<2048x256xbf16>
    %slice3A_97 = vector.extract_strided_slice %convert_element_type3A_61 {offsets = [0, 768], sizes = [1, 256], strides = [1, 1]} : vector<1x1024xbf16> to vector<1x256xbf16>
    %mul3A_98 = arith.mulf %select_n3A_84, %select_n3A_84 : vector<2048x256xbf16>
    %mul3A_99 = arith.mulf %mul3A_98, %select_n3A_84 : vector<2048x256xbf16>
    %mul3A_100 = vector.broadcast %slice3A_97 : vector<1x256xbf16> to vector<2048x256xbf16>
    %mul3A_101 = arith.mulf %mul3A_100, %mul3A_99 : vector<2048x256xbf16>
    %add3A_102 = arith.addf %add3A_96, %mul3A_101 : vector<2048x256xbf16>
    %get3A_103 = arith.constant 0 : index
    %get3A_104 = arith.constant 0 : index
    %get3A_105 = vector.load %arg9[%get3A_103, %get3A_104] : memref<1x128xf32, #tpu.memory_space<vmem>>, vector<1x128xf32>
    %mul3A_106 = vector.broadcast %concatenate3A : vector<2048x1xf32> to vector<2048x128xf32>
    %mul3A_107 = vector.broadcast %get3A_105 : vector<1x128xf32> to vector<2048x128xf32>
    %mul3A_108 = arith.mulf %mul3A_106, %mul3A_107 : vector<2048x128xf32>
    %get3A_109 = arith.constant 0 : index
    %get3A_110 = arith.constant 0 : index
    %get3A_111 = vector.load %arg10[%get3A_109, %get3A_110] : memref<1x128xf32, #tpu.memory_space<vmem>>, vector<1x128xf32>
    %add3A_112 = vector.broadcast %get3A_111 : vector<1x128xf32> to vector<2048x128xf32>
    %add3A_113 = arith.addf %mul3A_108, %add3A_112 : vector<2048x128xf32>
    %max3A = arith.constant 0.000000e+00 : f32
    %max3A_114 = vector.broadcast %max3A : f32 to vector<2048x128xf32>
    %max3A_115 = arith.maximumf %add3A_113, %max3A_114 : vector<2048x128xf32>
    %convert_element_type3A_116 = arith.truncf %max3A_115 : vector<2048x128xf32> to vector<2048x128xbf16>
    %get3A_117 = arith.constant 0 : index
    %get3A_118 = arith.constant 0 : index
    %get3A_119 = vector.load %arg11[%get3A_117, %get3A_118] : memref<128x128xbf16, #tpu.memory_space<vmem>>, vector<128x128xbf16>
    %dot_general3A_120 = arith.constant dense<0.000000e+00> : vector<2048x128xf32>
    %dot_general3A_121 = tpu.matmul %convert_element_type3A_116, %get3A_119, %dot_general3A_120 {dimension_numbers = #tpu.dot_dimension_numbers<[1], [0], [0], [1], [0, 0, 1, 1], [], []>, transpose_lhs_hint = false} : vector<2048x128xbf16>, vector<128x128xbf16>, vector<2048x128xf32> -> vector<2048x128xf32>
    %get3A_122 = arith.constant 0 : index
    %get3A_123 = arith.constant 0 : index
    %get3A_124 = vector.load %arg12[%get3A_122, %get3A_123] : memref<1x128xf32, #tpu.memory_space<vmem>>, vector<1x128xf32>
    %add3A_125 = vector.broadcast %get3A_124 : vector<1x128xf32> to vector<2048x128xf32>
    %add3A_126 = arith.addf %dot_general3A_121, %add3A_125 : vector<2048x128xf32>
    %max3A_127 = arith.constant 0.000000e+00 : f32
    %max3A_128 = vector.broadcast %max3A_127 : f32 to vector<2048x128xf32>
    %max3A_129 = arith.maximumf %add3A_126, %max3A_128 : vector<2048x128xf32>
    %convert_element_type3A_130 = arith.truncf %max3A_129 : vector<2048x128xf32> to vector<2048x128xbf16>
    %get3A_131 = arith.constant 0 : index
    %get3A_132 = arith.constant 0 : index
    %get3A_133 = vector.load %arg13[%get3A_131, %get3A_132] : memref<128x256xbf16, #tpu.memory_space<vmem>>, vector<128x256xbf16>
    %dot_general3A_134 = arith.constant dense<0.000000e+00> : vector<2048x256xf32>
    %dot_general3A_135 = tpu.matmul %convert_element_type3A_130, %get3A_133, %dot_general3A_134 {dimension_numbers = #tpu.dot_dimension_numbers<[1], [0], [0], [1], [0, 0, 1, 1], [], []>, transpose_lhs_hint = false} : vector<2048x128xbf16>, vector<128x256xbf16>, vector<2048x256xf32> -> vector<2048x256xf32>
    %get3A_136 = arith.constant 0 : index
    %get3A_137 = arith.constant 0 : index
    %get3A_138 = vector.load %arg14[%get3A_136, %get3A_137] : memref<1x256xf32, #tpu.memory_space<vmem>>, vector<1x256xf32>
    %add3A_139 = vector.broadcast %get3A_138 : vector<1x256xf32> to vector<2048x256xf32>
    %add3A_140 = arith.addf %dot_general3A_135, %add3A_139 : vector<2048x256xf32>
    %swap3A = arith.constant 0 : index
    %swap3A_141 = arith.constant 0 : index
    %swap3A_142 = vector.load %arg15[%swap3A, %swap3A_141] : memref<2048x256xbf16, #tpu.memory_space<vmem>>, vector<2048x256xbf16>
    tpu.vector_store %arg15[%swap3A, %swap3A_141], %add3A_102 {strides = array<i32>} : memref<2048x256xbf16, #tpu.memory_space<vmem>>, vector<2048x256xbf16>,
    %convert_element_type3A_143 = arith.extf %add3A_102 : vector<2048x256xbf16> to vector<2048x256xf32>
    %add3A_144 = arith.addf %convert_element_type3A_143, %add3A_140 : vector<2048x256xf32>
    %convert_element_type3A_145 = arith.truncf %add3A_144 : vector<2048x256xf32> to vector<2048x256xbf16>
    %swap3A_146 = arith.constant 0 : index
    %swap3A_147 = arith.constant 0 : index
    %swap3A_148 = vector.load %arg16[%swap3A_146, %swap3A_147] : memref<2048x256xbf16, #tpu.memory_space<vmem>>, vector<2048x256xbf16>
    tpu.vector_store %arg16[%swap3A_146, %swap3A_147], %convert_element_type3A_145 {strides = array<i32>} : memref<2048x256xbf16, #tpu.memory_space<vmem>>, vector<2048x256xbf16>,
    return
  }
  func.func @transform_0(%arg0: i32) -> (i32, i32) {
    %c0_i32 = arith.constant 0 : i32
    %c0_i32_0 = arith.constant 0 : i32
    return %arg0, %c0_i32 : i32, i32
  }
  func.func @transform_1(%arg0: i32) -> (i32, i32) {
    %c0_i32 = arith.constant 0 : i32
    %c0_i32_0 = arith.constant 0 : i32
    return %arg0, %c0_i32 : i32, i32
  }
  func.func @transform_2(%arg0: i32) -> (i32, i32) {
    %c0_i32 = arith.constant 0 : i32
    %c0_i32_0 = arith.constant 0 : i32
    %c0_i32_1 = arith.constant 0 : i32
    return %c0_i32, %c0_i32_0 : i32, i32
  }
  func.func @transform_3(%arg0: i32) -> (i32, i32) {
    %c0_i32 = arith.constant 0 : i32
    %c0_i32_0 = arith.constant 0 : i32
    %c0_i32_1 = arith.constant 0 : i32
    return %c0_i32, %c0_i32_0 : i32, i32
  }
  func.func @transform_4(%arg0: i32) -> (i32, i32) {
    %c0_i32 = arith.constant 0 : i32
    %c0_i32_0 = arith.constant 0 : i32
    %c0_i32_1 = arith.constant 0 : i32
    return %c0_i32, %c0_i32_0 : i32, i32
  }
  func.func @transform_5(%arg0: i32) -> (i32, i32) {
    %c0_i32 = arith.constant 0 : i32
    %c0_i32_0 = arith.constant 0 : i32
    %c0_i32_1 = arith.constant 0 : i32
    return %c0_i32, %c0_i32_0 : i32, i32
  }
  func.func @transform_6(%arg0: i32) -> (i32, i32) {
    %c0_i32 = arith.constant 0 : i32
    %c0_i32_0 = arith.constant 0 : i32
    %c0_i32_1 = arith.constant 0 : i32
    return %c0_i32, %c0_i32_0 : i32, i32
  }
  func.func @transform_7(%arg0: i32) -> (i32, i32) {
    %c0_i32 = arith.constant 0 : i32
    %c0_i32_0 = arith.constant 0 : i32
    %c0_i32_1 = arith.constant 0 : i32
    return %c0_i32, %c0_i32_0 : i32, i32
  }
  func.func @transform_8(%arg0: i32) -> (i32, i32) {
    %c0_i32 = arith.constant 0 : i32
    %c0_i32_0 = arith.constant 0 : i32
    %c0_i32_1 = arith.constant 0 : i32
    return %c0_i32, %c0_i32_0 : i32, i32
  }
  func.func @transform_9(%arg0: i32) -> (i32, i32) {
    %c0_i32 = arith.constant 0 : i32
    %c0_i32_0 = arith.constant 0 : i32
    %c0_i32_1 = arith.constant 0 : i32
    return %c0_i32, %c0_i32_0 : i32, i32
  }
  func.func @transform_10(%arg0: i32) -> (i32, i32) {
    %c0_i32 = arith.constant 0 : i32
    %c0_i32_0 = arith.constant 0 : i32
    %c0_i32_1 = arith.constant 0 : i32
    return %c0_i32, %c0_i32_0 : i32, i32
  }
  func.func @transform_11(%arg0: i32) -> (i32, i32) {
    %c0_i32 = arith.constant 0 : i32
    %c0_i32_0 = arith.constant 0 : i32
    %c0_i32_1 = arith.constant 0 : i32
    return %c0_i32, %c0_i32_0 : i32, i32
  }
  func.func @transform_12(%arg0: i32) -> (i32, i32) {
    %c0_i32 = arith.constant 0 : i32
    %c0_i32_0 = arith.constant 0 : i32
    %c0_i32_1 = arith.constant 0 : i32
    return %c0_i32, %c0_i32_0 : i32, i32
  }
  func.func @transform_13(%arg0: i32) -> (i32, i32) {
    %c0_i32 = arith.constant 0 : i32
    %c0_i32_0 = arith.constant 0 : i32
    %c0_i32_1 = arith.constant 0 : i32
    return %c0_i32, %c0_i32_0 : i32, i32
  }
  func.func @transform_14(%arg0: i32) -> (i32, i32) {
    %c0_i32 = arith.constant 0 : i32
    %c0_i32_0 = arith.constant 0 : i32
    return %arg0, %c0_i32 : i32, i32
  }
  func.func @transform_15(%arg0: i32) -> (i32, i32) {
    %c0_i32 = arith.constant 0 : i32
    %c0_i32_0 = arith.constant 0 : i32
    return %arg0, %c0_i32 : i32, i32
  }
}

module attributes {stable_mosaic.version = 14 : i64} {
  func.func @body(%arg0: i32, %arg1: memref<512x128xf32, #tpu.memory_space<vmem>>, %arg2: memref<512x128xf32, #tpu.memory_space<vmem>>, %arg3: memref<4096x256xbf16, #tpu.memory_space<vmem>>, %arg4: memref<4096x256xbf16, #tpu.memory_space<vmem>>, %arg5: memref<16x256xf32, #tpu.memory_space<vmem>>, %arg6: memref<256x16xf32, #tpu.memory_space<vmem>>, %arg7: memref<512x128xf32, #tpu.memory_space<vmem>>) attributes {dimension_semantics = [#tpu.dimension_semantics<arbitrary>], iteration_bounds = array<i64: 40>, scalar_prefetch = 0 : i64, scratch_operands = 0 : i64, tpu.core_type = #tpu.core_type<tc>, window_params = [{transform_indices = @transform_0, window_bounds = array<i64: 512, 128>}, {transform_indices = @transform_1, window_bounds = array<i64: 512, 128>}, {transform_indices = @transform_2, window_bounds = array<i64: 4096, 256>}, {transform_indices = @transform_3, window_bounds = array<i64: 4096, 256>}, {pipeline_mode = #tpu.pipeline_mode<synchronous>, transform_indices = @transform_4, window_bounds = array<i64: 16, 256>}, {pipeline_mode = #tpu.pipeline_mode<synchronous>, transform_indices = @transform_5, window_bounds = array<i64: 256, 16>}, {transform_indices = @transform_6, window_bounds = array<i64: 512, 128>}]} {
    %get3A = arith.constant 0 : index
    %get3A_0 = arith.constant 0 : index
    %get3A_1 = vector.load %arg1[%get3A, %get3A_0] : memref<512x128xf32, #tpu.memory_space<vmem>>, vector<512x128xf32>
    %get3A_2 = arith.constant 0 : index
    %get3A_3 = arith.constant 0 : index
    %get3A_4 = vector.load %arg2[%get3A_2, %get3A_3] : memref<512x128xf32, #tpu.memory_space<vmem>>, vector<512x128xf32>
    %slice3A = vector.extract_strided_slice %get3A_1 {offsets = [0, 0], sizes = [512, 16], strides = [1, 1]} : vector<512x128xf32> to vector<512x16xf32>
    %slice3A_5 = vector.extract_strided_slice %get3A_1 {offsets = [0, 16], sizes = [512, 16], strides = [1, 1]} : vector<512x128xf32> to vector<512x16xf32>
    %slice3A_6 = vector.extract_strided_slice %get3A_1 {offsets = [0, 32], sizes = [512, 16], strides = [1, 1]} : vector<512x128xf32> to vector<512x16xf32>
    %slice3A_7 = vector.extract_strided_slice %get3A_1 {offsets = [0, 48], sizes = [512, 16], strides = [1, 1]} : vector<512x128xf32> to vector<512x16xf32>
    %slice3A_8 = vector.extract_strided_slice %get3A_1 {offsets = [0, 64], sizes = [512, 16], strides = [1, 1]} : vector<512x128xf32> to vector<512x16xf32>
    %slice3A_9 = vector.extract_strided_slice %get3A_1 {offsets = [0, 80], sizes = [512, 16], strides = [1, 1]} : vector<512x128xf32> to vector<512x16xf32>
    %slice3A_10 = vector.extract_strided_slice %get3A_1 {offsets = [0, 96], sizes = [512, 16], strides = [1, 1]} : vector<512x128xf32> to vector<512x16xf32>
    %slice3A_11 = vector.extract_strided_slice %get3A_1 {offsets = [0, 112], sizes = [512, 16], strides = [1, 1]} : vector<512x128xf32> to vector<512x16xf32>
    %concatenate3A = tpu.concatenate %slice3A, %slice3A_5, %slice3A_6, %slice3A_7, %slice3A_8, %slice3A_9, %slice3A_10, %slice3A_11 in 0 : vector<512x16xf32>, vector<512x16xf32>, vector<512x16xf32>, vector<512x16xf32>, vector<512x16xf32>, vector<512x16xf32>, vector<512x16xf32>, vector<512x16xf32> -> vector<4096x16xf32>
    %slice3A_12 = vector.extract_strided_slice %get3A_4 {offsets = [0, 0], sizes = [512, 16], strides = [1, 1]} : vector<512x128xf32> to vector<512x16xf32>
    %slice3A_13 = vector.extract_strided_slice %get3A_4 {offsets = [0, 16], sizes = [512, 16], strides = [1, 1]} : vector<512x128xf32> to vector<512x16xf32>
    %slice3A_14 = vector.extract_strided_slice %get3A_4 {offsets = [0, 32], sizes = [512, 16], strides = [1, 1]} : vector<512x128xf32> to vector<512x16xf32>
    %slice3A_15 = vector.extract_strided_slice %get3A_4 {offsets = [0, 48], sizes = [512, 16], strides = [1, 1]} : vector<512x128xf32> to vector<512x16xf32>
    %slice3A_16 = vector.extract_strided_slice %get3A_4 {offsets = [0, 64], sizes = [512, 16], strides = [1, 1]} : vector<512x128xf32> to vector<512x16xf32>
    %slice3A_17 = vector.extract_strided_slice %get3A_4 {offsets = [0, 80], sizes = [512, 16], strides = [1, 1]} : vector<512x128xf32> to vector<512x16xf32>
    %slice3A_18 = vector.extract_strided_slice %get3A_4 {offsets = [0, 96], sizes = [512, 16], strides = [1, 1]} : vector<512x128xf32> to vector<512x16xf32>
    %slice3A_19 = vector.extract_strided_slice %get3A_4 {offsets = [0, 112], sizes = [512, 16], strides = [1, 1]} : vector<512x128xf32> to vector<512x16xf32>
    %concatenate3A_20 = tpu.concatenate %slice3A_12, %slice3A_13, %slice3A_14, %slice3A_15, %slice3A_16, %slice3A_17, %slice3A_18, %slice3A_19 in 0 : vector<512x16xf32>, vector<512x16xf32>, vector<512x16xf32>, vector<512x16xf32>, vector<512x16xf32>, vector<512x16xf32>, vector<512x16xf32>, vector<512x16xf32> -> vector<4096x16xf32>
    %get3A_21 = arith.constant 0 : index
    %get3A_22 = arith.constant 0 : index
    %get3A_23 = vector.load %arg5[%get3A_21, %get3A_22] : memref<16x256xf32, #tpu.memory_space<vmem>>, vector<16x256xf32>
    %dot_general3A = arith.constant dense<0.000000e+00> : vector<4096x256xf32>
    %dot_general3A_24 = tpu.matmul %concatenate3A, %get3A_23, %dot_general3A {dimension_numbers = #tpu.dot_dimension_numbers<[1], [0], [0], [1], [0, 0, 1, 1], [], []>, transpose_lhs_hint = false} : vector<4096x16xf32>, vector<16x256xf32>, vector<4096x256xf32> -> vector<4096x256xf32>
    %get3A_25 = arith.constant 0 : index
    %get3A_26 = arith.constant 0 : index
    %get3A_27 = vector.load %arg5[%get3A_25, %get3A_26] : memref<16x256xf32, #tpu.memory_space<vmem>>, vector<16x256xf32>
    %dot_general3A_28 = arith.constant dense<0.000000e+00> : vector<4096x256xf32>
    %dot_general3A_29 = tpu.matmul %concatenate3A_20, %get3A_27, %dot_general3A_28 {dimension_numbers = #tpu.dot_dimension_numbers<[1], [0], [0], [1], [0, 0, 1, 1], [], []>, transpose_lhs_hint = false} : vector<4096x16xf32>, vector<16x256xf32>, vector<4096x256xf32> -> vector<4096x256xf32>
    %get3A_30 = arith.constant 0 : index
    %get3A_31 = arith.constant 0 : index
    %get3A_32 = vector.load %arg4[%get3A_30, %get3A_31] : memref<4096x256xbf16, #tpu.memory_space<vmem>>, vector<4096x256xbf16>
    %convert_element_type3A = arith.extf %get3A_32 : vector<4096x256xbf16> to vector<4096x256xf32>
    %mul3A = arith.mulf %dot_general3A_24, %convert_element_type3A : vector<4096x256xf32>
    %get3A_33 = arith.constant 0 : index
    %get3A_34 = arith.constant 0 : index
    %get3A_35 = vector.load %arg3[%get3A_33, %get3A_34] : memref<4096x256xbf16, #tpu.memory_space<vmem>>, vector<4096x256xbf16>
    %convert_element_type3A_36 = arith.extf %get3A_35 : vector<4096x256xbf16> to vector<4096x256xf32>
    %mul3A_37 = arith.mulf %dot_general3A_29, %convert_element_type3A_36 : vector<4096x256xf32>
    %sub3A = arith.subf %mul3A, %mul3A_37 : vector<4096x256xf32>
    %get3A_38 = arith.constant 0 : index
    %get3A_39 = arith.constant 0 : index
    %get3A_40 = vector.load %arg6[%get3A_38, %get3A_39] : memref<256x16xf32, #tpu.memory_space<vmem>>, vector<256x16xf32>
    %dot_general3A_41 = arith.constant dense<0.000000e+00> : vector<4096x16xf32>
    %dot_general3A_42 = tpu.matmul %sub3A, %get3A_40, %dot_general3A_41 {dimension_numbers = #tpu.dot_dimension_numbers<[1], [0], [0], [1], [0, 0, 1, 1], [], []>, transpose_lhs_hint = false} : vector<4096x256xf32>, vector<256x16xf32>, vector<4096x16xf32> -> vector<4096x16xf32>
    %slice3A_43 = vector.extract_strided_slice %dot_general3A_42 {offsets = [0, 0], sizes = [512, 16], strides = [1, 1]} : vector<4096x16xf32> to vector<512x16xf32>
    %swap3A = arith.constant 0 : index
    %swap3A_44 = arith.constant 0 : index
    %swap3A_45 = vector.load %arg7[%swap3A, %swap3A_44] : memref<512x128xf32, #tpu.memory_space<vmem>>, vector<512x16xf32>
    tpu.vector_store %arg7[%swap3A, %swap3A_44], %slice3A_43 {strides = array<i32>} : memref<512x128xf32, #tpu.memory_space<vmem>>, vector<512x16xf32>,
    %slice3A_46 = vector.extract_strided_slice %dot_general3A_42 {offsets = [512, 0], sizes = [512, 16], strides = [1, 1]} : vector<4096x16xf32> to vector<512x16xf32>
    %swap3A_47 = arith.constant 0 : index
    %swap3A_48 = arith.constant 16 : index
    %swap3A_49 = vector.load %arg7[%swap3A_47, %swap3A_48] : memref<512x128xf32, #tpu.memory_space<vmem>>, vector<512x16xf32>
    tpu.vector_store %arg7[%swap3A_47, %swap3A_48], %slice3A_46 {strides = array<i32>} : memref<512x128xf32, #tpu.memory_space<vmem>>, vector<512x16xf32>,
    %slice3A_50 = vector.extract_strided_slice %dot_general3A_42 {offsets = [1024, 0], sizes = [512, 16], strides = [1, 1]} : vector<4096x16xf32> to vector<512x16xf32>
    %swap3A_51 = arith.constant 0 : index
    %swap3A_52 = arith.constant 32 : index
    %swap3A_53 = vector.load %arg7[%swap3A_51, %swap3A_52] : memref<512x128xf32, #tpu.memory_space<vmem>>, vector<512x16xf32>
    tpu.vector_store %arg7[%swap3A_51, %swap3A_52], %slice3A_50 {strides = array<i32>} : memref<512x128xf32, #tpu.memory_space<vmem>>, vector<512x16xf32>,
    %slice3A_54 = vector.extract_strided_slice %dot_general3A_42 {offsets = [1536, 0], sizes = [512, 16], strides = [1, 1]} : vector<4096x16xf32> to vector<512x16xf32>
    %swap3A_55 = arith.constant 0 : index
    %swap3A_56 = arith.constant 48 : index
    %swap3A_57 = vector.load %arg7[%swap3A_55, %swap3A_56] : memref<512x128xf32, #tpu.memory_space<vmem>>, vector<512x16xf32>
    tpu.vector_store %arg7[%swap3A_55, %swap3A_56], %slice3A_54 {strides = array<i32>} : memref<512x128xf32, #tpu.memory_space<vmem>>, vector<512x16xf32>,
    %slice3A_58 = vector.extract_strided_slice %dot_general3A_42 {offsets = [2048, 0], sizes = [512, 16], strides = [1, 1]} : vector<4096x16xf32> to vector<512x16xf32>
    %swap3A_59 = arith.constant 0 : index
    %swap3A_60 = arith.constant 64 : index
    %swap3A_61 = vector.load %arg7[%swap3A_59, %swap3A_60] : memref<512x128xf32, #tpu.memory_space<vmem>>, vector<512x16xf32>
    tpu.vector_store %arg7[%swap3A_59, %swap3A_60], %slice3A_58 {strides = array<i32>} : memref<512x128xf32, #tpu.memory_space<vmem>>, vector<512x16xf32>,
    %slice3A_62 = vector.extract_strided_slice %dot_general3A_42 {offsets = [2560, 0], sizes = [512, 16], strides = [1, 1]} : vector<4096x16xf32> to vector<512x16xf32>
    %swap3A_63 = arith.constant 0 : index
    %swap3A_64 = arith.constant 80 : index
    %swap3A_65 = vector.load %arg7[%swap3A_63, %swap3A_64] : memref<512x128xf32, #tpu.memory_space<vmem>>, vector<512x16xf32>
    tpu.vector_store %arg7[%swap3A_63, %swap3A_64], %slice3A_62 {strides = array<i32>} : memref<512x128xf32, #tpu.memory_space<vmem>>, vector<512x16xf32>,
    %slice3A_66 = vector.extract_strided_slice %dot_general3A_42 {offsets = [3072, 0], sizes = [512, 16], strides = [1, 1]} : vector<4096x16xf32> to vector<512x16xf32>
    %swap3A_67 = arith.constant 0 : index
    %swap3A_68 = arith.constant 96 : index
    %swap3A_69 = vector.load %arg7[%swap3A_67, %swap3A_68] : memref<512x128xf32, #tpu.memory_space<vmem>>, vector<512x16xf32>
    tpu.vector_store %arg7[%swap3A_67, %swap3A_68], %slice3A_66 {strides = array<i32>} : memref<512x128xf32, #tpu.memory_space<vmem>>, vector<512x16xf32>,
    %slice3A_70 = vector.extract_strided_slice %dot_general3A_42 {offsets = [3584, 0], sizes = [512, 16], strides = [1, 1]} : vector<4096x16xf32> to vector<512x16xf32>
    %swap3A_71 = arith.constant 0 : index
    %swap3A_72 = arith.constant 112 : index
    %swap3A_73 = vector.load %arg7[%swap3A_71, %swap3A_72] : memref<512x128xf32, #tpu.memory_space<vmem>>, vector<512x16xf32>
    tpu.vector_store %arg7[%swap3A_71, %swap3A_72], %slice3A_70 {strides = array<i32>} : memref<512x128xf32, #tpu.memory_space<vmem>>, vector<512x16xf32>,
    return
  }
  func.func @transform_0(%arg0: i32) -> (i32, i32) {
    %c0_i32 = arith.constant 0 : i32
    %c0_i32_0 = arith.constant 0 : i32
    return %arg0, %c0_i32 : i32, i32
  }
  func.func @transform_1(%arg0: i32) -> (i32, i32) {
    %c0_i32 = arith.constant 0 : i32
    %c0_i32_0 = arith.constant 0 : i32
    return %arg0, %c0_i32 : i32, i32
  }
  func.func @transform_2(%arg0: i32) -> (i32, i32) {
    %c0_i32 = arith.constant 0 : i32
    %c0_i32_0 = arith.constant 0 : i32
    return %arg0, %c0_i32 : i32, i32
  }
  func.func @transform_3(%arg0: i32) -> (i32, i32) {
    %c0_i32 = arith.constant 0 : i32
    %c0_i32_0 = arith.constant 0 : i32
    return %arg0, %c0_i32 : i32, i32
  }
  func.func @transform_4(%arg0: i32) -> (i32, i32) {
    %c0_i32 = arith.constant 0 : i32
    %c0_i32_0 = arith.constant 0 : i32
    %c0_i32_1 = arith.constant 0 : i32
    return %c0_i32, %c0_i32_0 : i32, i32
  }
  func.func @transform_5(%arg0: i32) -> (i32, i32) {
    %c0_i32 = arith.constant 0 : i32
    %c0_i32_0 = arith.constant 0 : i32
    %c0_i32_1 = arith.constant 0 : i32
    return %c0_i32, %c0_i32_0 : i32, i32
  }
  func.func @transform_6(%arg0: i32) -> (i32, i32) {
    %c0_i32 = arith.constant 0 : i32
    %c0_i32_0 = arith.constant 0 : i32
    return %arg0, %c0_i32 : i32, i32
  }
}

module attributes {stable_mosaic.version = 14 : i64} {
  func.func @body(%arg0: i32, %arg1: memref<2000x16xf32, #tpu.memory_space<vmem>>, %arg2: memref<2000x16xf32, #tpu.memory_space<vmem>>, %arg3: memref<2000x16xf32, #tpu.memory_space<vmem>>, %arg4: memref<2000x16xf32, #tpu.memory_space<vmem>>, %arg5: memref<2000x16xf32, #tpu.memory_space<vmem>>, %arg6: memref<16x16xf32, #tpu.memory_space<vmem>>, %arg7: memref<1x16xf32, #tpu.memory_space<vmem>>, %arg8: memref<2000x16xf32, #tpu.memory_space<vmem>>) attributes {dimension_semantics = [#tpu.dimension_semantics<arbitrary>], iteration_bounds = array<i64: 5>, scalar_prefetch = 0 : i64, scratch_operands = 0 : i64, tpu.core_type = #tpu.core_type<tc>, window_params = [{transform_indices = @transform_0, window_bounds = array<i64: 2000, 16>}, {transform_indices = @transform_1, window_bounds = array<i64: 2000, 16>}, {transform_indices = @transform_2, window_bounds = array<i64: 2000, 16>}, {transform_indices = @transform_3, window_bounds = array<i64: 2000, 16>}, {transform_indices = @transform_4, window_bounds = array<i64: 2000, 16>}, {pipeline_mode = #tpu.pipeline_mode<synchronous>, transform_indices = @transform_5, window_bounds = array<i64: 16, 16>}, {pipeline_mode = #tpu.pipeline_mode<synchronous>, transform_indices = @transform_6, window_bounds = array<i64: 1, 16>}, {transform_indices = @transform_7, window_bounds = array<i64: 2000, 16>}]} {
    %get3A = arith.constant 0 : index
    %get3A_0 = arith.constant 0 : index
    %get3A_1 = vector.load %arg1[%get3A, %get3A_0] : memref<2000x16xf32, #tpu.memory_space<vmem>>, vector<2000x16xf32>
    %get3A_2 = arith.constant 0 : index
    %get3A_3 = arith.constant 0 : index
    %get3A_4 = vector.load %arg2[%get3A_2, %get3A_3] : memref<2000x16xf32, #tpu.memory_space<vmem>>, vector<2000x16xf32>
    %add3A = arith.addf %get3A_1, %get3A_4 : vector<2000x16xf32>
    %get3A_5 = arith.constant 0 : index
    %get3A_6 = arith.constant 0 : index
    %get3A_7 = vector.load %arg3[%get3A_5, %get3A_6] : memref<2000x16xf32, #tpu.memory_space<vmem>>, vector<2000x16xf32>
    %get3A_8 = arith.constant 0 : index
    %get3A_9 = arith.constant 0 : index
    %get3A_10 = vector.load %arg4[%get3A_8, %get3A_9] : memref<2000x16xf32, #tpu.memory_space<vmem>>, vector<2000x16xf32>
    %add3A_11 = arith.addf %get3A_7, %get3A_10 : vector<2000x16xf32>
    %max3A = arith.constant 1.000000e+00 : f32
    %max3A_12 = vector.broadcast %max3A : f32 to vector<2000x16xf32>
    %max3A_13 = arith.maximumf %add3A_11, %max3A_12 : vector<2000x16xf32>
    %div3A = arith.divf %add3A, %max3A_13 : vector<2000x16xf32>
    %get3A_14 = arith.constant 0 : index
    %get3A_15 = arith.constant 0 : index
    %get3A_16 = vector.load %arg5[%get3A_14, %get3A_15] : memref<2000x16xf32, #tpu.memory_space<vmem>>, vector<2000x16xf32>
    %get3A_17 = arith.constant 0 : index
    %get3A_18 = arith.constant 0 : index
    %get3A_19 = vector.load %arg6[%get3A_17, %get3A_18] : memref<16x16xf32, #tpu.memory_space<vmem>>, vector<16x16xf32>
    %dot_general3A = arith.constant dense<0.000000e+00> : vector<2000x16xf32>
    %dot_general3A_20 = tpu.matmul %get3A_16, %get3A_19, %dot_general3A {dimension_numbers = #tpu.dot_dimension_numbers<[1], [0], [0], [1], [0, 0, 1, 1], [], []>, transpose_lhs_hint = false} : vector<2000x16xf32>, vector<16x16xf32>, vector<2000x16xf32> -> vector<2000x16xf32>
    %add3A_21 = arith.addf %div3A, %dot_general3A_20 : vector<2000x16xf32>
    %get3A_22 = arith.constant 0 : index
    %get3A_23 = arith.constant 0 : index
    %get3A_24 = vector.load %arg7[%get3A_22, %get3A_23] : memref<1x16xf32, #tpu.memory_space<vmem>>, vector<1x16xf32>
    %add3A_25 = vector.broadcast %get3A_24 : vector<1x16xf32> to vector<2000x16xf32>
    %add3A_26 = arith.addf %add3A_21, %add3A_25 : vector<2000x16xf32>
    %max3A_27 = arith.constant 0.000000e+00 : f32
    %max3A_28 = vector.broadcast %max3A_27 : f32 to vector<2000x16xf32>
    %max3A_29 = arith.maximumf %add3A_26, %max3A_28 : vector<2000x16xf32>
    %swap3A = arith.constant 0 : index
    %swap3A_30 = arith.constant 0 : index
    %swap3A_31 = vector.load %arg8[%swap3A, %swap3A_30] : memref<2000x16xf32, #tpu.memory_space<vmem>>, vector<2000x16xf32>
    tpu.vector_store %arg8[%swap3A, %swap3A_30], %max3A_29 {strides = array<i32>} : memref<2000x16xf32, #tpu.memory_space<vmem>>, vector<2000x16xf32>,
    return
  }
  func.func @transform_0(%arg0: i32) -> (i32, i32) {
    %c0_i32 = arith.constant 0 : i32
    %c0_i32_0 = arith.constant 0 : i32
    return %arg0, %c0_i32 : i32, i32
  }
  func.func @transform_1(%arg0: i32) -> (i32, i32) {
    %c0_i32 = arith.constant 0 : i32
    %c0_i32_0 = arith.constant 0 : i32
    return %arg0, %c0_i32 : i32, i32
  }
  func.func @transform_2(%arg0: i32) -> (i32, i32) {
    %c0_i32 = arith.constant 0 : i32
    %c0_i32_0 = arith.constant 0 : i32
    return %arg0, %c0_i32 : i32, i32
  }
  func.func @transform_3(%arg0: i32) -> (i32, i32) {
    %c0_i32 = arith.constant 0 : i32
    %c0_i32_0 = arith.constant 0 : i32
    return %arg0, %c0_i32 : i32, i32
  }
  func.func @transform_4(%arg0: i32) -> (i32, i32) {
    %c0_i32 = arith.constant 0 : i32
    %c0_i32_0 = arith.constant 0 : i32
    return %arg0, %c0_i32 : i32, i32
  }
  func.func @transform_5(%arg0: i32) -> (i32, i32) {
    %c0_i32 = arith.constant 0 : i32
    %c0_i32_0 = arith.constant 0 : i32
    %c0_i32_1 = arith.constant 0 : i32
    return %c0_i32, %c0_i32_0 : i32, i32
  }
  func.func @transform_6(%arg0: i32) -> (i32, i32) {
    %c0_i32 = arith.constant 0 : i32
    %c0_i32_0 = arith.constant 0 : i32
    %c0_i32_1 = arith.constant 0 : i32
    return %c0_i32, %c0_i32_0 : i32, i32
  }
  func.func @transform_7(%arg0: i32) -> (i32, i32) {
    %c0_i32 = arith.constant 0 : i32
    %c0_i32_0 = arith.constant 0 : i32
    return %arg0, %c0_i32 : i32, i32
  }
}

module attributes {stable_mosaic.version = 14 : i64} {
  func.func @body(%arg0: i32, %arg1: memref<2000x16xf32, #tpu.memory_space<vmem>>, %arg2: memref<2000x16xf32, #tpu.memory_space<vmem>>, %arg3: memref<2000x16xf32, #tpu.memory_space<vmem>>, %arg4: memref<2000x16xf32, #tpu.memory_space<vmem>>, %arg5: memref<2000x16xf32, #tpu.memory_space<vmem>>, %arg6: memref<16x16xf32, #tpu.memory_space<vmem>>, %arg7: memref<1x16xf32, #tpu.memory_space<vmem>>, %arg8: memref<16x128xf32, #tpu.memory_space<vmem>>, %arg9: memref<1x128xf32, #tpu.memory_space<vmem>>, %arg10: memref<2000x128xf32, #tpu.memory_space<vmem>>) attributes {dimension_semantics = [#tpu.dimension_semantics<arbitrary>], iteration_bounds = array<i64: 5>, scalar_prefetch = 0 : i64, scratch_operands = 0 : i64, tpu.core_type = #tpu.core_type<tc>, window_params = [{transform_indices = @transform_0, window_bounds = array<i64: 2000, 16>}, {transform_indices = @transform_1, window_bounds = array<i64: 2000, 16>}, {transform_indices = @transform_2, window_bounds = array<i64: 2000, 16>}, {transform_indices = @transform_3, window_bounds = array<i64: 2000, 16>}, {transform_indices = @transform_4, window_bounds = array<i64: 2000, 16>}, {pipeline_mode = #tpu.pipeline_mode<synchronous>, transform_indices = @transform_5, window_bounds = array<i64: 16, 16>}, {pipeline_mode = #tpu.pipeline_mode<synchronous>, transform_indices = @transform_6, window_bounds = array<i64: 1, 16>}, {pipeline_mode = #tpu.pipeline_mode<synchronous>, transform_indices = @transform_7, window_bounds = array<i64: 16, 128>}, {pipeline_mode = #tpu.pipeline_mode<synchronous>, transform_indices = @transform_8, window_bounds = array<i64: 1, 128>}, {transform_indices = @transform_9, window_bounds = array<i64: 2000, 128>}]} {
    %get3A = arith.constant 0 : index
    %get3A_0 = arith.constant 0 : index
    %get3A_1 = vector.load %arg1[%get3A, %get3A_0] : memref<2000x16xf32, #tpu.memory_space<vmem>>, vector<2000x16xf32>
    %get3A_2 = arith.constant 0 : index
    %get3A_3 = arith.constant 0 : index
    %get3A_4 = vector.load %arg2[%get3A_2, %get3A_3] : memref<2000x16xf32, #tpu.memory_space<vmem>>, vector<2000x16xf32>
    %add3A = arith.addf %get3A_1, %get3A_4 : vector<2000x16xf32>
    %get3A_5 = arith.constant 0 : index
    %get3A_6 = arith.constant 0 : index
    %get3A_7 = vector.load %arg3[%get3A_5, %get3A_6] : memref<2000x16xf32, #tpu.memory_space<vmem>>, vector<2000x16xf32>
    %get3A_8 = arith.constant 0 : index
    %get3A_9 = arith.constant 0 : index
    %get3A_10 = vector.load %arg4[%get3A_8, %get3A_9] : memref<2000x16xf32, #tpu.memory_space<vmem>>, vector<2000x16xf32>
    %add3A_11 = arith.addf %get3A_7, %get3A_10 : vector<2000x16xf32>
    %max3A = arith.constant 1.000000e+00 : f32
    %max3A_12 = vector.broadcast %max3A : f32 to vector<2000x16xf32>
    %max3A_13 = arith.maximumf %add3A_11, %max3A_12 : vector<2000x16xf32>
    %div3A = arith.divf %add3A, %max3A_13 : vector<2000x16xf32>
    %get3A_14 = arith.constant 0 : index
    %get3A_15 = arith.constant 0 : index
    %get3A_16 = vector.load %arg5[%get3A_14, %get3A_15] : memref<2000x16xf32, #tpu.memory_space<vmem>>, vector<2000x16xf32>
    %get3A_17 = arith.constant 0 : index
    %get3A_18 = arith.constant 0 : index
    %get3A_19 = vector.load %arg6[%get3A_17, %get3A_18] : memref<16x16xf32, #tpu.memory_space<vmem>>, vector<16x16xf32>
    %dot_general3A = arith.constant dense<0.000000e+00> : vector<2000x16xf32>
    %dot_general3A_20 = tpu.matmul %get3A_16, %get3A_19, %dot_general3A {dimension_numbers = #tpu.dot_dimension_numbers<[1], [0], [0], [1], [0, 0, 1, 1], [], []>, transpose_lhs_hint = false} : vector<2000x16xf32>, vector<16x16xf32>, vector<2000x16xf32> -> vector<2000x16xf32>
    %add3A_21 = arith.addf %div3A, %dot_general3A_20 : vector<2000x16xf32>
    %get3A_22 = arith.constant 0 : index
    %get3A_23 = arith.constant 0 : index
    %get3A_24 = vector.load %arg7[%get3A_22, %get3A_23] : memref<1x16xf32, #tpu.memory_space<vmem>>, vector<1x16xf32>
    %add3A_25 = vector.broadcast %get3A_24 : vector<1x16xf32> to vector<2000x16xf32>
    %add3A_26 = arith.addf %add3A_21, %add3A_25 : vector<2000x16xf32>
    %max3A_27 = arith.constant 0.000000e+00 : f32
    %max3A_28 = vector.broadcast %max3A_27 : f32 to vector<2000x16xf32>
    %max3A_29 = arith.maximumf %add3A_26, %max3A_28 : vector<2000x16xf32>
    %get3A_30 = arith.constant 0 : index
    %get3A_31 = arith.constant 0 : index
    %get3A_32 = vector.load %arg8[%get3A_30, %get3A_31] : memref<16x128xf32, #tpu.memory_space<vmem>>, vector<16x128xf32>
    %dot_general3A_33 = arith.constant dense<0.000000e+00> : vector<2000x128xf32>
    %dot_general3A_34 = tpu.matmul %max3A_29, %get3A_32, %dot_general3A_33 {dimension_numbers = #tpu.dot_dimension_numbers<[1], [0], [0], [1], [0, 0, 1, 1], [], []>, transpose_lhs_hint = false} : vector<2000x16xf32>, vector<16x128xf32>, vector<2000x128xf32> -> vector<2000x128xf32>
    %get3A_35 = arith.constant 0 : index
    %get3A_36 = arith.constant 0 : index
    %get3A_37 = vector.load %arg9[%get3A_35, %get3A_36] : memref<1x128xf32, #tpu.memory_space<vmem>>, vector<1x128xf32>
    %add3A_38 = vector.broadcast %get3A_37 : vector<1x128xf32> to vector<2000x128xf32>
    %add3A_39 = arith.addf %dot_general3A_34, %add3A_38 : vector<2000x128xf32>
    %swap3A = arith.constant 0 : index
    %swap3A_40 = arith.constant 0 : index
    %swap3A_41 = vector.load %arg10[%swap3A, %swap3A_40] : memref<2000x128xf32, #tpu.memory_space<vmem>>, vector<2000x128xf32>
    tpu.vector_store %arg10[%swap3A, %swap3A_40], %add3A_39 {strides = array<i32>} : memref<2000x128xf32, #tpu.memory_space<vmem>>, vector<2000x128xf32>,
    return
  }
  func.func @transform_0(%arg0: i32) -> (i32, i32) {
    %c0_i32 = arith.constant 0 : i32
    %c0_i32_0 = arith.constant 0 : i32
    return %arg0, %c0_i32 : i32, i32
  }
  func.func @transform_1(%arg0: i32) -> (i32, i32) {
    %c0_i32 = arith.constant 0 : i32
    %c0_i32_0 = arith.constant 0 : i32
    return %arg0, %c0_i32 : i32, i32
  }
  func.func @transform_2(%arg0: i32) -> (i32, i32) {
    %c0_i32 = arith.constant 0 : i32
    %c0_i32_0 = arith.constant 0 : i32
    return %arg0, %c0_i32 : i32, i32
  }
  func.func @transform_3(%arg0: i32) -> (i32, i32) {
    %c0_i32 = arith.constant 0 : i32
    %c0_i32_0 = arith.constant 0 : i32
    return %arg0, %c0_i32 : i32, i32
  }
  func.func @transform_4(%arg0: i32) -> (i32, i32) {
    %c0_i32 = arith.constant 0 : i32
    %c0_i32_0 = arith.constant 0 : i32
    return %arg0, %c0_i32 : i32, i32
  }
  func.func @transform_5(%arg0: i32) -> (i32, i32) {
    %c0_i32 = arith.constant 0 : i32
    %c0_i32_0 = arith.constant 0 : i32
    %c0_i32_1 = arith.constant 0 : i32
    return %c0_i32, %c0_i32_0 : i32, i32
  }
  func.func @transform_6(%arg0: i32) -> (i32, i32) {
    %c0_i32 = arith.constant 0 : i32
    %c0_i32_0 = arith.constant 0 : i32
    %c0_i32_1 = arith.constant 0 : i32
    return %c0_i32, %c0_i32_0 : i32, i32
  }
  func.func @transform_7(%arg0: i32) -> (i32, i32) {
    %c0_i32 = arith.constant 0 : i32
    %c0_i32_0 = arith.constant 0 : i32
    %c0_i32_1 = arith.constant 0 : i32
    return %c0_i32, %c0_i32_0 : i32, i32
  }
  func.func @transform_8(%arg0: i32) -> (i32, i32) {
    %c0_i32 = arith.constant 0 : i32
    %c0_i32_0 = arith.constant 0 : i32
    %c0_i32_1 = arith.constant 0 : i32
    return %c0_i32, %c0_i32_0 : i32, i32
  }
  func.func @transform_9(%arg0: i32) -> (i32, i32) {
    %c0_i32 = arith.constant 0 : i32
    %c0_i32_0 = arith.constant 0 : i32
    return %arg0, %c0_i32 : i32, i32
  }
}

</mosaic_0001>

<sc_bundles>
// kernel: gather_offload_async_start.1
scs
__scs_entry_jumppad:
0x0: {  	(pc) =	sbr.rel $0x88, $3  }
0x1: {  	(tag) =	ssettag $0x0;
	lr =	simm.s32 $0x1  }
0x2: {  	[smem:$0x3F84] =	sst lr;
	_ =	strace $0xD0000000  }
0x3: {  	_ = 	snop  }
0x4: {  	_ = 	snop  }
0x5: {  	_ = 	snop  }
0x6: {  	_ = 	snop  }
0x7: {  	_ = 	snop  }
__scs_overlays_trampoline_lowered:
0x8: {  	[smem:$0x3F93] =	sst s0  }
0x9: {  	[smem:$0x3F94] =	sst s1  }
0xa: {  	[smem:$0x3F95] =	sst s2  }
0xb: {  	[smem:$0x3F96] =	sst s3  }
0xc: {  	[smem:$0x3F97] =	sst s4  }
0xd: {  	[smem:$0x3F98] =	sst s5  }
0xe: {  	[smem:$0x3F99] =	sst s6  }
0xf: {  	[smem:$0x3F9A] =	sst s7  }
0x10: {  	[smem:$0x3F9B] =	sst s8  }
0x11: {  	[smem:$0x3F9C] =	sst s9;
	s0 =	simm.s32 @!p0 $0x0  }
0x12: {  	s1 =	sld [smem:$0x3F82];
	s0 =	simm.s32 @p0 $0x1  }
0x13: {  	[smem:$0x3F9D] =	sst s0;
	s0 =	simm.s32 @!p1 $0x0  }
0x14: {  	s2 =	sld [smem:$0x3F81];
	s0 =	simm.s32 @p1 $0x1  }
0x15: {  	[smem:$0x3F9E] =	sst s0;
	s0 =	simm.s32 @!p2 $0x0  }
0x16: {  	s3 =	sld [smem:$0x3FDB];
	s0 =	simm.s32 @p2 $0x1  }
0x17: {  	s4 =	simm.s32 $0x1BF5;
	[smem:$0x3FA0] =	sst s0  }
0x18: {  	s0 =	sld [smem:$0x3F83];
	_ =	swait.ge [sflag:s4], $0x0  }
0x19: {  	s7 =	sld [smem:$0x3F84]  }
0x1a: {  	s8 =	sadd.s32 $0xFFFFE003, lr  }
0x1b: {  	s9 =	sadd.s32 $0xFFFFFEF7, lr;
	s5 =	simm.s32 $0xFFFFFFFF;
	p2 =	slt.u32 s8, $0xFFFFF086  }
0x1c: {  	p1 =	slt.u32 s9, $0xF7A;
	s5 =	simm.s32 @!p2 $0x0  }
0x1d: {  	s5 =	simm.s32 @p1 $0x1;
	p0 =	seq.s32 s7, s2  }
0x1e: {  	s7 =	smul.u32 @!p0 $0xF7A, s2;
	p2 =	seq.s32 @!p0 s5, $0x0  }
0x1f: {  	s9 =	smul.u32 $0xF7A, s1;
	s8 =	simm.s32 @!p0 $0x1BF5;
	p2 =	por !p2, p0  }
0x20: {  	[sflag:s8] =	ssyncset.s32 @!p0 $0xFFFFF086;
	s6 =	sadd.s32 @!p0 s3, s7;
	s7 =	simm.s32 @!p0 $0x108  }
0x21: {  	s3 =	sadd.s32 s3, s9;
	s6 =	sadd.s32 @!p0 $0x88, s6;
	s7 =	simm.s32 @p2 $0x1082  }
0x22: {  	[simem:s7], [sflag:s8] =	dma.local @!p0 [hbm:s6], $0xF7A  }
0x23: {  	s9 =	sor.u32 $0xD0000000, s2;
	s6 =	simm.s32 $0x108;
	_ =	swait.ge @!p0 [sflag:s8], $0x0  }
0x24: {  	s3 =	sadd.s32 $0x88, s3;
	s6 =	simm.s32 @!p1 $0x1082;
	[sflag:s4] =	ssyncset.s32 $0xFFFFF086  }
0x25: {  	[simem:s6], [sflag:s4] =	dma.local [hbm:s3], $0xF7A  }
0x26: {  	[smem:$0x3F84] =	sst s1;
	(tag) =	ssettag s2;
	_ =	strace s9  }
0x27: {  	s1 =	sld [smem:$0x3F94]  }
0x28: {  	s2 =	sld [smem:$0x3F95]  }
0x29: {  	s4 =	sld [smem:$0x3F97]  }
0x2a: {  	p0 =	seq.s32 s5, $0x0;
	s5 =	sld [smem:$0x3F98]  }
0x2b: {  	s6 =	sld [smem:$0x3F99]  }
0x2c: {  	s7 =	sld [smem:$0x3F9A]  }
0x2d: {  	s3 =	simm.s32 $0x108;
	s8 =	sld [smem:$0x3F9B]  }
0x2e: {  	s3 =	simm.s32 @!p0 $0x1082;
	s9 =	sld [smem:$0x3F9C]  }
0x2f: {  	lr =	sadd.s32 s0, s3;
	s0 =	sld [smem:$0x3F93]  }
0x30: {  	s3 =	sld [smem:$0x3F96]  }
0x31: {  	[smem:$0x3F9F] =	sst s10  }
0x32: {  	s10 =	sld [smem:$0x3F9D];
	_ =	sdelay $0x3  }
0x33: {  	p0 =	seq.s32 s10, $0x1;
	s10 =	sld [smem:$0x3F9F];
	_ =	sdelay $0x3  }
0x34: {  	[smem:$0x3F9F] =	sst s10  }
0x35: {  	s10 =	sld [smem:$0x3F9E];
	_ =	sdelay $0x3  }
0x36: {  	p1 =	seq.s32 s10, $0x1;
	s10 =	sld [smem:$0x3F9F];
	_ =	sdelay $0x3  }
0x37: {  	[smem:$0x3F9F] =	sst s10  }
0x38: {  	s10 =	sld [smem:$0x3FA0]  }
0x39: {  	_ = 	snop;
	(pc) =	sbr.ind lr, $3  }
0x3a: {  	_ = 	snop  }
0x3b: {  	_ = 	snop  }
0x3c: {  	p2 =	seq.s32 s10, $0x1;
	s10 =	sld [smem:$0x3F9F]  }
0x3d: {  	_ =	shalt  }
0x3e: {  	_ =	shalt  }
0x3f: {  	_ =	shalt  }
0x40: {  	_ =	shalt  }
0x41: {  	_ =	shalt  }
0x42: {  	_ =	shalt  }
0x43: {  	_ =	shalt  }
0x44: {  	_ =	shalt  }
0x45: {  	_ =	shalt  }
0x46: {  	_ =	shalt  }
0x47: {  	_ =	shalt  }
0x48: {  	_ =	shalt  }
0x49: {  	_ =	shalt  }
0x4a: {  	_ =	shalt  }
0x4b: {  	_ =	shalt  }
0x4c: {  	_ =	shalt  }
0x4d: {  	_ =	shalt  }
0x4e: {  	_ =	shalt  }
0x4f: {  	_ =	shalt  }
0x50: {  	_ =	shalt  }
0x51: {  	_ =	shalt  }
0x52: {  	_ =	shalt  }
0x53: {  	_ =	shalt  }
0x54: {  	_ =	shalt  }
0x55: {  	_ =	shalt  }
0x56: {  	_ =	shalt  }
0x57: {  	_ =	shalt  }
0x58: {  	_ =	shalt  }
0x59: {  	_ =	shalt  }
0x5a: {  	_ =	shalt  }
0x5b: {  	_ =	shalt  }
0x5c: {  	_ =	shalt  }
0x5d: {  	_ =	shalt  }
0x5e: {  	_ =	shalt  }
0x5f: {  	_ =	shalt  }
0x60: {  	_ =	shalt  }
0x61: {  	_ =	shalt  }
0x62: {  	_ =	shalt  }
0x63: {  	_ =	shalt  }
0x64: {  	_ =	shalt  }
0x65: {  	_ =	shalt  }
0x66: {  	_ =	shalt  }
0x67: {  	_ =	shalt  }
0x68: {  	_ =	shalt  }
0x69: {  	_ =	shalt  }
0x6a: {  	_ =	shalt  }
0x6b: {  	_ =	shalt  }
0x6c: {  	_ =	shalt  }
0x6d: {  	_ =	shalt  }
0x6e: {  	_ =	shalt  }
0x6f: {  	_ =	shalt  }
0x70: {  	_ =	shalt  }
0x71: {  	_ =	shalt  }
0x72: {  	_ =	shalt  }
0x73: {  	_ =	shalt  }
0x74: {  	_ =	shalt  }
0x75: {  	_ =	shalt  }
0x76: {  	_ =	shalt  }
0x77: {  	_ =	shalt  }
0x78: {  	_ =	shalt  }
0x79: {  	_ =	shalt  }
0x7a: {  	_ =	shalt  }
0x7b: {  	_ =	shalt  }
0x7c: {  	_ =	shalt  }
0x7d: {  	_ =	shalt  }
0x7e: {  	_ =	shalt  }
0x7f: {  	_ =	shalt  }
0x80: {  	_ =	shalt  }
0x81: {  	_ =	shalt  }
0x82: {  	_ =	shalt  }
0x83: {  	_ =	shalt  }
0x84: {  	_ =	shalt  }
0x85: {  	_ =	shalt  }
0x86: {  	_ =	shalt  }
0x87: {  	_ =	shalt  }
.Lfunc_end0:
.L_simem_size_0:
called_computation.1_lowered:
.L_overlay_start_0:
0x88: {  	s2 =	sld [smem:$0x3FD9]  }
0x89: {  	s3 =	sld [smem:$0x3FFE];
	_ =	sdelay $0x1  }
0x8a: {  	s1 =	srdreg.scid  }
0x8b: {  	s0 =	sand.u32 $0x1, s1  }
0x8c: {  	s17 =	sshll.u32 s0, $0xA;
	s2 =	sadd.s32 s3, s2  }
0x8d: {  	s2 =	sadd.s32 s2, s17  }
0x8e: {  	[smem:$0x3FAB] =	sst s2  }
0x8f: {  	_ = 	snop  }
0x90: {  	s2 =	sld [smem:$0x3FD0];
	(tm) =	ssettm $0x1  }
0x91: {  	s18 =	sld [smem:$0x3FFB];
	_ =	sdelay $0x3  }
0x92: {  	_ =	strace s18  }
0x93: {  	s3 =	sld [smem:$0x3FFC];
	_ =	sdelay $0x3  }
0x94: {  	_ =	strace s3  }
0x95: {  	s3 =	sld [smem:$0x3FFD];
	_ =	sdelay $0x3  }
0x96: {  	_ =	strace s3  }
0x97: {  	_ =	strace $0x8FFFFFFF  }
0x98: {  	s19 =	sld [smem:$0x3FDB];
	_ =	sdelay $0x1  }
0x99: {  	s4 =	simm.s32 $_scs_section_size  }
0x9a: {  	s5 =	simm.s32 $_size__tile_overlayer_lowered;
	s6 =	simm.s32 $_tile_overlayer_lowered  }
0x9b: {  	s22 =	simm.s32 $0x1BFF;
	s21 =	sshll.u32 s6, $0x1;
	s3 =	sadd.s32 s4, s19  }
0x9c: {  	s7 =	simm.s32 $0x0;
	s20 =	sshll.u32 s5, $0x1;
	s5 =	sadd.s32 s21, s3  }
0x9d: {  	[timem:s7], [sflag:s22] =	dma.local [hbm:s5], s20  }
0x9e: {  	_ =	swait.ge [sflag:s22], s20  }
0x9f: {  	s4 =	ssub.s32 $0x0, s20;
	[sflag:s22] =	ssyncset.done $0x0  }
0xa0: {  	[sflag:s22] =	ssyncadd.s32 s4;
	_ =	sdelay $0x1  }
0xa1: {  	s23 =	simm.s32 $0x1B8B  }
0xa2: {  	_ =	swait.ge [sflag:s23], $0x1  }
0xa3: {  	[sflag:s23] =	ssyncset.done $0x0  }
0xa4: {  	s25 =	simm.s32 $0x1B8E;
	s24 =	sld [smem:$0x3FFE];
	[sflag:s23] =	ssyncadd.s32 $0xFFFFFFFF  }
0xa5: {  	s26 =	simm.s32 $execute0_lowered;
	[smem:$0x3FD2] =	sst s25  }
0xa6: {  	s5 =	sshll.u32 s26, $0x1;
	_ =	strace $0x80000046;
	[dreg:$0x1] =	wrdreg $0xFFFFFFFF  }
0xa7: {  	s28 =	simm.s32 $_size_execute0_lowered;
	s3 =	sadd.s32 s3, s5;
	[dreg:$0x0] =	wrdreg $0x0  }
0xa8: {  	s5 =	sshll.u32 s28, $0x1;
	[dreg:$0x2] =	wrdreg s3  }
0xa9: {  	[dreg:$0x3] =	wrdreg s5  }
0xaa: {  	[dreg:$0x4] =	wrdreg $0xC0  }
0xab: {  	_ =	task [dreg:s7], $0x5FFFF  }
0xac: {  	[dreg:$0x1] =	wrdreg $0xFFFFFFFF  }
0xad: {  	[dreg:$0x0] =	wrdreg $0x60  }
0xae: {  	[dreg:$0x2] =	wrdreg s2  }
0xaf: {  	[dreg:$0x3] =	wrdreg s24  }
0xb0: {  	[dreg:$0x4] =	wrdreg $0xA  }
0xb1: {  	_ =	task.clear_ibuf [dreg:s7], $0x5FFFF;
	_ =	strace $0x90000046  }
0xb2: {  	s29 =	simm.s32 $0xA;
	_ =	strace $0x80000048  }
0xb3: {  	_ =	swait.ge [sflag:s29], $0x1  }
0xb4: {  	[sflag:s29] =	ssyncadd.s32 $0xFFFFFFFF  }
0xb5: {  	_ =	strace $0x90000048  }
0xb6: {  	_ =	sfence  }
0xb7: {  	s30 =	sld [smem:$0x0];
	_ =	sdelay $0x2  }
0xb8: {  	s31 =	sshll.u32 s1, $0xD;
	s1 =	sshrl.u32 s1, $0x2  }
0xb9: {  	s3 =	sand.u32 $0x4000, s31;
	s1 =	sadd.s32 s1, s30  }
0xba: {  	s0 =	sor.u32 s3, s0;
	s1 =	sshll.u32 s1, $0x11  }
0xbb: {  	s0 =	sor.u32 s1, s0  }
0xbc: {  	s0 =	sadd.s32 $0x8F2B, s0  }
0xbd: {  	[sflag:s0] =	ssyncadd.remote.s32 $0x1  }
0xbe: {  	_ =	sfence.sel $0xFFFF  }
0xbf: {  	[dreg:$0x0] =	wrdreg $0xFFFFFFFF;
	(pc) =	sbr.abs _section_cstart, $3  }
0xc0: {  	[dreg:$0x1] =	wrdreg $0xFFFFFFFF  }
0xc1: {  	_ =	task.clear_ibuf [dreg:s7], $0x2FFFF;
	_ =	strace $0x9FFFFFFF  }
0xc2: {  	(tm) =	ssettm $0x7FFFFFFF  }
0xc3: {  	_ =	shalt  }
tec
execute0_lowered:
.L_overlay_start_1:
0x0: {  	(tag) =	ssettag $0x1  }
0x1: {  	s1 =	srdreg.scid;
	s2 =	rddreg [dreg:$0x0]  }
0x2: {  	s0 =	stileid.u32;
	s5 =	rddreg [dreg:$0x1];
	s6 =	simm.s32 $0x1  }
0x3: {  	s9 =	simm.s32 $0x1;
	s10 =	simm.s32 $0x3;
	s1 =	sshll.u32 s1, $0xC  }
0x4: {  	s13 =	simm.s32 $0x0;
	s3 =	sshll.u32 s0, $0xD;
	s4 =	sand.u32 $0x1000, s1  }
0x5: {  	s12 =	simm.s32 $0x0;
	s1 =	rddreg [dreg:$0x2];
	s3 =	sor.u32 s3, s4  }
0x6: {  	_ =	strace $0x80000047;
	s4 =	sadd.s32 $0xB600, s5;
	s8 =	ssub.s32 $0x28000, s3  }
.Ltmp0:
0x7: {  	s5 =	sadd.s32 $0x3C800, s5;
	s7 =	sand.u32 $0x1F000, s8;
	(pc) =	sbr.rel .LBB2_1-.Ltmp0, $4  }
0x8: {  	[sflag:s6] =	ssyncpa.u1 $0x0;
	s11 =	smov.u32 s3;
	p0 =	sne.s32 s7, $0x0  }
0x9: {  	s8 =	sshrl.u32 s8, $0x11;
	s7 =	simm.s32 $0x2;
	s9 =	simm.s32 @!p0 $0x0  }
0xa: {  	[sflag:s7] =	ssyncpa.u1 $0x0;
	p0 =	por $0x0, $0x0;
	s8 =	sadd.s32 s9, s8  }
0xb: {  	vm0 =	vmmov $0xffff;
	[sflag:s10] =	ssyncpa.u1 $0x0;
	s10 =	simm.s32 $0x0;
	s9 =	sadd.s32 $0x1, s8  }
.LBB2_4:
0xc: {  	v2 =	vnsel vm1, $0x0, v2  }
0xd: {  	vm1 =	vgt.s32 v0, $0x0;
	v2 =	vmin.u32 v2, $0x27FFF  }
0xe: {  	v0 =	vnsel vm1, $0x0, v0  }
0xf: {  	v0 =	vmin.u32 v0, $0x27FFF  }
0x10: {  	[tilespmem:s15], [sflag:$0x1] =	stream.indirect_vreg.gather [hbm4b:s2+s10], $0x1, v1, vm0, $0x4038;
	[tilespmem:$0x4000] =	vst v63  }
0x11: {  	(ifvalue) =	ssetifvalue $0x7FFFFFFF  }
0x12: {  	[tilespmem:s16], [sflag:$0x1] =	stream.indirect_vreg.gather [hbm4b:s2+s10], $0x1, v2, vm0, $0x4038;
	[tilespmem:$0x4000] =	vst v63  }
0x13: {  	s29 =	sadd.s32 $0x10, s16;
	(ifvalue) =	ssetifvalue $0x7FFFFFFF  }
0x14: {  	[tilespmem:s29], [sflag:$0x1] =	stream.indirect_vreg.gather [hbm4b:s2+s10], $0x1, v0, vm0, $0x4038;
	[tilespmem:$0x4000] =	vst v63  }
0x15: {  	_ =	swait.ge [sflag:s6], $0x1000  }
0x16: {  	s30 =	sshrl.u32 s13, $0x3;
	[sflag:s6] =	ssyncset.done $0x0  }
0x17: {  	s31 =	sand.u32 $0x7, s13;
	s15 =	sadd.s32 s5, s30;
	[sflag:s6] =	ssyncadd.s32 $0xFFFFF000  }
0x18: {  	[hbm4b:s15+s31] =	stream.linear.scatter [tilespmem:s14], [sflag:$0x3], $0x1000, $0x38;
	[tilespmem:$0x4000] =	vst v63  }
.LBB2_5:
0x19: {  	s15 =	sadd.s32 $0x20000, s11  }
0x1a: {  	p2 =	sgt.s32 s15, $0x27FFF  }
0x1b: {  	s15 =	smov.u32 @p2 s3;
	p2 =	sne.s32 s12, s9  }
.Ltmp1:
0x1c: {  	p1 =	slt.u32 s12, $0x2;
	(pc) =	sbr.rel @!p2 .LBB2_6-.Ltmp1, $4  }
0x1d: {  	s14 =	simm.s32 @!p1 $0x3  }
0x1e: {  	s16 =	sadd.s32 $0x1, s12;
	_ =	swait.ge @!p1 [sflag:s14], $0x1000  }
0x1f: {  	s13 =	smov.u32 s11;
	p0 =	por !p0, !p0;
	[sflag:s14] =	ssyncset.done @!p1 $0x0  }
0x20: {  	s12 =	smov.u32 s16;
	s11 =	smov.u32 s15;
	[sflag:s14] =	ssyncadd.s32 @!p1 $0xFFFFF000  }
.LBB2_1:
0x21: {  	p1 =	sge.u32 s12, s8  }
0x22: {  	s14 =	sxor.u32 @!p1 $0xFFFFFFFF, s12  }
0x23: {  	s31 =	sadd.s32 $0xFFFFFFFF, s12;
	s15 =	sshrl.u32 @!p1 s11, $0x3;
	s14 =	sshll.u32 @!p1 s14, $0xC  }
0x24: {  	s16 =	sand.u32 @!p1 $0x7, s11;
	s15 =	sadd.s32 @!p1 s4, s15;
	s14 =	sand.u32 @!p1 $0x1000, s14  }
0x25: {  	[tilespmem:s14], [sflag:$0x2] =	stream.linear.gather @!p1 [hbm4b:s15+s16], $0x1000, $0x38;
	[tilespmem:$0x4000] =	vst v63  }
0x26: {  	p1 =	sge.u32 s31, s8  }
.Ltmp2:
0x27: {  	_ = 	snop;
	(pc) =	sbr.rel @p1 .LBB2_5-.Ltmp2, $1  }
0x28: {  	_ =	sdelay $0x3  }
0x29: {  	s14 =	simm.s32 $0x1  }
0x2a: {  	_ =	swait.ge [sflag:s7], $0x1000;
	s14 =	simm.s32 @!p0 $0x0  }
0x2b: {  	[sflag:s7] =	ssyncset.done $0x0;
	s14 =	sshll.u32 s14, $0xC  }
0x2c: {  	[sflag:s7] =	ssyncadd.s32 $0xFFFFF000;
	(ifvalue) =	ssetifvalue $0x7FFFFFFF;
	v0 =	vld.msk [tilespmem:s14+$0x0 ss:$0x1], $0xffff;
	_ =	sdelay $0x4  }
0x2d: {  	s15 =	sadd.s32 $0x10, s14;
	vm1 =	vgt.s32 v0, $0x0  }
0x2e: {  	v2 =	vld.msk [tilespmem:s15+$0x0 ss:$0x1], $0xffff;
	v1 =	vnsel vm1, $0x0, v0  }
0x2f: {  	v1 =	vmin.u32 v1, $0x27FFF;
	_ =	sdelay $0x1  }
0x30: {  	s16 =	sshll.u32 s12, $0xC;
	s18 =	simm.s32 $0x20  }
0x31: {  	s16 =	sand.u32 $0x1000, s16;
	s17 =	sadd.s32 $0x10, s15;
	s15 =	sor.u32 $0x2000, s14  }
0x32: {  	s14 =	sor.u32 $0x2000, s16;
	s16 =	sadd.s32 $0x10, s15;
	v0 =	vld.msk [tilespmem:s17+$0x0 ss:$0x1], $0xffff;
	vm1 =	vgt.s32 v2, $0x0;
	(ifvalue) =	ssetifvalue $0x7FFFFFFF  }
.LBB2_3:
0x33: {  	[tilespmem:s15], [sflag:$0x1] =	stream.indirect_vreg.gather [hbm4b:s2+s10], $0x1, v1, vm0, $0x4038;
	[tilespmem:$0x4000] =	vst v63  }
0x34: {  	s18 =	sadd.s32 $0x10, s18  }
0x35: {  	v2 =	vnsel vm1, $0x0, v2;
	p1 =	slt.u32 s18, $0xFF0  }
.Ltmp3:
0x36: {  	s15 =	smov.u32 s16;
	v1 =	vmin.u32 v2, $0x27FFF;
	(pc) =	sbr.rel @p1 .LBB2_3-.Ltmp3, $3  }
0x37: {  	_ =	sdelay $0x1  }
0x38: {  	s17 =	sadd.s32 $0x10, s17  }
0x39: {  	vm1 =	vgt.s32 v0, $0x0;
	s16 =	sadd.s32 $0x10, s16;
	v2 =	vmov v0;
	(ifvalue) =	ssetifvalue $0x7FFFFFFF;
	v0 =	vld.msk [tilespmem:s17+$0x0 ss:$0x1], $0xffff  }
.Ltmp4:
0x3a: {  	_ = 	snop;
	(pc) =	sbr.rel .LBB2_4-.Ltmp4, $1  }
0x3b: {  	_ =	sdelay $0x3  }
.LBB2_6:
0x3c: {  	_ =	sfence.sel $0x180000  }
0x3d: {  	s2 =	simm.s32 $0x2;
	[bflag:$0x0] =	sbarrier.arrive $0xFFFF  }
0x3e: {  	s30 =	simm.s32 $0x3;
	[sflag:s2] =	ssyncpa.u1 $0x1  }
0x3f: {  	s31 =	simm.s32 $0x1;
	[sflag:s30] =	ssyncpa.u1 $0x1  }
0x40: {  	[sflag:s31] =	ssyncpa.u1 $0x1  }
0x41: {  	p0 =	sne.s32 s0, $0x0;
	_ =	strace $0x90000047  }
0x42: {  	s0 =	sadd.s32 @!p0 $0x100000, s1;
	[bflag:$0x2] =	sbarrier.arrive $0xFFFF  }
0x43: {  	[sflag:s0] =	ssyncadd.tile.s32 @!p0 $0x1;
	_ =	shalt  }
.Lfunc_end2:
_tile_overlayer_lowered:
.L_overlay_start_2:
0x44: {  	(tag) =	ssettag $0x2  }
0x45: {  	s0 =	rddreg [dreg:$0x0];
	s2 =	stileid.u32  }
0x46: {  	s1 =	rddreg [dreg:$0x1];
	p0 =	sne.s32 s2, $0x0  }
0x47: {  	s3 =	rddreg [dreg:$0x2];
	[bflag:$0x3] =	sbarrier.arrive $0xFFFF;
	s2 =	simm.s32 @!p0 $0x1C01  }
0x48: {  	[timem:s3], [sflag:s2] =	dma.local @!p0 [hbm:s0], s1  }
0x49: {  	s0 =	simm.s32 @!p0 $0x1  }
0x4a: {  	_ =	swait.ge @!p0 [sflag:s0], s1  }
0x4b: {  	s1 =	ssub.s32 @!p0 $0x0, s1;
	[sflag:s0] =	ssyncset.done @!p0 $0x0  }
0x4c: {  	[sflag:s0] =	ssyncadd.s32 @!p0 s1  }
0x4d: {  	[bflag:$0x3] =	sbarrier.arrive $0xFFFF  }
0x4e: {  	_ =	shalt  }

// kernel: gather_offload_async_start
scs
__scs_entry_jumppad:
0x0: {  	(pc) =	sbr.rel $0x88, $3  }
0x1: {  	(tag) =	ssettag $0x0;
	lr =	simm.s32 $0x1  }
0x2: {  	[smem:$0x3F84] =	sst lr;
	_ =	strace $0xD0000000  }
0x3: {  	_ = 	snop  }
0x4: {  	_ = 	snop  }
0x5: {  	_ = 	snop  }
0x6: {  	_ = 	snop  }
0x7: {  	_ = 	snop  }
__scs_overlays_trampoline_lowered:
0x8: {  	[smem:$0x3F93] =	sst s0  }
0x9: {  	[smem:$0x3F94] =	sst s1  }
0xa: {  	[smem:$0x3F95] =	sst s2  }
0xb: {  	[smem:$0x3F96] =	sst s3  }
0xc: {  	[smem:$0x3F97] =	sst s4  }
0xd: {  	[smem:$0x3F98] =	sst s5  }
0xe: {  	[smem:$0x3F99] =	sst s6  }
0xf: {  	[smem:$0x3F9A] =	sst s7  }
0x10: {  	[smem:$0x3F9B] =	sst s8  }
0x11: {  	[smem:$0x3F9C] =	sst s9;
	s0 =	simm.s32 @!p0 $0x0  }
0x12: {  	s1 =	sld [smem:$0x3F82];
	s0 =	simm.s32 @p0 $0x1  }
0x13: {  	[smem:$0x3F9D] =	sst s0;
	s0 =	simm.s32 @!p1 $0x0  }
0x14: {  	s2 =	sld [smem:$0x3F81];
	s0 =	simm.s32 @p1 $0x1  }
0x15: {  	[smem:$0x3F9E] =	sst s0;
	s0 =	simm.s32 @!p2 $0x0  }
0x16: {  	s3 =	sld [smem:$0x3FDB];
	s0 =	simm.s32 @p2 $0x1  }
0x17: {  	s4 =	simm.s32 $0x1BF5;
	[smem:$0x3FA0] =	sst s0  }
0x18: {  	s0 =	sld [smem:$0x3F83];
	_ =	swait.ge [sflag:s4], $0x0  }
0x19: {  	s7 =	sld [smem:$0x3F84]  }
0x1a: {  	s8 =	sadd.s32 $0xFFFFE003, lr  }
0x1b: {  	s9 =	sadd.s32 $0xFFFFFEF7, lr;
	s5 =	simm.s32 $0xFFFFFFFF;
	p2 =	slt.u32 s8, $0xFFFFF086  }
0x1c: {  	p1 =	slt.u32 s9, $0xF7A;
	s5 =	simm.s32 @!p2 $0x0  }
0x1d: {  	s5 =	simm.s32 @p1 $0x1;
	p0 =	seq.s32 s7, s2  }
0x1e: {  	s7 =	smul.u32 @!p0 $0xF7A, s2;
	p2 =	seq.s32 @!p0 s5, $0x0  }
0x1f: {  	s9 =	smul.u32 $0xF7A, s1;
	s8 =	simm.s32 @!p0 $0x1BF5;
	p2 =	por !p2, p0  }
0x20: {  	[sflag:s8] =	ssyncset.s32 @!p0 $0xFFFFF086;
	s6 =	sadd.s32 @!p0 s3, s7;
	s7 =	simm.s32 @!p0 $0x108  }
0x21: {  	s3 =	sadd.s32 s3, s9;
	s6 =	sadd.s32 @!p0 $0x88, s6;
	s7 =	simm.s32 @p2 $0x1082  }
0x22: {  	[simem:s7], [sflag:s8] =	dma.local @!p0 [hbm:s6], $0xF7A  }
0x23: {  	s9 =	sor.u32 $0xD0000000, s2;
	s6 =	simm.s32 $0x108;
	_ =	swait.ge @!p0 [sflag:s8], $0x0  }
0x24: {  	s3 =	sadd.s32 $0x88, s3;
	s6 =	simm.s32 @!p1 $0x1082;
	[sflag:s4] =	ssyncset.s32 $0xFFFFF086  }
0x25: {  	[simem:s6], [sflag:s4] =	dma.local [hbm:s3], $0xF7A  }
0x26: {  	[smem:$0x3F84] =	sst s1;
	(tag) =	ssettag s2;
	_ =	strace s9  }
0x27: {  	s1 =	sld [smem:$0x3F94]  }
0x28: {  	s2 =	sld [smem:$0x3F95]  }
0x29: {  	s4 =	sld [smem:$0x3F97]  }
0x2a: {  	p0 =	seq.s32 s5, $0x0;
	s5 =	sld [smem:$0x3F98]  }
0x2b: {  	s6 =	sld [smem:$0x3F99]  }
0x2c: {  	s7 =	sld [smem:$0x3F9A]  }
0x2d: {  	s3 =	simm.s32 $0x108;
	s8 =	sld [smem:$0x3F9B]  }
0x2e: {  	s3 =	simm.s32 @!p0 $0x1082;
	s9 =	sld [smem:$0x3F9C]  }
0x2f: {  	lr =	sadd.s32 s0, s3;
	s0 =	sld [smem:$0x3F93]  }
0x30: {  	s3 =	sld [smem:$0x3F96]  }
0x31: {  	[smem:$0x3F9F] =	sst s10  }
0x32: {  	s10 =	sld [smem:$0x3F9D];
	_ =	sdelay $0x3  }
0x33: {  	p0 =	seq.s32 s10, $0x1;
	s10 =	sld [smem:$0x3F9F];
	_ =	sdelay $0x3  }
0x34: {  	[smem:$0x3F9F] =	sst s10  }
0x35: {  	s10 =	sld [smem:$0x3F9E];
	_ =	sdelay $0x3  }
0x36: {  	p1 =	seq.s32 s10, $0x1;
	s10 =	sld [smem:$0x3F9F];
	_ =	sdelay $0x3  }
0x37: {  	[smem:$0x3F9F] =	sst s10  }
0x38: {  	s10 =	sld [smem:$0x3FA0]  }
0x39: {  	_ = 	snop;
	(pc) =	sbr.ind lr, $3  }
0x3a: {  	_ = 	snop  }
0x3b: {  	_ = 	snop  }
0x3c: {  	p2 =	seq.s32 s10, $0x1;
	s10 =	sld [smem:$0x3F9F]  }
0x3d: {  	_ =	shalt  }
0x3e: {  	_ =	shalt  }
0x3f: {  	_ =	shalt  }
0x40: {  	_ =	shalt  }
0x41: {  	_ =	shalt  }
0x42: {  	_ =	shalt  }
0x43: {  	_ =	shalt  }
0x44: {  	_ =	shalt  }
0x45: {  	_ =	shalt  }
0x46: {  	_ =	shalt  }
0x47: {  	_ =	shalt  }
0x48: {  	_ =	shalt  }
0x49: {  	_ =	shalt  }
0x4a: {  	_ =	shalt  }
0x4b: {  	_ =	shalt  }
0x4c: {  	_ =	shalt  }
0x4d: {  	_ =	shalt  }
0x4e: {  	_ =	shalt  }
0x4f: {  	_ =	shalt  }
0x50: {  	_ =	shalt  }
0x51: {  	_ =	shalt  }
0x52: {  	_ =	shalt  }
0x53: {  	_ =	shalt  }
0x54: {  	_ =	shalt  }
0x55: {  	_ =	shalt  }
0x56: {  	_ =	shalt  }
0x57: {  	_ =	shalt  }
0x58: {  	_ =	shalt  }
0x59: {  	_ =	shalt  }
0x5a: {  	_ =	shalt  }
0x5b: {  	_ =	shalt  }
0x5c: {  	_ =	shalt  }
0x5d: {  	_ =	shalt  }
0x5e: {  	_ =	shalt  }
0x5f: {  	_ =	shalt  }
0x60: {  	_ =	shalt  }
0x61: {  	_ =	shalt  }
0x62: {  	_ =	shalt  }
0x63: {  	_ =	shalt  }
0x64: {  	_ =	shalt  }
0x65: {  	_ =	shalt  }
0x66: {  	_ =	shalt  }
0x67: {  	_ =	shalt  }
0x68: {  	_ =	shalt  }
0x69: {  	_ =	shalt  }
0x6a: {  	_ =	shalt  }
0x6b: {  	_ =	shalt  }
0x6c: {  	_ =	shalt  }
0x6d: {  	_ =	shalt  }
0x6e: {  	_ =	shalt  }
0x6f: {  	_ =	shalt  }
0x70: {  	_ =	shalt  }
0x71: {  	_ =	shalt  }
0x72: {  	_ =	shalt  }
0x73: {  	_ =	shalt  }
0x74: {  	_ =	shalt  }
0x75: {  	_ =	shalt  }
0x76: {  	_ =	shalt  }
0x77: {  	_ =	shalt  }
0x78: {  	_ =	shalt  }
0x79: {  	_ =	shalt  }
0x7a: {  	_ =	shalt  }
0x7b: {  	_ =	shalt  }
0x7c: {  	_ =	shalt  }
0x7d: {  	_ =	shalt  }
0x7e: {  	_ =	shalt  }
0x7f: {  	_ =	shalt  }
0x80: {  	_ =	shalt  }
0x81: {  	_ =	shalt  }
0x82: {  	_ =	shalt  }
0x83: {  	_ =	shalt  }
0x84: {  	_ =	shalt  }
0x85: {  	_ =	shalt  }
0x86: {  	_ =	shalt  }
0x87: {  	_ =	shalt  }
.Lfunc_end0:
.L_simem_size_0:
called_computation_lowered:
.L_overlay_start_0:
0x88: {  	s2 =	sld [smem:$0x3FD9]  }
0x89: {  	s3 =	sld [smem:$0x3FFE];
	_ =	sdelay $0x1  }
0x8a: {  	s1 =	srdreg.scid  }
0x8b: {  	s0 =	sand.u32 $0x1, s1  }
0x8c: {  	s17 =	sshll.u32 s0, $0xA;
	s2 =	sadd.s32 s3, s2  }
0x8d: {  	s2 =	sadd.s32 s2, s17  }
0x8e: {  	[smem:$0x3FAB] =	sst s2  }
0x8f: {  	_ = 	snop  }
0x90: {  	(tm) =	ssettm $0x1  }
0x91: {  	s18 =	sld [smem:$0x3FFB];
	_ =	sdelay $0x3  }
0x92: {  	_ =	strace s18  }
0x93: {  	s2 =	sld [smem:$0x3FFC];
	_ =	sdelay $0x3  }
0x94: {  	_ =	strace s2  }
0x95: {  	s2 =	sld [smem:$0x3FFD];
	_ =	sdelay $0x3  }
0x96: {  	_ =	strace s2  }
0x97: {  	_ =	strace $0x8FFFFFFF  }
0x98: {  	s19 =	sld [smem:$0x3FDB];
	_ =	sdelay $0x1  }
0x99: {  	s20 =	simm.s32 $_scs_section_size  }
0x9a: {  	s4 =	simm.s32 $_size__tile_overlayer_lowered;
	s5 =	simm.s32 $_tile_overlayer_lowered  }
0x9b: {  	s6 =	simm.s32 $0x1BFF;
	s21 =	sshll.u32 s5, $0x1;
	s3 =	sadd.s32 s20, s19  }
0x9c: {  	s22 =	simm.s32 $0x0;
	s4 =	sshll.u32 s4, $0x1;
	s5 =	sadd.s32 s21, s3  }
0x9d: {  	[timem:s22], [sflag:s6] =	dma.local [hbm:s5], s4  }
0x9e: {  	_ =	swait.ge [sflag:s6], s4  }
0x9f: {  	s4 =	ssub.s32 $0x0, s4;
	[sflag:s6] =	ssyncset.done $0x0  }
0xa0: {  	[sflag:s6] =	ssyncadd.s32 s4;
	_ =	sdelay $0x1  }
0xa1: {  	s23 =	simm.s32 $0x1B8B  }
0xa2: {  	_ =	swait.ge [sflag:s23], $0x1  }
0xa3: {  	[sflag:s23] =	ssyncset.done $0x0  }
0xa4: {  	[sflag:s23] =	ssyncadd.s32 $0xFFFFFFFF  }
0xa5: {  	s4 =	sld [smem:$0x0]  }
0xa6: {  	s5 =	sand.u32 $0xFFFFFFFE, s1  }
0xa7: {  	p0 =	sne.s32 s1, s5  }
0xa8: {  	s5 =	sshll.u32 @p0 s5, $0xE  }
0xa9: {  	s5 =	sadd.s32 @p0 $0x11B8D, s5;
	s6 =	sshll.u32 @p0 s4, $0x11  }
0xaa: {  	s5 =	sor.u32 @p0 s6, s5  }
0xab: {  	[sflag:s5] =	ssyncadd.remote.s32 @p0 $0x1;
	_ =	sdelay $0x1  }
0xac: {  	s5 =	simm.s32 @p0 $0x1B8D  }
0xad: {  	_ =	swait.eq @p0 [sflag:s5], $0x1  }
0xae: {  	[sflag:s5] =	ssyncadd.s32 @p0 $0xFFFFFFFF  }
0xaf: {  	s6 =	sshll.u32 @!p0 s1, $0xE  }
0xb0: {  	s6 =	sor.u32 @!p0 $0x4000, s6;
	s5 =	simm.s32 @!p0 $0x1B8D  }
0xb1: {  	s4 =	sshll.u32 @!p0 s4, $0x11;
	s6 =	sadd.s32 @!p0 $0x11B8D, s6;
	_ =	swait.eq @!p0 [sflag:s5], $0x1  }
0xb2: {  	s4 =	sor.u32 @!p0 s4, s6;
	[sflag:s5] =	ssyncadd.s32 @!p0 $0xFFFFFFFF  }
0xb3: {  	s25 =	simm.s32 $0x1B8E;
	s24 =	sld [smem:$0x3FFE];
	[sflag:s4] =	ssyncadd.remote.s32 @!p0 $0x1  }
0xb4: {  	s26 =	simm.s32 $execute0_lowered;
	[smem:$0x3FD2] =	sst s25  }
0xb5: {  	s5 =	sshll.u32 s26, $0x1;
	_ =	strace $0x80000049;
	[dreg:$0x1] =	wrdreg $0xFFFFFFFF  }
0xb6: {  	s28 =	simm.s32 $_size_execute0_lowered;
	s3 =	sadd.s32 s3, s5;
	[dreg:$0x0] =	wrdreg $0x0  }
0xb7: {  	s5 =	sshll.u32 s28, $0x1;
	[dreg:$0x2] =	wrdreg s3  }
0xb8: {  	[dreg:$0x3] =	wrdreg s5  }
0xb9: {  	[dreg:$0x4] =	wrdreg $0xC0  }
0xba: {  	_ =	task [dreg:s22], $0x5FFFF  }
0xbb: {  	[dreg:$0x1] =	wrdreg $0xFFFFFFFF  }
0xbc: {  	[dreg:$0x0] =	wrdreg $0x60  }
0xbd: {  	[dreg:$0x2] =	wrdreg s24  }
0xbe: {  	[dreg:$0x3] =	wrdreg $0x9  }
0xbf: {  	_ =	task.clear_ibuf [dreg:s22], $0x4FFFF;
	_ =	strace $0x90000049  }
0xc0: {  	s29 =	simm.s32 $0x9;
	_ =	strace $0x8000004B  }
0xc1: {  	_ =	swait.ge [sflag:s29], $0x1  }
0xc2: {  	[sflag:s29] =	ssyncadd.s32 $0xFFFFFFFF  }
0xc3: {  	_ =	strace $0x9000004B  }
0xc4: {  	_ =	sfence  }
0xc5: {  	s30 =	sld [smem:$0x0];
	_ =	sdelay $0x2  }
0xc6: {  	s31 =	sshll.u32 s1, $0xD;
	s1 =	sshrl.u32 s1, $0x2  }
0xc7: {  	s4 =	sand.u32 $0x4000, s31;
	s1 =	sadd.s32 s1, s30  }
0xc8: {  	s0 =	sor.u32 s4, s0;
	s1 =	sshll.u32 s1, $0x11  }
0xc9: {  	s0 =	sor.u32 s1, s0  }
0xca: {  	s0 =	sadd.s32 $0x8F2B, s0  }
0xcb: {  	[sflag:s0] =	ssyncadd.remote.s32 $0x1  }
0xcc: {  	_ =	sfence.sel $0xFFFF  }
0xcd: {  	[dreg:$0x0] =	wrdreg $0xFFFFFFFF;
	(pc) =	sbr.abs _section_cstart, $3  }
0xce: {  	[dreg:$0x1] =	wrdreg $0xFFFFFFFF  }
0xcf: {  	_ =	task.clear_ibuf [dreg:s22], $0x2FFFF;
	_ =	strace $0x9FFFFFFF  }
0xd0: {  	(tm) =	ssettm $0x7FFFFFFF  }
0xd1: {  	_ =	shalt  }
tec
execute0_lowered:
.L_overlay_start_1:
0x0: {  	(tag) =	ssettag $0x1  }
0x1: {  	s0 =	srdreg.scid;
	s5 =	rddreg [dreg:$0x0]  }
0x2: {  	s1 =	stileid.u32;
	s6 =	simm.s32 $0x1;
	s9 =	simm.s32 $0x1  }
0x3: {  	s10 =	simm.s32 $0x3;
	s13 =	simm.s32 $0x0;
	s2 =	sshll.u32 s0, $0xC  }
0x4: {  	s12 =	simm.s32 $0x0;
	s3 =	sshll.u32 s1, $0xD;
	s2 =	sand.u32 $0x1000, s2  }
0x5: {  	s0 =	rddreg [dreg:$0x1];
	_ =	strace $0x8000004A;
	s2 =	sor.u32 s3, s2  }
0x6: {  	s4 =	sadd.s32 $0xB600, s5;
	[sflag:s6] =	ssyncpa.u1 $0x0;
	s8 =	ssub.s32 $0x28000, s2  }
.Ltmp0:
0x7: {  	s3 =	sadd.s32 $0x41800, s5;
	s7 =	sand.u32 $0x1F000, s8;
	(pc) =	sbr.rel .LBB2_1-.Ltmp0, $4  }
0x8: {  	s5 =	sadd.s32 $0x46800, s5;
	s11 =	smov.u32 s2;
	p0 =	sne.s32 s7, $0x0  }
0x9: {  	s8 =	sshrl.u32 s8, $0x11;
	s7 =	simm.s32 $0x2;
	s9 =	simm.s32 @!p0 $0x0  }
0xa: {  	[sflag:s7] =	ssyncpa.u1 $0x0;
	p0 =	por $0x0, $0x0;
	s8 =	sadd.s32 s9, s8  }
0xb: {  	vm0 =	vmmov $0xffff;
	[sflag:s10] =	ssyncpa.u1 $0x0;
	s10 =	simm.s32 $0x0;
	s9 =	sadd.s32 $0x1, s8  }
.LBB2_4:
0xc: {  	v2 =	vnsel vm1, $0x0, v2  }
0xd: {  	vm1 =	vgt.s32 v0, $0x0;
	v2 =	vmin.u32 v2, $0x27FFF  }
0xe: {  	v0 =	vnsel vm1, $0x0, v0  }
0xf: {  	v0 =	vmin.u32 v0, $0x27FFF  }
0x10: {  	[tilespmem:s15], [sflag:$0x1] =	stream.indirect_vreg.gather [hbm4b:s3+s10], $0x1, v1, vm0, $0x4038;
	[tilespmem:$0x4000] =	vst v63  }
0x11: {  	(ifvalue) =	ssetifvalue $0x7FFFFFFF  }
0x12: {  	[tilespmem:s16], [sflag:$0x1] =	stream.indirect_vreg.gather [hbm4b:s3+s10], $0x1, v2, vm0, $0x4038;
	[tilespmem:$0x4000] =	vst v63  }
0x13: {  	s29 =	sadd.s32 $0x10, s16;
	(ifvalue) =	ssetifvalue $0x7FFFFFFF  }
0x14: {  	[tilespmem:s29], [sflag:$0x1] =	stream.indirect_vreg.gather [hbm4b:s3+s10], $0x1, v0, vm0, $0x4038;
	[tilespmem:$0x4000] =	vst v63  }
0x15: {  	_ =	swait.ge [sflag:s6], $0x1000  }
0x16: {  	s30 =	sshrl.u32 s13, $0x3;
	[sflag:s6] =	ssyncset.done $0x0  }
0x17: {  	s31 =	sand.u32 $0x7, s13;
	s15 =	sadd.s32 s5, s30;
	[sflag:s6] =	ssyncadd.s32 $0xFFFFF000  }
0x18: {  	[hbm4b:s15+s31] =	stream.linear.scatter [tilespmem:s14], [sflag:$0x3], $0x1000, $0x38;
	[tilespmem:$0x4000] =	vst v63  }
.LBB2_5:
0x19: {  	s15 =	sadd.s32 $0x20000, s11  }
0x1a: {  	p2 =	sgt.s32 s15, $0x27FFF  }
0x1b: {  	s15 =	smov.u32 @p2 s2;
	p2 =	sne.s32 s12, s9  }
.Ltmp1:
0x1c: {  	p1 =	slt.u32 s12, $0x2;
	(pc) =	sbr.rel @!p2 .LBB2_6-.Ltmp1, $4  }
0x1d: {  	s14 =	simm.s32 @!p1 $0x3  }
0x1e: {  	s16 =	sadd.s32 $0x1, s12;
	_ =	swait.ge @!p1 [sflag:s14], $0x1000  }
0x1f: {  	s13 =	smov.u32 s11;
	p0 =	por !p0, !p0;
	[sflag:s14] =	ssyncset.done @!p1 $0x0  }
0x20: {  	s12 =	smov.u32 s16;
	s11 =	smov.u32 s15;
	[sflag:s14] =	ssyncadd.s32 @!p1 $0xFFFFF000  }
.LBB2_1:
0x21: {  	p1 =	sge.u32 s12, s8  }
0x22: {  	s14 =	sxor.u32 @!p1 $0xFFFFFFFF, s12  }
0x23: {  	s31 =	sadd.s32 $0xFFFFFFFF, s12;
	s15 =	sshrl.u32 @!p1 s11, $0x3;
	s14 =	sshll.u32 @!p1 s14, $0xC  }
0x24: {  	s16 =	sand.u32 @!p1 $0x7, s11;
	s15 =	sadd.s32 @!p1 s4, s15;
	s14 =	sand.u32 @!p1 $0x1000, s14  }
0x25: {  	[tilespmem:s14], [sflag:$0x2] =	stream.linear.gather @!p1 [hbm4b:s15+s16], $0x1000, $0x38;
	[tilespmem:$0x4000] =	vst v63  }
0x26: {  	p1 =	sge.u32 s31, s8  }
.Ltmp2:
0x27: {  	_ = 	snop;
	(pc) =	sbr.rel @p1 .LBB2_5-.Ltmp2, $1  }
0x28: {  	_ =	sdelay $0x3  }
0x29: {  	s14 =	simm.s32 $0x1  }
0x2a: {  	_ =	swait.ge [sflag:s7], $0x1000;
	s14 =	simm.s32 @!p0 $0x0  }
0x2b: {  	[sflag:s7] =	ssyncset.done $0x0;
	s14 =	sshll.u32 s14, $0xC  }
0x2c: {  	[sflag:s7] =	ssyncadd.s32 $0xFFFFF000;
	(ifvalue) =	ssetifvalue $0x7FFFFFFF;
	v0 =	vld.msk [tilespmem:s14+$0x0 ss:$0x1], $0xffff;
	_ =	sdelay $0x4  }
0x2d: {  	s15 =	sadd.s32 $0x10, s14;
	vm1 =	vgt.s32 v0, $0x0  }
0x2e: {  	v2 =	vld.msk [tilespmem:s15+$0x0 ss:$0x1], $0xffff;
	v1 =	vnsel vm1, $0x0, v0  }
0x2f: {  	v1 =	vmin.u32 v1, $0x27FFF;
	_ =	sdelay $0x1  }
0x30: {  	s16 =	sshll.u32 s12, $0xC;
	s18 =	simm.s32 $0x20  }
0x31: {  	s16 =	sand.u32 $0x1000, s16;
	s17 =	sadd.s32 $0x10, s15;
	s15 =	sor.u32 $0x2000, s14  }
0x32: {  	s14 =	sor.u32 $0x2000, s16;
	s16 =	sadd.s32 $0x10, s15;
	v0 =	vld.msk [tilespmem:s17+$0x0 ss:$0x1], $0xffff;
	vm1 =	vgt.s32 v2, $0x0;
	(ifvalue) =	ssetifvalue $0x7FFFFFFF  }
.LBB2_3:
0x33: {  	[tilespmem:s15], [sflag:$0x1] =	stream.indirect_vreg.gather [hbm4b:s3+s10], $0x1, v1, vm0, $0x4038;
	[tilespmem:$0x4000] =	vst v63  }
0x34: {  	s18 =	sadd.s32 $0x10, s18  }
0x35: {  	v2 =	vnsel vm1, $0x0, v2;
	p1 =	slt.u32 s18, $0xFF0  }
.Ltmp3:
0x36: {  	s15 =	smov.u32 s16;
	v1 =	vmin.u32 v2, $0x27FFF;
	(pc) =	sbr.rel @p1 .LBB2_3-.Ltmp3, $3  }
0x37: {  	_ =	sdelay $0x1  }
0x38: {  	s17 =	sadd.s32 $0x10, s17  }
0x39: {  	vm1 =	vgt.s32 v0, $0x0;
	s16 =	sadd.s32 $0x10, s16;
	v2 =	vmov v0;
	(ifvalue) =	ssetifvalue $0x7FFFFFFF;
	v0 =	vld.msk [tilespmem:s17+$0x0 ss:$0x1], $0xffff  }
.Ltmp4:
0x3a: {  	_ = 	snop;
	(pc) =	sbr.rel .LBB2_4-.Ltmp4, $1  }
0x3b: {  	_ =	sdelay $0x3  }
.LBB2_6:
0x3c: {  	_ =	sfence.sel $0x180000  }
0x3d: {  	s2 =	simm.s32 $0x2;
	[bflag:$0x0] =	sbarrier.arrive $0xFFFF  }
0x3e: {  	s30 =	simm.s32 $0x3;
	[sflag:s2] =	ssyncpa.u1 $0x1  }
0x3f: {  	s31 =	simm.s32 $0x1;
	[sflag:s30] =	ssyncpa.u1 $0x1  }
0x40: {  	[sflag:s31] =	ssyncpa.u1 $0x1  }
0x41: {  	p0 =	sne.s32 s1, $0x0;
	_ =	strace $0x9000004A  }
0x42: {  	s0 =	sadd.s32 @!p0 $0x100000, s0;
	[bflag:$0x2] =	sbarrier.arrive $0xFFFF  }
0x43: {  	[sflag:s0] =	ssyncadd.tile.s32 @!p0 $0x1;
	_ =	shalt  }
.Lfunc_end2:
_tile_overlayer_lowered:
.L_overlay_start_2:
0x44: {  	(tag) =	ssettag $0x2  }
0x45: {  	s0 =	rddreg [dreg:$0x0];
	s2 =	stileid.u32  }
0x46: {  	s1 =	rddreg [dreg:$0x1];
	p0 =	sne.s32 s2, $0x0  }
0x47: {  	s3 =	rddreg [dreg:$0x2];
	[bflag:$0x3] =	sbarrier.arrive $0xFFFF;
	s2 =	simm.s32 @!p0 $0x1C01  }
0x48: {  	[timem:s3], [sflag:s2] =	dma.local @!p0 [hbm:s0], s1  }
0x49: {  	s0 =	simm.s32 @!p0 $0x1  }
0x4a: {  	_ =	swait.ge @!p0 [sflag:s0], s1  }
0x4b: {  	s1 =	ssub.s32 @!p0 $0x0, s1;
	[sflag:s0] =	ssyncset.done @!p0 $0x0  }
0x4c: {  	[sflag:s0] =	ssyncadd.s32 @!p0 s1  }
0x4d: {  	[bflag:$0x3] =	sbarrier.arrive $0xFFFF  }
0x4e: {  	_ =	shalt  }

// kernel: kernel.15.cloned.1.call-start
scs
__scs_entry_jumppad:
0x0: {  	(pc) =	sbr.rel $0x88, $3  }
0x1: {  	(tag) =	ssettag $0x0;
	lr =	simm.s32 $0x1  }
0x2: {  	[smem:$0x3F84] =	sst lr;
	_ =	strace $0xD0000000  }
0x3: {  	_ = 	snop  }
0x4: {  	_ = 	snop  }
0x5: {  	_ = 	snop  }
0x6: {  	_ = 	snop  }
0x7: {  	_ = 	snop  }
__scs_overlays_trampoline_lowered:
0x8: {  	[smem:$0x3F93] =	sst s0  }
0x9: {  	[smem:$0x3F94] =	sst s1  }
0xa: {  	[smem:$0x3F95] =	sst s2  }
0xb: {  	[smem:$0x3F96] =	sst s3  }
0xc: {  	[smem:$0x3F97] =	sst s4  }
0xd: {  	[smem:$0x3F98] =	sst s5  }
0xe: {  	[smem:$0x3F99] =	sst s6  }
0xf: {  	[smem:$0x3F9A] =	sst s7  }
0x10: {  	[smem:$0x3F9B] =	sst s8  }
0x11: {  	[smem:$0x3F9C] =	sst s9;
	s0 =	simm.s32 @!p0 $0x0  }
0x12: {  	s1 =	sld [smem:$0x3F82];
	s0 =	simm.s32 @p0 $0x1  }
0x13: {  	[smem:$0x3F9D] =	sst s0;
	s0 =	simm.s32 @!p1 $0x0  }
0x14: {  	s2 =	sld [smem:$0x3F81];
	s0 =	simm.s32 @p1 $0x1  }
0x15: {  	[smem:$0x3F9E] =	sst s0;
	s0 =	simm.s32 @!p2 $0x0  }
0x16: {  	s3 =	sld [smem:$0x3FDB];
	s0 =	simm.s32 @p2 $0x1  }
0x17: {  	s4 =	simm.s32 $0x1BF5;
	[smem:$0x3FA0] =	sst s0  }
0x18: {  	s0 =	sld [smem:$0x3F83];
	_ =	swait.ge [sflag:s4], $0x0  }
0x19: {  	s7 =	sld [smem:$0x3F84]  }
0x1a: {  	s8 =	sadd.s32 $0xFFFFE003, lr  }
0x1b: {  	s9 =	sadd.s32 $0xFFFFFEF7, lr;
	s5 =	simm.s32 $0xFFFFFFFF;
	p2 =	slt.u32 s8, $0xFFFFF086  }
0x1c: {  	p1 =	slt.u32 s9, $0xF7A;
	s5 =	simm.s32 @!p2 $0x0  }
0x1d: {  	s5 =	simm.s32 @p1 $0x1;
	p0 =	seq.s32 s7, s2  }
0x1e: {  	s7 =	smul.u32 @!p0 $0xF7A, s2;
	p2 =	seq.s32 @!p0 s5, $0x0  }
0x1f: {  	s9 =	smul.u32 $0xF7A, s1;
	s8 =	simm.s32 @!p0 $0x1BF5;
	p2 =	por !p2, p0  }
0x20: {  	[sflag:s8] =	ssyncset.s32 @!p0 $0xFFFFF086;
	s6 =	sadd.s32 @!p0 s3, s7;
	s7 =	simm.s32 @!p0 $0x108  }
0x21: {  	s3 =	sadd.s32 s3, s9;
	s6 =	sadd.s32 @!p0 $0x88, s6;
	s7 =	simm.s32 @p2 $0x1082  }
0x22: {  	[simem:s7], [sflag:s8] =	dma.local @!p0 [hbm:s6], $0xF7A  }
0x23: {  	s9 =	sor.u32 $0xD0000000, s2;
	s6 =	simm.s32 $0x108;
	_ =	swait.ge @!p0 [sflag:s8], $0x0  }
0x24: {  	s3 =	sadd.s32 $0x88, s3;
	s6 =	simm.s32 @!p1 $0x1082;
	[sflag:s4] =	ssyncset.s32 $0xFFFFF086  }
0x25: {  	[simem:s6], [sflag:s4] =	dma.local [hbm:s3], $0xF7A  }
0x26: {  	[smem:$0x3F84] =	sst s1;
	(tag) =	ssettag s2;
	_ =	strace s9  }
0x27: {  	s1 =	sld [smem:$0x3F94]  }
0x28: {  	s2 =	sld [smem:$0x3F95]  }
0x29: {  	s4 =	sld [smem:$0x3F97]  }
0x2a: {  	p0 =	seq.s32 s5, $0x0;
	s5 =	sld [smem:$0x3F98]  }
0x2b: {  	s6 =	sld [smem:$0x3F99]  }
0x2c: {  	s7 =	sld [smem:$0x3F9A]  }
0x2d: {  	s3 =	simm.s32 $0x108;
	s8 =	sld [smem:$0x3F9B]  }
0x2e: {  	s3 =	simm.s32 @!p0 $0x1082;
	s9 =	sld [smem:$0x3F9C]  }
0x2f: {  	lr =	sadd.s32 s0, s3;
	s0 =	sld [smem:$0x3F93]  }
0x30: {  	s3 =	sld [smem:$0x3F96]  }
0x31: {  	[smem:$0x3F9F] =	sst s10  }
0x32: {  	s10 =	sld [smem:$0x3F9D];
	_ =	sdelay $0x3  }
0x33: {  	p0 =	seq.s32 s10, $0x1;
	s10 =	sld [smem:$0x3F9F];
	_ =	sdelay $0x3  }
0x34: {  	[smem:$0x3F9F] =	sst s10  }
0x35: {  	s10 =	sld [smem:$0x3F9E];
	_ =	sdelay $0x3  }
0x36: {  	p1 =	seq.s32 s10, $0x1;
	s10 =	sld [smem:$0x3F9F];
	_ =	sdelay $0x3  }
0x37: {  	[smem:$0x3F9F] =	sst s10  }
0x38: {  	s10 =	sld [smem:$0x3FA0]  }
0x39: {  	_ = 	snop;
	(pc) =	sbr.ind lr, $3  }
0x3a: {  	_ = 	snop  }
0x3b: {  	_ = 	snop  }
0x3c: {  	p2 =	seq.s32 s10, $0x1;
	s10 =	sld [smem:$0x3F9F]  }
0x3d: {  	_ =	shalt  }
0x3e: {  	_ =	shalt  }
0x3f: {  	_ =	shalt  }
0x40: {  	_ =	shalt  }
0x41: {  	_ =	shalt  }
0x42: {  	_ =	shalt  }
0x43: {  	_ =	shalt  }
0x44: {  	_ =	shalt  }
0x45: {  	_ =	shalt  }
0x46: {  	_ =	shalt  }
0x47: {  	_ =	shalt  }
0x48: {  	_ =	shalt  }
0x49: {  	_ =	shalt  }
0x4a: {  	_ =	shalt  }
0x4b: {  	_ =	shalt  }
0x4c: {  	_ =	shalt  }
0x4d: {  	_ =	shalt  }
0x4e: {  	_ =	shalt  }
0x4f: {  	_ =	shalt  }
0x50: {  	_ =	shalt  }
0x51: {  	_ =	shalt  }
0x52: {  	_ =	shalt  }
0x53: {  	_ =	shalt  }
0x54: {  	_ =	shalt  }
0x55: {  	_ =	shalt  }
0x56: {  	_ =	shalt  }
0x57: {  	_ =	shalt  }
0x58: {  	_ =	shalt  }
0x59: {  	_ =	shalt  }
0x5a: {  	_ =	shalt  }
0x5b: {  	_ =	shalt  }
0x5c: {  	_ =	shalt  }
0x5d: {  	_ =	shalt  }
0x5e: {  	_ =	shalt  }
0x5f: {  	_ =	shalt  }
0x60: {  	_ =	shalt  }
0x61: {  	_ =	shalt  }
0x62: {  	_ =	shalt  }
0x63: {  	_ =	shalt  }
0x64: {  	_ =	shalt  }
0x65: {  	_ =	shalt  }
0x66: {  	_ =	shalt  }
0x67: {  	_ =	shalt  }
0x68: {  	_ =	shalt  }
0x69: {  	_ =	shalt  }
0x6a: {  	_ =	shalt  }
0x6b: {  	_ =	shalt  }
0x6c: {  	_ =	shalt  }
0x6d: {  	_ =	shalt  }
0x6e: {  	_ =	shalt  }
0x6f: {  	_ =	shalt  }
0x70: {  	_ =	shalt  }
0x71: {  	_ =	shalt  }
0x72: {  	_ =	shalt  }
0x73: {  	_ =	shalt  }
0x74: {  	_ =	shalt  }
0x75: {  	_ =	shalt  }
0x76: {  	_ =	shalt  }
0x77: {  	_ =	shalt  }
0x78: {  	_ =	shalt  }
0x79: {  	_ =	shalt  }
0x7a: {  	_ =	shalt  }
0x7b: {  	_ =	shalt  }
0x7c: {  	_ =	shalt  }
0x7d: {  	_ =	shalt  }
0x7e: {  	_ =	shalt  }
0x7f: {  	_ =	shalt  }
0x80: {  	_ =	shalt  }
0x81: {  	_ =	shalt  }
0x82: {  	_ =	shalt  }
0x83: {  	_ =	shalt  }
0x84: {  	_ =	shalt  }
0x85: {  	_ =	shalt  }
0x86: {  	_ =	shalt  }
0x87: {  	_ =	shalt  }
.Lfunc_end0:
.L_simem_size_0:
called_computation.2_lowered:
.L_overlay_start_0:
0x88: {  	s2 =	sld [smem:$0x3FD9]  }
0x89: {  	s3 =	sld [smem:$0x3FFE];
	_ =	sdelay $0x1  }
0x8a: {  	s1 =	srdreg.scid  }
0x8b: {  	s0 =	sand.u32 $0x1, s1  }
0x8c: {  	s17 =	sshll.u32 s0, $0xA;
	s2 =	sadd.s32 s3, s2  }
0x8d: {  	s2 =	sadd.s32 s2, s17  }
0x8e: {  	[smem:$0x3FAB] =	sst s2  }
0x8f: {  	_ = 	snop  }
0x90: {  	(tm) =	ssettm $0x1  }
0x91: {  	s18 =	sld [smem:$0x3FFB];
	_ =	sdelay $0x3  }
0x92: {  	_ =	strace s18  }
0x93: {  	s2 =	sld [smem:$0x3FFC];
	_ =	sdelay $0x3  }
0x94: {  	_ =	strace s2  }
0x95: {  	s2 =	sld [smem:$0x3FFD];
	_ =	sdelay $0x3  }
0x96: {  	_ =	strace s2  }
0x97: {  	_ =	strace $0x8FFFFFFF  }
0x98: {  	s19 =	sld [smem:$0x3FDB];
	_ =	sdelay $0x1  }
0x99: {  	s20 =	simm.s32 $_scs_section_size  }
0x9a: {  	s4 =	simm.s32 $_size__tile_overlayer_lowered;
	s5 =	simm.s32 $_tile_overlayer_lowered  }
0x9b: {  	s6 =	simm.s32 $0x1BFF;
	s21 =	sshll.u32 s5, $0x1;
	s3 =	sadd.s32 s20, s19  }
0x9c: {  	s22 =	simm.s32 $0x0;
	s4 =	sshll.u32 s4, $0x1;
	s5 =	sadd.s32 s21, s3  }
0x9d: {  	[timem:s22], [sflag:s6] =	dma.local [hbm:s5], s4  }
0x9e: {  	_ =	swait.ge [sflag:s6], s4  }
0x9f: {  	s4 =	ssub.s32 $0x0, s4;
	[sflag:s6] =	ssyncset.done $0x0  }
0xa0: {  	[sflag:s6] =	ssyncadd.s32 s4;
	_ =	sdelay $0x1  }
0xa1: {  	s23 =	simm.s32 $0x1B8B  }
0xa2: {  	_ =	swait.ge [sflag:s23], $0x1  }
0xa3: {  	[sflag:s23] =	ssyncset.done $0x0  }
0xa4: {  	[sflag:s23] =	ssyncadd.s32 $0xFFFFFFFF  }
0xa5: {  	s4 =	sld [smem:$0x0]  }
0xa6: {  	s5 =	sand.u32 $0xFFFFFFFE, s1  }
0xa7: {  	p0 =	sne.s32 s1, s5  }
0xa8: {  	s5 =	sshll.u32 @p0 s5, $0xE  }
0xa9: {  	s5 =	sadd.s32 @p0 $0x11B8D, s5;
	s6 =	sshll.u32 @p0 s4, $0x11  }
0xaa: {  	s5 =	sor.u32 @p0 s6, s5  }
0xab: {  	[sflag:s5] =	ssyncadd.remote.s32 @p0 $0x1;
	_ =	sdelay $0x1  }
0xac: {  	s5 =	simm.s32 @p0 $0x1B8D  }
0xad: {  	_ =	swait.eq @p0 [sflag:s5], $0x1  }
0xae: {  	[sflag:s5] =	ssyncadd.s32 @p0 $0xFFFFFFFF  }
0xaf: {  	s6 =	sshll.u32 @!p0 s1, $0xE  }
0xb0: {  	s6 =	sor.u32 @!p0 $0x4000, s6;
	s5 =	simm.s32 @!p0 $0x1B8D  }
0xb1: {  	s4 =	sshll.u32 @!p0 s4, $0x11;
	s6 =	sadd.s32 @!p0 $0x11B8D, s6;
	_ =	swait.eq @!p0 [sflag:s5], $0x1  }
0xb2: {  	s4 =	sor.u32 @!p0 s4, s6;
	[sflag:s5] =	ssyncadd.s32 @!p0 $0xFFFFFFFF  }
0xb3: {  	s25 =	simm.s32 $0x1B8E;
	s24 =	sld [smem:$0x3FFE];
	[sflag:s4] =	ssyncadd.remote.s32 @!p0 $0x1  }
0xb4: {  	s26 =	simm.s32 $execute0_lowered;
	[smem:$0x3FD2] =	sst s25  }
0xb5: {  	s5 =	sshll.u32 s26, $0x1;
	_ =	strace $0x8000004F;
	[dreg:$0x1] =	wrdreg $0xFFFFFFFF  }
0xb6: {  	s28 =	simm.s32 $_size_execute0_lowered;
	s3 =	sadd.s32 s3, s5;
	[dreg:$0x0] =	wrdreg $0x0  }
0xb7: {  	s5 =	sshll.u32 s28, $0x1;
	[dreg:$0x2] =	wrdreg s3  }
0xb8: {  	[dreg:$0x3] =	wrdreg s5  }
0xb9: {  	[dreg:$0x4] =	wrdreg $0xC0  }
0xba: {  	_ =	task [dreg:s22], $0x5FFFF  }
0xbb: {  	[dreg:$0x1] =	wrdreg $0xFFFFFFFF  }
0xbc: {  	[dreg:$0x0] =	wrdreg $0x60  }
0xbd: {  	[dreg:$0x2] =	wrdreg s24  }
0xbe: {  	[dreg:$0x3] =	wrdreg $0x1C000  }
0xbf: {  	[dreg:$0x4] =	wrdreg $0x9  }
0xc0: {  	_ =	task.clear_ibuf [dreg:s22], $0x5FFFF;
	_ =	strace $0x9000004F  }
0xc1: {  	s29 =	simm.s32 $0x9;
	_ =	strace $0x80000051  }
0xc2: {  	_ =	swait.ge [sflag:s29], $0x1  }
0xc3: {  	[sflag:s29] =	ssyncadd.s32 $0xFFFFFFFF  }
0xc4: {  	_ =	strace $0x90000051  }
0xc5: {  	_ =	sfence  }
0xc6: {  	s30 =	sld [smem:$0x0];
	_ =	sdelay $0x2  }
0xc7: {  	s31 =	sshll.u32 s1, $0xD;
	s1 =	sshrl.u32 s1, $0x2  }
0xc8: {  	s4 =	sand.u32 $0x4000, s31;
	s1 =	sadd.s32 s1, s30  }
0xc9: {  	s0 =	sor.u32 s4, s0;
	s1 =	sshll.u32 s1, $0x11  }
0xca: {  	s0 =	sor.u32 s1, s0  }
0xcb: {  	s0 =	sadd.s32 $0x8F2B, s0  }
0xcc: {  	[sflag:s0] =	ssyncadd.remote.s32 $0x1  }
0xcd: {  	_ =	sfence.sel $0xFFFF  }
0xce: {  	[dreg:$0x0] =	wrdreg $0xFFFFFFFF;
	(pc) =	sbr.abs _section_cstart, $3  }
0xcf: {  	[dreg:$0x1] =	wrdreg $0xFFFFFFFF  }
0xd0: {  	_ =	task.clear_ibuf [dreg:s22], $0x2FFFF;
	_ =	strace $0x9FFFFFFF  }
0xd1: {  	(tm) =	ssettm $0x7FFFFFFF  }
tec
execute0_lowered:
.L_overlay_start_1:
0x0: {  	(tag) =	ssettag $0x1  }
0x1: {  	s0 =	srdreg.scid;
	s5 =	rddreg [dreg:$0x0]  }
0x2: {  	s12 =	stileid.u32;
	s2 =	rddreg [dreg:$0x1]  }
0x3: {  	s3 =	simm.s32 $0x0;
	s13 =	simm.s32 $0x80;
	s17 =	simm.s32 $0xC00  }
0x4: {  	s18 =	simm.s32 $0xC80;
	s19 =	simm.s32 $0xD00;
	s20 =	simm.s32 $0xD80  }
0x5: {  	s21 =	simm.s32 $0xE00;
	s22 =	simm.s32 $0xE80;
	s23 =	simm.s32 $0xF00  }
0x6: {  	s24 =	simm.s32 $0xF80;
	s25 =	simm.s32 $0x1000;
	s28 =	simm.s32 $0x1100  }
0x7: {  	s29 =	simm.s32 $0x1180;
	s30 =	simm.s32 $0x1200;
	s31 =	simm.s32 $0x1280  }
0x8: {  	s14 =	simm.s32 $0x1;
	s15 =	simm.s32 $0x0;
	s0 =	sand.u32 $0x1, s0  }
0x9: {  	s1 =	sshll.u32 s12, $0x1;
	s6 =	smul.u32 $0x2800, s12;
	[smem:$0x7FF] =	sst s3  }
0xa: {  	s4 =	smul.u32 $0x500, s12;
	s26 =	sshll.u32 s12, $0x6;
	s12 =	simm.s32 $0x1400  }
0xb: {  	s1 =	sor.u32 s0, s1;
	_ =	strace $0x80000050;
	s7 =	smul.u32 $0x5000, s0  }
0xc: {  	s0 =	ssub.s32 $0x2, s0;
	s1 =	smul.u32 $0x280, s1;
	s8 =	sshrl.u32 s6, $0x3  }
0xd: {  	s9 =	sshrl.u32 s0, $0x1;
	s11 =	sadd.s32 s6, s2;
	s6 =	sor.u32 $0x1C02, s26  }
0xe: {  	s26 =	simm.s32 $0x1080;
	s8 =	sadd.s32 s8, s5;
	s7 =	sadd.s32 s4, s7  }
0xf: {  	s4 =	sadd.s32 $0x6600, s5;
	s0 =	ssub.s32 s0, s9;
	s1 =	sadd.s32 s1, s5  }
0x10: {  	s10 =	sadd.s32 s7, s5;
	s5 =	sadd.s32 $0x41800, s8;
	s9 =	smax.u32 s0, $0x1  }
0x11: {  	s0 =	simm.s32 $0x1380;
	s7 =	sadd.s32 $0x3C800, s1;
	s8 =	sadd.s32 $0xEB800, s10  }
0x12: {  	s10 =	sshrl.u32 s11, $0x3;
	s11 =	simm.s32 $0x2;
	s1 =	simm.s32 $0x1300  }
.LBB2_1:
0x13: {  	[spmem:s10], [sflag:s6] =	dma.local [hbm:s5], $0x500  }
0x14: {  	_ =	swait.ge [sflag:s11], $0x500  }
0x15: {  	[sflag:s11] =	ssyncset.done $0x0  }
0x16: {  	[sflag:s11] =	ssyncadd.s32 $0xFFFFFB00  }
0x17: {  	[tilespmem:s12], [sflag:$0x2] =	stream.linear.gather [hbm4b:s4+s3], $0x800, $0x38;
	[tilespmem:$0x4400] =	vst v63  }
0x18: {  	_ =	swait.ge [sflag:s11], $0x800  }
0x19: {  	[sflag:s11] =	ssyncset.done $0x0  }
0x1a: {  	[sflag:s11] =	ssyncadd.s32 $0xFFFFF800  }
0x1b: {  	[bflag:$0x0] =	sbarrier.arrive $0xFFFF  }
0x1c: {  	[tilespmem:s3], [sflag:$0x2] =	stream.linear.gather [hbm4b:s7+s3], $0x1400, $0x38;
	[tilespmem:$0x4400] =	vst v63  }
0x1d: {  	_ =	swait.ge [sflag:s11], $0x1400  }
0x1e: {  	[sflag:s11] =	ssyncset.done $0x0  }
0x1f: {  	[sflag:s11] =	ssyncadd.s32 $0xFFFFEC00  }
0x20: {  	[spmem:s2] =	stream.indirect.scatter.add.f32 [tilespmem:s12], [sflag:$0x1], $0x10, s3, s13, $0xb8;
	[tilespmem:$0x4400] =	vst v63  }
0x21: {  	_ = 	snop  }
0x22: {  	[spmem:s2] =	stream.indirect.scatter.add.f32 [tilespmem:s12], [sflag:$0x1], $0x10, s13, s13, $0xb8;
	[tilespmem:$0x4400] =	vst v63  }
0x23: {  	s16 =	simm.s32 $0x100  }
0x24: {  	[spmem:s2] =	stream.indirect.scatter.add.f32 [tilespmem:s12], [sflag:$0x1], $0x10, s16, s13, $0xb8;
	[tilespmem:$0x4400] =	vst v63  }
0x25: {  	s16 =	simm.s32 $0x180  }
0x26: {  	[spmem:s2] =	stream.indirect.scatter.add.f32 [tilespmem:s12], [sflag:$0x1], $0x10, s16, s13, $0xb8;
	[tilespmem:$0x4400] =	vst v63  }
0x27: {  	s16 =	simm.s32 $0x200  }
0x28: {  	[spmem:s2] =	stream.indirect.scatter.add.f32 [tilespmem:s12], [sflag:$0x1], $0x10, s16, s13, $0xb8;
	[tilespmem:$0x4400] =	vst v63  }
0x29: {  	s16 =	simm.s32 $0x280  }
0x2a: {  	[spmem:s2] =	stream.indirect.scatter.add.f32 [tilespmem:s12], [sflag:$0x1], $0x10, s16, s13, $0xb8;
	[tilespmem:$0x4400] =	vst v63  }
0x2b: {  	s16 =	simm.s32 $0x300  }
0x2c: {  	[spmem:s2] =	stream.indirect.scatter.add.f32 [tilespmem:s12], [sflag:$0x1], $0x10, s16, s13, $0xb8;
	[tilespmem:$0x4400] =	vst v63  }
0x2d: {  	s16 =	simm.s32 $0x380  }
0x2e: {  	[spmem:s2] =	stream.indirect.scatter.add.f32 [tilespmem:s12], [sflag:$0x1], $0x10, s16, s13, $0xb8;
	[tilespmem:$0x4400] =	vst v63  }
0x2f: {  	s16 =	simm.s32 $0x400  }
0x30: {  	[spmem:s2] =	stream.indirect.scatter.add.f32 [tilespmem:s12], [sflag:$0x1], $0x10, s16, s13, $0xb8;
	[tilespmem:$0x4400] =	vst v63  }
0x31: {  	s16 =	simm.s32 $0x480  }
0x32: {  	[spmem:s2] =	stream.indirect.scatter.add.f32 [tilespmem:s12], [sflag:$0x1], $0x10, s16, s13, $0xb8;
	[tilespmem:$0x4400] =	vst v63  }
0x33: {  	s16 =	simm.s32 $0x500  }
0x34: {  	[spmem:s2] =	stream.indirect.scatter.add.f32 [tilespmem:s12], [sflag:$0x1], $0x10, s16, s13, $0xb8;
	[tilespmem:$0x4400] =	vst v63  }
0x35: {  	s16 =	simm.s32 $0x580  }
0x36: {  	[spmem:s2] =	stream.indirect.scatter.add.f32 [tilespmem:s12], [sflag:$0x1], $0x10, s16, s13, $0xb8;
	[tilespmem:$0x4400] =	vst v63  }
0x37: {  	s16 =	simm.s32 $0x600  }
0x38: {  	[spmem:s2] =	stream.indirect.scatter.add.f32 [tilespmem:s12], [sflag:$0x1], $0x10, s16, s13, $0xb8;
	[tilespmem:$0x4400] =	vst v63  }
0x39: {  	s16 =	simm.s32 $0x680  }
0x3a: {  	[spmem:s2] =	stream.indirect.scatter.add.f32 [tilespmem:s12], [sflag:$0x1], $0x10, s16, s13, $0xb8;
	[tilespmem:$0x4400] =	vst v63  }
0x3b: {  	s16 =	simm.s32 $0x700  }
0x3c: {  	[spmem:s2] =	stream.indirect.scatter.add.f32 [tilespmem:s12], [sflag:$0x1], $0x10, s16, s13, $0xb8;
	[tilespmem:$0x4400] =	vst v63  }
0x3d: {  	s16 =	simm.s32 $0x780  }
0x3e: {  	[spmem:s2] =	stream.indirect.scatter.add.f32 [tilespmem:s12], [sflag:$0x1], $0x10, s16, s13, $0xb8;
	[tilespmem:$0x4400] =	vst v63  }
0x3f: {  	s16 =	simm.s32 $0x800  }
0x40: {  	[spmem:s2] =	stream.indirect.scatter.add.f32 [tilespmem:s12], [sflag:$0x1], $0x10, s16, s13, $0xb8;
	[tilespmem:$0x4400] =	vst v63  }
0x41: {  	s16 =	simm.s32 $0x880  }
0x42: {  	[spmem:s2] =	stream.indirect.scatter.add.f32 [tilespmem:s12], [sflag:$0x1], $0x10, s16, s13, $0xb8;
	[tilespmem:$0x4400] =	vst v63  }
0x43: {  	s16 =	simm.s32 $0x900  }
0x44: {  	[spmem:s2] =	stream.indirect.scatter.add.f32 [tilespmem:s12], [sflag:$0x1], $0x10, s16, s13, $0xb8;
	[tilespmem:$0x4400] =	vst v63  }
0x45: {  	s16 =	simm.s32 $0x980  }
0x46: {  	[spmem:s2] =	stream.indirect.scatter.add.f32 [tilespmem:s12], [sflag:$0x1], $0x10, s16, s13, $0xb8;
	[tilespmem:$0x4400] =	vst v63  }
0x47: {  	s16 =	simm.s32 $0xA00  }
0x48: {  	[spmem:s2] =	stream.indirect.scatter.add.f32 [tilespmem:s12], [sflag:$0x1], $0x10, s16, s13, $0xb8;
	[tilespmem:$0x4400] =	vst v63  }
0x49: {  	s16 =	simm.s32 $0xA80  }
0x4a: {  	[spmem:s2] =	stream.indirect.scatter.add.f32 [tilespmem:s12], [sflag:$0x1], $0x10, s16, s13, $0xb8;
	[tilespmem:$0x4400] =	vst v63  }
0x4b: {  	s16 =	simm.s32 $0xB00  }
0x4c: {  	[spmem:s2] =	stream.indirect.scatter.add.f32 [tilespmem:s12], [sflag:$0x1], $0x10, s16, s13, $0xb8;
	[tilespmem:$0x4400] =	vst v63  }
0x4d: {  	s16 =	simm.s32 $0xB80  }
0x4e: {  	[spmem:s2] =	stream.indirect.scatter.add.f32 [tilespmem:s12], [sflag:$0x1], $0x10, s16, s13, $0xb8;
	[tilespmem:$0x4400] =	vst v63  }
0x4f: {  	_ = 	snop  }
0x50: {  	[spmem:s2] =	stream.indirect.scatter.add.f32 [tilespmem:s12], [sflag:$0x1], $0x10, s17, s13, $0xb8;
	[tilespmem:$0x4400] =	vst v63  }
0x51: {  	_ = 	snop  }
0x52: {  	[spmem:s2] =	stream.indirect.scatter.add.f32 [tilespmem:s12], [sflag:$0x1], $0x10, s18, s13, $0xb8;
	[tilespmem:$0x4400] =	vst v63  }
0x53: {  	_ = 	snop  }
0x54: {  	[spmem:s2] =	stream.indirect.scatter.add.f32 [tilespmem:s12], [sflag:$0x1], $0x10, s19, s13, $0xb8;
	[tilespmem:$0x4400] =	vst v63  }
0x55: {  	_ = 	snop  }
0x56: {  	[spmem:s2] =	stream.indirect.scatter.add.f32 [tilespmem:s12], [sflag:$0x1], $0x10, s20, s13, $0xb8;
	[tilespmem:$0x4400] =	vst v63  }
0x57: {  	_ = 	snop  }
0x58: {  	[spmem:s2] =	stream.indirect.scatter.add.f32 [tilespmem:s12], [sflag:$0x1], $0x10, s21, s13, $0xb8;
	[tilespmem:$0x4400] =	vst v63  }
0x59: {  	_ = 	snop  }
0x5a: {  	[spmem:s2] =	stream.indirect.scatter.add.f32 [tilespmem:s12], [sflag:$0x1], $0x10, s22, s13, $0xb8;
	[tilespmem:$0x4400] =	vst v63  }
0x5b: {  	_ = 	snop  }
0x5c: {  	[spmem:s2] =	stream.indirect.scatter.add.f32 [tilespmem:s12], [sflag:$0x1], $0x10, s23, s13, $0xb8;
	[tilespmem:$0x4400] =	vst v63  }
0x5d: {  	_ = 	snop  }
0x5e: {  	[spmem:s2] =	stream.indirect.scatter.add.f32 [tilespmem:s12], [sflag:$0x1], $0x10, s24, s13, $0xb8;
	[tilespmem:$0x4400] =	vst v63  }
0x5f: {  	_ = 	snop  }
0x60: {  	[spmem:s2] =	stream.indirect.scatter.add.f32 [tilespmem:s12], [sflag:$0x1], $0x10, s25, s13, $0xb8;
	[tilespmem:$0x4400] =	vst v63  }
0x61: {  	_ = 	snop  }
0x62: {  	[spmem:s2] =	stream.indirect.scatter.add.f32 [tilespmem:s12], [sflag:$0x1], $0x10, s26, s13, $0xb8;
	[tilespmem:$0x4400] =	vst v63  }
0x63: {  	_ = 	snop  }
0x64: {  	[spmem:s2] =	stream.indirect.scatter.add.f32 [tilespmem:s12], [sflag:$0x1], $0x10, s28, s13, $0xb8;
	[tilespmem:$0x4400] =	vst v63  }
0x65: {  	_ = 	snop  }
0x66: {  	[spmem:s2] =	stream.indirect.scatter.add.f32 [tilespmem:s12], [sflag:$0x1], $0x10, s29, s13, $0xb8;
	[tilespmem:$0x4400] =	vst v63  }
0x67: {  	_ = 	snop  }
0x68: {  	[spmem:s2] =	stream.indirect.scatter.add.f32 [tilespmem:s12], [sflag:$0x1], $0x10, s30, s13, $0xb8;
	[tilespmem:$0x4400] =	vst v63  }
0x69: {  	_ = 	snop  }
0x6a: {  	[spmem:s2] =	stream.indirect.scatter.add.f32 [tilespmem:s12], [sflag:$0x1], $0x10, s31, s13, $0xb8;
	[tilespmem:$0x4400] =	vst v63  }
0x6b: {  	_ = 	snop  }
0x6c: {  	[spmem:s2] =	stream.indirect.scatter.add.f32 [tilespmem:s12], [sflag:$0x1], $0x10, s1, s13, $0xb8;
	[tilespmem:$0x4400] =	vst v63  }
0x6d: {  	_ = 	snop  }
0x6e: {  	[spmem:s2] =	stream.indirect.scatter.add.f32 [tilespmem:s12], [sflag:$0x1], $0x10, s0, s13, $0xb8;
	[tilespmem:$0x4400] =	vst v63  }
0x6f: {  	_ =	swait.ge [sflag:s14], $0x800  }
0x70: {  	s16 =	simm.s32 $0x27;
	[sflag:s14] =	ssyncset.done $0x0  }
.LBB2_2:
0x71: {  	p0 =	sne.s32 s16, $0x1;
	s16 =	sadd.s32 $0xFFFFFFFF, s16;
	[sflag:s14] =	ssyncadd.s32 $0xFFFFF800  }
.Ltmp0:
0x72: {  	(pc) =	sbr.rel @p0 .LBB2_2-.Ltmp0, $3  }
0x73: {  	_ =	sdelay $0x1  }
0x74: {  	_ =	swait.ge [sflag:s14], $0x800  }
0x75: {  	[sflag:s14] =	ssyncset.done $0x0  }
0x76: {  	s15 =	sadd.s32 $0x1, s15  }
0x77: {  	[sflag:s14] =	ssyncadd.s32 $0xFFFFF800;
	p0 =	sne.s32 s15, s9  }
.Ltmp1:
0x78: {  	[bflag:$0x0] =	sbarrier.arrive $0xFFFF;
	(pc) =	sbr.rel @p0 .LBB2_1-.Ltmp1, $4  }
0x79: {  	[hbm:s8], [sflag:s6] =	dma.local [spmem:s10], $0x500  }
0x7a: {  	_ =	swait.ge [sflag:s11], $0x500  }
0x7b: {  	[sflag:s11] =	ssyncset.done $0x0  }
0x7c: {  	[sflag:s11] =	ssyncadd.s32 $0xFFFFFB00  }
0x7d: {  	_ =	sfence.sel $0x180000  }
0x7e: {  	[bflag:$0x0] =	sbarrier.arrive $0xFFFF  }
0x7f: {  	_ =	strace $0x90000050  }
0x80: {  	s0 =	stileid.u32;
	[bflag:$0x2] =	sbarrier.arrive $0xFFFF  }
0x81: {  	p0 =	sne.s32 s0, $0x0;
	s0 =	rddreg [dreg:$0x2]  }
0x82: {  	s0 =	sadd.s32 @!p0 $0x100000, s0  }
0x83: {  	[sflag:s0] =	ssyncadd.tile.s32 @!p0 $0x1;
	_ =	shalt  }
.Lfunc_end2:
_tile_overlayer_lowered:
.L_overlay_start_2:
0x84: {  	(tag) =	ssettag $0x2  }
0x85: {  	s0 =	rddreg [dreg:$0x0];
	s2 =	stileid.u32  }
0x86: {  	s1 =	rddreg [dreg:$0x1];
	p0 =	sne.s32 s2, $0x0  }
0x87: {  	s3 =	rddreg [dreg:$0x2];
	[bflag:$0x3] =	sbarrier.arrive $0xFFFF;
	s2 =	simm.s32 @!p0 $0x1C02  }
0x88: {  	[timem:s3], [sflag:s2] =	dma.local @!p0 [hbm:s0], s1  }
0x89: {  	s0 =	simm.s32 @!p0 $0x2  }
0x8a: {  	_ =	swait.ge @!p0 [sflag:s0], s1  }
0x8b: {  	s1 =	ssub.s32 @!p0 $0x0, s1;
	[sflag:s0] =	ssyncset.done @!p0 $0x0  }
0x8c: {  	[sflag:s0] =	ssyncadd.s32 @!p0 s1  }
0x8d: {  	[bflag:$0x3] =	sbarrier.arrive $0xFFFF  }
0x8e: {  	_ =	shalt  }

// kernel: kernel.18.cloned.1.call-start
scs
__scs_entry_jumppad:
0x0: {  	(pc) =	sbr.rel $0x88, $3  }
0x1: {  	(tag) =	ssettag $0x0;
	lr =	simm.s32 $0x1  }
0x2: {  	[smem:$0x3F84] =	sst lr;
	_ =	strace $0xD0000000  }
0x3: {  	_ = 	snop  }
0x4: {  	_ = 	snop  }
0x5: {  	_ = 	snop  }
0x6: {  	_ = 	snop  }
0x7: {  	_ = 	snop  }
__scs_overlays_trampoline_lowered:
0x8: {  	[smem:$0x3F93] =	sst s0  }
0x9: {  	[smem:$0x3F94] =	sst s1  }
0xa: {  	[smem:$0x3F95] =	sst s2  }
0xb: {  	[smem:$0x3F96] =	sst s3  }
0xc: {  	[smem:$0x3F97] =	sst s4  }
0xd: {  	[smem:$0x3F98] =	sst s5  }
0xe: {  	[smem:$0x3F99] =	sst s6  }
0xf: {  	[smem:$0x3F9A] =	sst s7  }
0x10: {  	[smem:$0x3F9B] =	sst s8  }
0x11: {  	[smem:$0x3F9C] =	sst s9;
	s0 =	simm.s32 @!p0 $0x0  }
0x12: {  	s1 =	sld [smem:$0x3F82];
	s0 =	simm.s32 @p0 $0x1  }
0x13: {  	[smem:$0x3F9D] =	sst s0;
	s0 =	simm.s32 @!p1 $0x0  }
0x14: {  	s2 =	sld [smem:$0x3F81];
	s0 =	simm.s32 @p1 $0x1  }
0x15: {  	[smem:$0x3F9E] =	sst s0;
	s0 =	simm.s32 @!p2 $0x0  }
0x16: {  	s3 =	sld [smem:$0x3FDB];
	s0 =	simm.s32 @p2 $0x1  }
0x17: {  	s4 =	simm.s32 $0x1BF5;
	[smem:$0x3FA0] =	sst s0  }
0x18: {  	s0 =	sld [smem:$0x3F83];
	_ =	swait.ge [sflag:s4], $0x0  }
0x19: {  	s7 =	sld [smem:$0x3F84]  }
0x1a: {  	s8 =	sadd.s32 $0xFFFFE003, lr  }
0x1b: {  	s9 =	sadd.s32 $0xFFFFFEF7, lr;
	s5 =	simm.s32 $0xFFFFFFFF;
	p2 =	slt.u32 s8, $0xFFFFF086  }
0x1c: {  	p1 =	slt.u32 s9, $0xF7A;
	s5 =	simm.s32 @!p2 $0x0  }
0x1d: {  	s5 =	simm.s32 @p1 $0x1;
	p0 =	seq.s32 s7, s2  }
0x1e: {  	s7 =	smul.u32 @!p0 $0xF7A, s2;
	p2 =	seq.s32 @!p0 s5, $0x0  }
0x1f: {  	s9 =	smul.u32 $0xF7A, s1;
	s8 =	simm.s32 @!p0 $0x1BF5;
	p2 =	por !p2, p0  }
0x20: {  	[sflag:s8] =	ssyncset.s32 @!p0 $0xFFFFF086;
	s6 =	sadd.s32 @!p0 s3, s7;
	s7 =	simm.s32 @!p0 $0x108  }
0x21: {  	s3 =	sadd.s32 s3, s9;
	s6 =	sadd.s32 @!p0 $0x88, s6;
	s7 =	simm.s32 @p2 $0x1082  }
0x22: {  	[simem:s7], [sflag:s8] =	dma.local @!p0 [hbm:s6], $0xF7A  }
0x23: {  	s9 =	sor.u32 $0xD0000000, s2;
	s6 =	simm.s32 $0x108;
	_ =	swait.ge @!p0 [sflag:s8], $0x0  }
0x24: {  	s3 =	sadd.s32 $0x88, s3;
	s6 =	simm.s32 @!p1 $0x1082;
	[sflag:s4] =	ssyncset.s32 $0xFFFFF086  }
0x25: {  	[simem:s6], [sflag:s4] =	dma.local [hbm:s3], $0xF7A  }
0x26: {  	[smem:$0x3F84] =	sst s1;
	(tag) =	ssettag s2;
	_ =	strace s9  }
0x27: {  	s1 =	sld [smem:$0x3F94]  }
0x28: {  	s2 =	sld [smem:$0x3F95]  }
0x29: {  	s4 =	sld [smem:$0x3F97]  }
0x2a: {  	p0 =	seq.s32 s5, $0x0;
	s5 =	sld [smem:$0x3F98]  }
0x2b: {  	s6 =	sld [smem:$0x3F99]  }
0x2c: {  	s7 =	sld [smem:$0x3F9A]  }
0x2d: {  	s3 =	simm.s32 $0x108;
	s8 =	sld [smem:$0x3F9B]  }
0x2e: {  	s3 =	simm.s32 @!p0 $0x1082;
	s9 =	sld [smem:$0x3F9C]  }
0x2f: {  	lr =	sadd.s32 s0, s3;
	s0 =	sld [smem:$0x3F93]  }
0x30: {  	s3 =	sld [smem:$0x3F96]  }
0x31: {  	[smem:$0x3F9F] =	sst s10  }
0x32: {  	s10 =	sld [smem:$0x3F9D];
	_ =	sdelay $0x3  }
0x33: {  	p0 =	seq.s32 s10, $0x1;
	s10 =	sld [smem:$0x3F9F];
	_ =	sdelay $0x3  }
0x34: {  	[smem:$0x3F9F] =	sst s10  }
0x35: {  	s10 =	sld [smem:$0x3F9E];
	_ =	sdelay $0x3  }
0x36: {  	p1 =	seq.s32 s10, $0x1;
	s10 =	sld [smem:$0x3F9F];
	_ =	sdelay $0x3  }
0x37: {  	[smem:$0x3F9F] =	sst s10  }
0x38: {  	s10 =	sld [smem:$0x3FA0]  }
0x39: {  	_ = 	snop;
	(pc) =	sbr.ind lr, $3  }
0x3a: {  	_ = 	snop  }
0x3b: {  	_ = 	snop  }
0x3c: {  	p2 =	seq.s32 s10, $0x1;
	s10 =	sld [smem:$0x3F9F]  }
0x3d: {  	_ =	shalt  }
0x3e: {  	_ =	shalt  }
0x3f: {  	_ =	shalt  }
0x40: {  	_ =	shalt  }
0x41: {  	_ =	shalt  }
0x42: {  	_ =	shalt  }
0x43: {  	_ =	shalt  }
0x44: {  	_ =	shalt  }
0x45: {  	_ =	shalt  }
0x46: {  	_ =	shalt  }
0x47: {  	_ =	shalt  }
0x48: {  	_ =	shalt  }
0x49: {  	_ =	shalt  }
0x4a: {  	_ =	shalt  }
0x4b: {  	_ =	shalt  }
0x4c: {  	_ =	shalt  }
0x4d: {  	_ =	shalt  }
0x4e: {  	_ =	shalt  }
0x4f: {  	_ =	shalt  }
0x50: {  	_ =	shalt  }
0x51: {  	_ =	shalt  }
0x52: {  	_ =	shalt  }
0x53: {  	_ =	shalt  }
0x54: {  	_ =	shalt  }
0x55: {  	_ =	shalt  }
0x56: {  	_ =	shalt  }
0x57: {  	_ =	shalt  }
0x58: {  	_ =	shalt  }
0x59: {  	_ =	shalt  }
0x5a: {  	_ =	shalt  }
0x5b: {  	_ =	shalt  }
0x5c: {  	_ =	shalt  }
0x5d: {  	_ =	shalt  }
0x5e: {  	_ =	shalt  }
0x5f: {  	_ =	shalt  }
0x60: {  	_ =	shalt  }
0x61: {  	_ =	shalt  }
0x62: {  	_ =	shalt  }
0x63: {  	_ =	shalt  }
0x64: {  	_ =	shalt  }
0x65: {  	_ =	shalt  }
0x66: {  	_ =	shalt  }
0x67: {  	_ =	shalt  }
0x68: {  	_ =	shalt  }
0x69: {  	_ =	shalt  }
0x6a: {  	_ =	shalt  }
0x6b: {  	_ =	shalt  }
0x6c: {  	_ =	shalt  }
0x6d: {  	_ =	shalt  }
0x6e: {  	_ =	shalt  }
0x6f: {  	_ =	shalt  }
0x70: {  	_ =	shalt  }
0x71: {  	_ =	shalt  }
0x72: {  	_ =	shalt  }
0x73: {  	_ =	shalt  }
0x74: {  	_ =	shalt  }
0x75: {  	_ =	shalt  }
0x76: {  	_ =	shalt  }
0x77: {  	_ =	shalt  }
0x78: {  	_ =	shalt  }
0x79: {  	_ =	shalt  }
0x7a: {  	_ =	shalt  }
0x7b: {  	_ =	shalt  }
0x7c: {  	_ =	shalt  }
0x7d: {  	_ =	shalt  }
0x7e: {  	_ =	shalt  }
0x7f: {  	_ =	shalt  }
0x80: {  	_ =	shalt  }
0x81: {  	_ =	shalt  }
0x82: {  	_ =	shalt  }
0x83: {  	_ =	shalt  }
0x84: {  	_ =	shalt  }
0x85: {  	_ =	shalt  }
0x86: {  	_ =	shalt  }
0x87: {  	_ =	shalt  }
.Lfunc_end0:
.L_simem_size_0:
called_computation.3_lowered:
.L_overlay_start_0:
0x88: {  	s2 =	sld [smem:$0x3FD9]  }
0x89: {  	s3 =	sld [smem:$0x3FFE];
	_ =	sdelay $0x1  }
0x8a: {  	s1 =	srdreg.scid  }
0x8b: {  	s0 =	sand.u32 $0x1, s1  }
0x8c: {  	s16 =	sshll.u32 s0, $0xA;
	s2 =	sadd.s32 s3, s2  }
0x8d: {  	s2 =	sadd.s32 s2, s16  }
0x8e: {  	[smem:$0x3FAB] =	sst s2  }
0x8f: {  	_ = 	snop  }
0x90: {  	(tm) =	ssettm $0x1  }
0x91: {  	s17 =	sld [smem:$0x3FFB];
	_ =	sdelay $0x3  }
0x92: {  	_ =	strace s17  }
0x93: {  	s2 =	sld [smem:$0x3FFC];
	_ =	sdelay $0x3  }
0x94: {  	_ =	strace s2  }
0x95: {  	s2 =	sld [smem:$0x3FFD];
	_ =	sdelay $0x3  }
0x96: {  	_ =	strace s2  }
0x97: {  	_ =	strace $0x8FFFFFFF  }
0x98: {  	s18 =	sld [smem:$0x3FDB];
	_ =	sdelay $0x1  }
0x99: {  	s19 =	simm.s32 $_scs_section_size  }
0x9a: {  	s4 =	simm.s32 $_size__tile_overlayer_lowered;
	s5 =	simm.s32 $_tile_overlayer_lowered  }
0x9b: {  	s22 =	simm.s32 $0x1BFF;
	s21 =	sshll.u32 s5, $0x1;
	s2 =	sadd.s32 s19, s18  }
0x9c: {  	s6 =	simm.s32 $0x0;
	s20 =	sshll.u32 s4, $0x1;
	s4 =	sadd.s32 s21, s2  }
0x9d: {  	[timem:s6], [sflag:s22] =	dma.local [hbm:s4], s20  }
0x9e: {  	_ =	swait.ge [sflag:s22], s20  }
0x9f: {  	s3 =	ssub.s32 $0x0, s20;
	[sflag:s22] =	ssyncset.done $0x0  }
0xa0: {  	[sflag:s22] =	ssyncadd.s32 s3;
	_ =	sdelay $0x1  }
0xa1: {  	s23 =	simm.s32 $0x1B8B  }
0xa2: {  	_ =	swait.ge [sflag:s23], $0x1  }
0xa3: {  	[sflag:s23] =	ssyncset.done $0x0  }
0xa4: {  	s25 =	simm.s32 $0x1B8E;
	s24 =	sld [smem:$0x3FFE];
	[sflag:s23] =	ssyncadd.s32 $0xFFFFFFFF  }
0xa5: {  	s26 =	simm.s32 $execute0_lowered;
	[smem:$0x3FD2] =	sst s25  }
0xa6: {  	s4 =	sshll.u32 s26, $0x1;
	_ =	strace $0x8000004C;
	[dreg:$0x1] =	wrdreg $0xFFFFFFFF  }
0xa7: {  	s28 =	simm.s32 $_size_execute0_lowered;
	s2 =	sadd.s32 s2, s4;
	[dreg:$0x0] =	wrdreg $0x0  }
0xa8: {  	s4 =	sshll.u32 s28, $0x1;
	[dreg:$0x2] =	wrdreg s2  }
0xa9: {  	[dreg:$0x3] =	wrdreg s4  }
0xaa: {  	[dreg:$0x4] =	wrdreg $0xC0  }
0xab: {  	_ =	task [dreg:s6], $0x5FFFF  }
0xac: {  	[dreg:$0x1] =	wrdreg $0xFFFFFFFF  }
0xad: {  	[dreg:$0x0] =	wrdreg $0x60  }
0xae: {  	[dreg:$0x2] =	wrdreg s24  }
0xaf: {  	[dreg:$0x3] =	wrdreg $0xA  }
0xb0: {  	_ =	task.clear_ibuf [dreg:s6], $0x4FFFF;
	_ =	strace $0x9000004C  }
0xb1: {  	s29 =	simm.s32 $0xA;
	_ =	strace $0x8000004E  }
0xb2: {  	_ =	swait.ge [sflag:s29], $0x1  }
0xb3: {  	[sflag:s29] =	ssyncadd.s32 $0xFFFFFFFF  }
0xb4: {  	_ =	strace $0x9000004E  }
0xb5: {  	_ =	sfence  }
0xb6: {  	s30 =	sld [smem:$0x0];
	_ =	sdelay $0x2  }
0xb7: {  	s31 =	sshll.u32 s1, $0xD;
	s1 =	sshrl.u32 s1, $0x2  }
0xb8: {  	s3 =	sand.u32 $0x4000, s31;
	s1 =	sadd.s32 s1, s30  }
0xb9: {  	s0 =	sor.u32 s3, s0;
	s1 =	sshll.u32 s1, $0x11  }
0xba: {  	s0 =	sor.u32 s1, s0  }
0xbb: {  	s0 =	sadd.s32 $0x8F2B, s0  }
0xbc: {  	[sflag:s0] =	ssyncadd.remote.s32 $0x1  }
0xbd: {  	_ =	sfence.sel $0xFFFF  }
0xbe: {  	[dreg:$0x0] =	wrdreg $0xFFFFFFFF;
	(pc) =	sbr.abs _section_cstart, $3  }
0xbf: {  	[dreg:$0x1] =	wrdreg $0xFFFFFFFF  }
0xc0: {  	_ =	task.clear_ibuf [dreg:s6], $0x2FFFF;
	_ =	strace $0x9FFFFFFF  }
0xc1: {  	(tm) =	ssettm $0x7FFFFFFF  }
tec
execute0_lowered:
.L_overlay_start_1:
0x0: {  	(tag) =	ssettag $0x1  }
0x1: {  	s1 =	srdreg.scid  }
0x2: {  	s0 =	stileid.u32;
	s4 =	rddreg [dreg:$0x0];
	s2 =	simm.s32 $0x0  }
0x3: {  	s10 =	simm.s32 $0x80;
	s3 =	sand.u32 $0x1, s1;
	s5 =	sshll.u32 s0, $0x1  }
0x4: {  	s11 =	simm.s32 $0x1;
	s12 =	simm.s32 $0x1400;
	s5 =	sor.u32 s3, s5  }
0x5: {  	s13 =	simm.s32 $0x0;
	s1 =	rddreg [dreg:$0x1];
	s6 =	smul.u32 $0x280, s5  }
0x6: {  	[smem:$0x7FF] =	sst s2;
	s7 =	ssub.s32 $0x2, s3;
	s5 =	smul.u32 $0x2800, s5  }
0x7: {  	_ =	strace $0x8000004D;
	s3 =	sadd.s32 $0x37800, s4;
	s8 =	sshrl.u32 s7, $0x1  }
0x8: {  	s8 =	ssub.s32 s7, s8;
	s6 =	sadd.s32 s6, s4;
	s9 =	sadd.s32 s5, s4  }
0x9: {  	s8 =	smax.u32 s8, $0x1;
	s4 =	sadd.s32 $0x46800, s6;
	s5 =	sadd.s32 $0x4B800, s9  }
0xa: {  	s6 =	sadd.s32 $0x3C800, s6;
	s7 =	sadd.s32 $0x9B800, s9;
	s9 =	simm.s32 $0x2  }
.LBB2_1:
0xb: {  	[tilespmem:s2], [sflag:$0x2] =	stream.linear.gather [hbm4b:s4+s2], $0x1400, $0x38;
	[tilespmem:$0x15400] =	vst v63  }
0xc: {  	_ =	swait.ge [sflag:s9], $0x1400  }
0xd: {  	[sflag:s9] =	ssyncset.done $0x0  }
0xe: {  	s14 =	simm.s32 $0x1400;
	s15 =	simm.s32 $0x0;
	[sflag:s9] =	ssyncadd.s32 $0xFFFFEC00  }
.LBB2_2:
0xf: {  	p0 =	sne.s32 s15, $0x4E00  }
.Ltmp0:
0x10: {  	_ = 	snop;
	(pc) =	sbr.rel @p0 .LBB2_2-.Ltmp0, $4  }
0x11: {  	_ = 	snop  }
0x12: {  	s16 =	sshra.s32 s15, $0x2  }
0x13: {  	[tilespmem:s14], [sflag:$0x1] =	stream.indirect.gather [hbm4b:s3+s10], $0x10, s16, s10, $0xb8;
	[tilespmem:$0x15400] =	vst v63  }
0x14: {  	s15 =	sadd.s32 $0x200, s15;
	s14 =	sadd.s32 $0x800, s14  }
0x15: {  	_ =	swait.ge [sflag:s11], $0x800  }
0x16: {  	s14 =	simm.s32 $0x27;
	[sflag:s11] =	ssyncset.done $0x0  }
.LBB2_4:
0x17: {  	p0 =	sne.s32 s14, $0x1;
	s14 =	sadd.s32 $0xFFFFFFFF, s14;
	[sflag:s11] =	ssyncadd.s32 $0xFFFFF800  }
.Ltmp1:
0x18: {  	(pc) =	sbr.rel @p0 .LBB2_4-.Ltmp1, $3  }
0x19: {  	_ =	sdelay $0x1  }
0x1a: {  	_ =	swait.ge [sflag:s11], $0x800  }
0x1b: {  	[sflag:s11] =	ssyncset.done $0x0  }
0x1c: {  	[sflag:s11] =	ssyncadd.s32 $0xFFFFF800;
	s14 =	simm.s32 $0x0;
	s15 =	simm.s32 $0x1400  }
0x1d: {  	[hbm4b:s5+s14] =	stream.linear.scatter [tilespmem:s15], [sflag:$0x2], $0x14000, $0x38;
	[tilespmem:$0x15400] =	vst v63  }
0x1e: {  	_ =	swait.ge [sflag:s9], $0x14000  }
0x1f: {  	[sflag:s9] =	ssyncset.done $0x0  }
0x20: {  	[sflag:s9] =	ssyncadd.s32 $0xFFFEC000  }
0x21: {  	[tilespmem:s14], [sflag:$0x2] =	stream.linear.gather [hbm4b:s6+s14], $0x1400, $0x38;
	[tilespmem:$0x15400] =	vst v63  }
0x22: {  	_ =	swait.ge [sflag:s9], $0x1400  }
0x23: {  	[sflag:s9] =	ssyncset.done $0x0  }
0x24: {  	[sflag:s9] =	ssyncadd.s32 $0xFFFFEC00  }
.LBB2_6:
0x25: {  	p0 =	sne.s32 s14, $0x4E00  }
.Ltmp2:
0x26: {  	_ = 	snop;
	(pc) =	sbr.rel @p0 .LBB2_6-.Ltmp2, $4  }
0x27: {  	_ = 	snop  }
0x28: {  	s16 =	sshra.s32 s14, $0x2  }
0x29: {  	[tilespmem:s15], [sflag:$0x1] =	stream.indirect.gather [hbm4b:s3+s10], $0x10, s16, s10, $0xb8;
	[tilespmem:$0x15400] =	vst v63  }
0x2a: {  	s14 =	sadd.s32 $0x200, s14;
	s15 =	sadd.s32 $0x800, s15  }
0x2b: {  	_ =	swait.ge [sflag:s11], $0x800  }
0x2c: {  	s14 =	simm.s32 $0x27;
	[sflag:s11] =	ssyncset.done $0x0  }
.LBB2_8:
0x2d: {  	p0 =	sne.s32 s14, $0x1;
	s14 =	sadd.s32 $0xFFFFFFFF, s14;
	[sflag:s11] =	ssyncadd.s32 $0xFFFFF800  }
.Ltmp3:
0x2e: {  	(pc) =	sbr.rel @p0 .LBB2_8-.Ltmp3, $3  }
0x2f: {  	_ =	sdelay $0x1  }
0x30: {  	_ =	swait.ge [sflag:s11], $0x800  }
0x31: {  	[sflag:s11] =	ssyncset.done $0x0  }
0x32: {  	s13 =	sadd.s32 $0x1, s13  }
0x33: {  	p0 =	sne.s32 s13, s8  }
.Ltmp4:
0x34: {  	[sflag:s11] =	ssyncadd.s32 $0xFFFFF800;
	(pc) =	sbr.rel @p0 .LBB2_1-.Ltmp4, $4  }
0x35: {  	[hbm4b:s7+s2] =	stream.linear.scatter [tilespmem:s12], [sflag:$0x2], $0x14000, $0x38;
	[tilespmem:$0x15400] =	vst v63  }
0x36: {  	_ =	swait.ge [sflag:s9], $0x14000  }
0x37: {  	[sflag:s9] =	ssyncset.done $0x0  }
0x38: {  	[sflag:s9] =	ssyncadd.s32 $0xFFFEC000  }
0x39: {  	_ =	sfence.sel $0x180000  }
0x3a: {  	[bflag:$0x0] =	sbarrier.arrive $0xFFFF  }
0x3b: {  	p0 =	sne.s32 s0, $0x0;
	_ =	strace $0x9000004D  }
0x3c: {  	s0 =	sadd.s32 @!p0 $0x100000, s1;
	[bflag:$0x2] =	sbarrier.arrive $0xFFFF  }
0x3d: {  	[sflag:s0] =	ssyncadd.tile.s32 @!p0 $0x1;
	_ =	shalt  }
.Lfunc_end2:
_tile_overlayer_lowered:
.L_overlay_start_2:
0x3e: {  	(tag) =	ssettag $0x2  }
0x3f: {  	s0 =	rddreg [dreg:$0x0];
	s2 =	stileid.u32  }
0x40: {  	s1 =	rddreg [dreg:$0x1];
	p0 =	sne.s32 s2, $0x0  }
0x41: {  	s3 =	rddreg [dreg:$0x2];
	[bflag:$0x3] =	sbarrier.arrive $0xFFFF;
	s2 =	simm.s32 @!p0 $0x1C02  }
0x42: {  	[timem:s3], [sflag:s2] =	dma.local @!p0 [hbm:s0], s1  }
0x43: {  	s0 =	simm.s32 @!p0 $0x2  }
0x44: {  	_ =	swait.ge @!p0 [sflag:s0], s1  }
0x45: {  	s1 =	ssub.s32 @!p0 $0x0, s1;
	[sflag:s0] =	ssyncset.done @!p0 $0x0  }
0x46: {  	[sflag:s0] =	ssyncadd.s32 @!p0 s1  }
0x47: {  	[bflag:$0x3] =	sbarrier.arrive $0xFFFF  }
0x48: {  	_ =	shalt  }

// kernel: kernel.21.cloned.1.call-start
scs
__scs_entry_jumppad:
0x0: {  	(pc) =	sbr.rel $0x88, $3  }
0x1: {  	(tag) =	ssettag $0x0;
	lr =	simm.s32 $0x1  }
0x2: {  	[smem:$0x3F84] =	sst lr;
	_ =	strace $0xD0000000  }
0x3: {  	_ = 	snop  }
0x4: {  	_ = 	snop  }
0x5: {  	_ = 	snop  }
0x6: {  	_ = 	snop  }
0x7: {  	_ = 	snop  }
__scs_overlays_trampoline_lowered:
0x8: {  	[smem:$0x3F93] =	sst s0  }
0x9: {  	[smem:$0x3F94] =	sst s1  }
0xa: {  	[smem:$0x3F95] =	sst s2  }
0xb: {  	[smem:$0x3F96] =	sst s3  }
0xc: {  	[smem:$0x3F97] =	sst s4  }
0xd: {  	[smem:$0x3F98] =	sst s5  }
0xe: {  	[smem:$0x3F99] =	sst s6  }
0xf: {  	[smem:$0x3F9A] =	sst s7  }
0x10: {  	[smem:$0x3F9B] =	sst s8  }
0x11: {  	[smem:$0x3F9C] =	sst s9;
	s0 =	simm.s32 @!p0 $0x0  }
0x12: {  	s1 =	sld [smem:$0x3F82];
	s0 =	simm.s32 @p0 $0x1  }
0x13: {  	[smem:$0x3F9D] =	sst s0;
	s0 =	simm.s32 @!p1 $0x0  }
0x14: {  	s2 =	sld [smem:$0x3F81];
	s0 =	simm.s32 @p1 $0x1  }
0x15: {  	[smem:$0x3F9E] =	sst s0;
	s0 =	simm.s32 @!p2 $0x0  }
0x16: {  	s3 =	sld [smem:$0x3FDB];
	s0 =	simm.s32 @p2 $0x1  }
0x17: {  	s4 =	simm.s32 $0x1BF5;
	[smem:$0x3FA0] =	sst s0  }
0x18: {  	s0 =	sld [smem:$0x3F83];
	_ =	swait.ge [sflag:s4], $0x0  }
0x19: {  	s7 =	sld [smem:$0x3F84]  }
0x1a: {  	s8 =	sadd.s32 $0xFFFFE003, lr  }
0x1b: {  	s9 =	sadd.s32 $0xFFFFFEF7, lr;
	s5 =	simm.s32 $0xFFFFFFFF;
	p2 =	slt.u32 s8, $0xFFFFF086  }
0x1c: {  	p1 =	slt.u32 s9, $0xF7A;
	s5 =	simm.s32 @!p2 $0x0  }
0x1d: {  	s5 =	simm.s32 @p1 $0x1;
	p0 =	seq.s32 s7, s2  }
0x1e: {  	s7 =	smul.u32 @!p0 $0xF7A, s2;
	p2 =	seq.s32 @!p0 s5, $0x0  }
0x1f: {  	s9 =	smul.u32 $0xF7A, s1;
	s8 =	simm.s32 @!p0 $0x1BF5;
	p2 =	por !p2, p0  }
0x20: {  	[sflag:s8] =	ssyncset.s32 @!p0 $0xFFFFF086;
	s6 =	sadd.s32 @!p0 s3, s7;
	s7 =	simm.s32 @!p0 $0x108  }
0x21: {  	s3 =	sadd.s32 s3, s9;
	s6 =	sadd.s32 @!p0 $0x88, s6;
	s7 =	simm.s32 @p2 $0x1082  }
0x22: {  	[simem:s7], [sflag:s8] =	dma.local @!p0 [hbm:s6], $0xF7A  }
0x23: {  	s9 =	sor.u32 $0xD0000000, s2;
	s6 =	simm.s32 $0x108;
	_ =	swait.ge @!p0 [sflag:s8], $0x0  }
0x24: {  	s3 =	sadd.s32 $0x88, s3;
	s6 =	simm.s32 @!p1 $0x1082;
	[sflag:s4] =	ssyncset.s32 $0xFFFFF086  }
0x25: {  	[simem:s6], [sflag:s4] =	dma.local [hbm:s3], $0xF7A  }
0x26: {  	[smem:$0x3F84] =	sst s1;
	(tag) =	ssettag s2;
	_ =	strace s9  }
0x27: {  	s1 =	sld [smem:$0x3F94]  }
0x28: {  	s2 =	sld [smem:$0x3F95]  }
0x29: {  	s4 =	sld [smem:$0x3F97]  }
0x2a: {  	p0 =	seq.s32 s5, $0x0;
	s5 =	sld [smem:$0x3F98]  }
0x2b: {  	s6 =	sld [smem:$0x3F99]  }
0x2c: {  	s7 =	sld [smem:$0x3F9A]  }
0x2d: {  	s3 =	simm.s32 $0x108;
	s8 =	sld [smem:$0x3F9B]  }
0x2e: {  	s3 =	simm.s32 @!p0 $0x1082;
	s9 =	sld [smem:$0x3F9C]  }
0x2f: {  	lr =	sadd.s32 s0, s3;
	s0 =	sld [smem:$0x3F93]  }
0x30: {  	s3 =	sld [smem:$0x3F96]  }
0x31: {  	[smem:$0x3F9F] =	sst s10  }
0x32: {  	s10 =	sld [smem:$0x3F9D];
	_ =	sdelay $0x3  }
0x33: {  	p0 =	seq.s32 s10, $0x1;
	s10 =	sld [smem:$0x3F9F];
	_ =	sdelay $0x3  }
0x34: {  	[smem:$0x3F9F] =	sst s10  }
0x35: {  	s10 =	sld [smem:$0x3F9E];
	_ =	sdelay $0x3  }
0x36: {  	p1 =	seq.s32 s10, $0x1;
	s10 =	sld [smem:$0x3F9F];
	_ =	sdelay $0x3  }
0x37: {  	[smem:$0x3F9F] =	sst s10  }
0x38: {  	s10 =	sld [smem:$0x3FA0]  }
0x39: {  	_ = 	snop;
	(pc) =	sbr.ind lr, $3  }
0x3a: {  	_ = 	snop  }
0x3b: {  	_ = 	snop  }
0x3c: {  	p2 =	seq.s32 s10, $0x1;
	s10 =	sld [smem:$0x3F9F]  }
0x3d: {  	_ =	shalt  }
0x3e: {  	_ =	shalt  }
0x3f: {  	_ =	shalt  }
0x40: {  	_ =	shalt  }
0x41: {  	_ =	shalt  }
0x42: {  	_ =	shalt  }
0x43: {  	_ =	shalt  }
0x44: {  	_ =	shalt  }
0x45: {  	_ =	shalt  }
0x46: {  	_ =	shalt  }
0x47: {  	_ =	shalt  }
0x48: {  	_ =	shalt  }
0x49: {  	_ =	shalt  }
0x4a: {  	_ =	shalt  }
0x4b: {  	_ =	shalt  }
0x4c: {  	_ =	shalt  }
0x4d: {  	_ =	shalt  }
0x4e: {  	_ =	shalt  }
0x4f: {  	_ =	shalt  }
0x50: {  	_ =	shalt  }
0x51: {  	_ =	shalt  }
0x52: {  	_ =	shalt  }
0x53: {  	_ =	shalt  }
0x54: {  	_ =	shalt  }
0x55: {  	_ =	shalt  }
0x56: {  	_ =	shalt  }
0x57: {  	_ =	shalt  }
0x58: {  	_ =	shalt  }
0x59: {  	_ =	shalt  }
0x5a: {  	_ =	shalt  }
0x5b: {  	_ =	shalt  }
0x5c: {  	_ =	shalt  }
0x5d: {  	_ =	shalt  }
0x5e: {  	_ =	shalt  }
0x5f: {  	_ =	shalt  }
0x60: {  	_ =	shalt  }
0x61: {  	_ =	shalt  }
0x62: {  	_ =	shalt  }
0x63: {  	_ =	shalt  }
0x64: {  	_ =	shalt  }
0x65: {  	_ =	shalt  }
0x66: {  	_ =	shalt  }
0x67: {  	_ =	shalt  }
0x68: {  	_ =	shalt  }
0x69: {  	_ =	shalt  }
0x6a: {  	_ =	shalt  }
0x6b: {  	_ =	shalt  }
0x6c: {  	_ =	shalt  }
0x6d: {  	_ =	shalt  }
0x6e: {  	_ =	shalt  }
0x6f: {  	_ =	shalt  }
0x70: {  	_ =	shalt  }
0x71: {  	_ =	shalt  }
0x72: {  	_ =	shalt  }
0x73: {  	_ =	shalt  }
0x74: {  	_ =	shalt  }
0x75: {  	_ =	shalt  }
0x76: {  	_ =	shalt  }
0x77: {  	_ =	shalt  }
0x78: {  	_ =	shalt  }
0x79: {  	_ =	shalt  }
0x7a: {  	_ =	shalt  }
0x7b: {  	_ =	shalt  }
0x7c: {  	_ =	shalt  }
0x7d: {  	_ =	shalt  }
0x7e: {  	_ =	shalt  }
0x7f: {  	_ =	shalt  }
0x80: {  	_ =	shalt  }
0x81: {  	_ =	shalt  }
0x82: {  	_ =	shalt  }
0x83: {  	_ =	shalt  }
0x84: {  	_ =	shalt  }
0x85: {  	_ =	shalt  }
0x86: {  	_ =	shalt  }
0x87: {  	_ =	shalt  }
.Lfunc_end0:
.L_simem_size_0:
called_computation.4_lowered:
.L_overlay_start_0:
0x88: {  	s2 =	sld [smem:$0x3FD9]  }
0x89: {  	s3 =	sld [smem:$0x3FFE];
	_ =	sdelay $0x1  }
0x8a: {  	s1 =	srdreg.scid  }
0x8b: {  	s0 =	sand.u32 $0x1, s1  }
0x8c: {  	s17 =	sshll.u32 s0, $0xA;
	s2 =	sadd.s32 s3, s2  }
0x8d: {  	s2 =	sadd.s32 s2, s17  }
0x8e: {  	[smem:$0x3FAB] =	sst s2  }
0x8f: {  	_ = 	snop  }
0x90: {  	s18 =	sld [smem:$0x3FD0];
	(tm) =	ssettm $0x1  }
0x91: {  	s19 =	sld [smem:$0x3FFB];
	_ =	sdelay $0x3  }
0x92: {  	_ =	strace s19  }
0x93: {  	s2 =	sld [smem:$0x3FFC];
	_ =	sdelay $0x3  }
0x94: {  	_ =	strace s2  }
0x95: {  	s2 =	sld [smem:$0x3FFD];
	_ =	sdelay $0x3  }
0x96: {  	_ =	strace s2  }
0x97: {  	_ =	strace $0x8FFFFFFF  }
0x98: {  	s20 =	sld [smem:$0x3FDB];
	_ =	sdelay $0x1  }
0x99: {  	s4 =	simm.s32 $_scs_section_size  }
0x9a: {  	s5 =	simm.s32 $_size__tile_overlayer_lowered;
	s6 =	simm.s32 $_tile_overlayer_lowered  }
0x9b: {  	s7 =	simm.s32 $0x1BFF;
	s21 =	sshll.u32 s6, $0x1;
	s4 =	sadd.s32 s4, s20  }
0x9c: {  	s22 =	simm.s32 $0x0;
	s5 =	sshll.u32 s5, $0x1;
	s6 =	sadd.s32 s21, s4  }
0x9d: {  	[timem:s22], [sflag:s7] =	dma.local [hbm:s6], s5  }
0x9e: {  	_ =	swait.ge [sflag:s7], s5  }
0x9f: {  	s5 =	ssub.s32 $0x0, s5;
	[sflag:s7] =	ssyncset.done $0x0  }
0xa0: {  	[sflag:s7] =	ssyncadd.s32 s5;
	_ =	sdelay $0x1  }
0xa1: {  	s23 =	simm.s32 $0x1B8B  }
0xa2: {  	_ =	swait.ge [sflag:s23], $0x1  }
0xa3: {  	[sflag:s23] =	ssyncset.done $0x0  }
0xa4: {  	[sflag:s23] =	ssyncadd.s32 $0xFFFFFFFF  }
0xa5: {  	s5 =	sld [smem:$0x0]  }
0xa6: {  	s6 =	sand.u32 $0xFFFFFFFE, s1  }
0xa7: {  	p0 =	sne.s32 s1, s6  }
0xa8: {  	s6 =	sshll.u32 @p0 s6, $0xE  }
0xa9: {  	s6 =	sadd.s32 @p0 $0x11B8D, s6;
	s7 =	sshll.u32 @p0 s5, $0x11  }
0xaa: {  	s6 =	sor.u32 @p0 s7, s6  }
0xab: {  	[sflag:s6] =	ssyncadd.remote.s32 @p0 $0x1;
	_ =	sdelay $0x1  }
0xac: {  	s6 =	simm.s32 @p0 $0x1B8D  }
0xad: {  	_ =	swait.eq @p0 [sflag:s6], $0x1  }
0xae: {  	[sflag:s6] =	ssyncadd.s32 @p0 $0xFFFFFFFF  }
0xaf: {  	s7 =	sshll.u32 @!p0 s1, $0xE  }
0xb0: {  	s7 =	sor.u32 @!p0 $0x4000, s7;
	s6 =	simm.s32 @!p0 $0x1B8D  }
0xb1: {  	s5 =	sshll.u32 @!p0 s5, $0x11;
	s7 =	sadd.s32 @!p0 $0x11B8D, s7;
	_ =	swait.eq @!p0 [sflag:s6], $0x1  }
0xb2: {  	s5 =	sor.u32 @!p0 s5, s7;
	[sflag:s6] =	ssyncadd.s32 @!p0 $0xFFFFFFFF  }
0xb3: {  	s25 =	simm.s32 $0x1B8E;
	s24 =	sld [smem:$0x3FFE];
	[sflag:s5] =	ssyncadd.remote.s32 @!p0 $0x1  }
0xb4: {  	s26 =	simm.s32 $execute0_lowered;
	[smem:$0x3FD2] =	sst s25  }
0xb5: {  	s6 =	sshll.u32 s26, $0x1;
	_ =	strace $0x80000052;
	[dreg:$0x1] =	wrdreg $0xFFFFFFFF  }
0xb6: {  	s28 =	simm.s32 $_size_execute0_lowered;
	s4 =	sadd.s32 s4, s6;
	[dreg:$0x0] =	wrdreg $0x0  }
0xb7: {  	s6 =	sshll.u32 s28, $0x1;
	[dreg:$0x2] =	wrdreg s4  }
0xb8: {  	[dreg:$0x3] =	wrdreg s6  }
0xb9: {  	[dreg:$0x4] =	wrdreg $0xC0  }
0xba: {  	_ =	task [dreg:s22], $0x5FFFF  }
0xbb: {  	[dreg:$0x1] =	wrdreg $0xFFFFFFFF  }
0xbc: {  	[dreg:$0x0] =	wrdreg $0x60  }
0xbd: {  	[dreg:$0x2] =	wrdreg s24  }
0xbe: {  	[dreg:$0x3] =	wrdreg s18  }
0xbf: {  	[dreg:$0x4] =	wrdreg $0x154000  }
0xc0: {  	[dreg:$0x5] =	wrdreg $0xA  }
0xc1: {  	_ =	task.clear_ibuf [dreg:s22], $0x6FFFF;
	_ =	strace $0x90000052  }
0xc2: {  	s29 =	simm.s32 $0xA;
	_ =	strace $0x80000054  }
0xc3: {  	_ =	swait.ge [sflag:s29], $0x1  }
0xc4: {  	[sflag:s29] =	ssyncadd.s32 $0xFFFFFFFF  }
0xc5: {  	_ =	strace $0x90000054  }
0xc6: {  	_ =	sfence  }
0xc7: {  	s30 =	sld [smem:$0x0];
	_ =	sdelay $0x2  }
0xc8: {  	s31 =	sshll.u32 s1, $0xD;
	s1 =	sshrl.u32 s1, $0x2  }
0xc9: {  	s4 =	sand.u32 $0x4000, s31;
	s1 =	sadd.s32 s1, s30  }
0xca: {  	s0 =	sor.u32 s4, s0;
	s1 =	sshll.u32 s1, $0x11  }
0xcb: {  	s0 =	sor.u32 s1, s0  }
0xcc: {  	s0 =	sadd.s32 $0x8F2B, s0  }
0xcd: {  	[sflag:s0] =	ssyncadd.remote.s32 $0x1  }
0xce: {  	_ =	sfence.sel $0xFFFF  }
0xcf: {  	[dreg:$0x0] =	wrdreg $0xFFFFFFFF;
	(pc) =	sbr.abs _section_cstart, $3  }
0xd0: {  	[dreg:$0x1] =	wrdreg $0xFFFFFFFF  }
0xd1: {  	_ =	task.clear_ibuf [dreg:s22], $0x2FFFF;
	_ =	strace $0x9FFFFFFF  }
0xd2: {  	(tm) =	ssettm $0x7FFFFFFF  }
0xd3: {  	_ =	shalt  }
tec
execute0_lowered:
.L_overlay_start_1:
0x0: {  	(tag) =	ssettag $0x1  }
0x1: {  	s4 =	rddreg [dreg:$0x0]  }
0x2: {  	s1 =	srdreg.scid;
	s8 =	rddreg [dreg:$0x1]  }
0x3: {  	s0 =	stileid.u32;
	s2 =	rddreg [dreg:$0x2]  }
0x4: {  	s3 =	simm.s32 $0x0;
	s14 =	simm.s32 $0x0;
	s5 =	sand.u32 $0x1, s1  }
0x5: {  	s26 =	sshll.u32 s0, $0x1;
	s1 =	rddreg [dreg:$0x3];
	s9 =	smul.u32 $0x2800, s0  }
0x6: {  	[smem:$0x7FF] =	sst s3;
	s12 =	smul.u32 $0x500, s0;
	s30 =	sshll.u32 s0, $0x6  }
0x7: {  	s6 =	sor.u32 s5, s26;
	_ =	strace $0x80000053;
	s13 =	smul.u32 $0x5000, s5  }
0x8: {  	s11 =	ssub.s32 $0x2, s5;
	s5 =	sor.u32 $0x1C02, s30;
	s7 =	smul.u32 $0x2800, s6  }
0x9: {  	s6 =	smul.u32 $0x280, s6;
	s10 =	sshrl.u32 s9, $0x3;
	s28 =	sshrl.u32 s11, $0x1  }
0xa: {  	s29 =	sadd.s32 s9, s2;
	s31 =	sadd.s32 s12, s13;
	s12 =	simm.s32 $0x80  }
0xb: {  	s13 =	simm.s32 $0x1;
	s7 =	sadd.s32 s7, s4;
	s6 =	sadd.s32 s6, s4  }
0xc: {  	s4 =	sadd.s32 s10, s4;
	s10 =	ssub.s32 s11, s28;
	s8 =	sadd.s32 s8, s31  }
0xd: {  	s11 =	simm.s32 $0x2;
	s4 =	sadd.s32 $0x41800, s4;
	s6 =	sadd.s32 $0x3C800, s6  }
0xe: {  	s7 =	sadd.s32 $0x4B800, s7;
	s9 =	smax.u32 s10, $0x1;
	s10 =	sshrl.u32 s29, $0x3  }
.LBB2_1:
0xf: {  	[spmem:s10], [sflag:s5] =	dma.local [hbm:s4], $0x500  }
0x10: {  	_ =	swait.ge [sflag:s11], $0x500  }
0x11: {  	[sflag:s11] =	ssyncset.done $0x0  }
0x12: {  	[sflag:s11] =	ssyncadd.s32 $0xFFFFFB00  }
0x13: {  	[bflag:$0x0] =	sbarrier.arrive $0xFFFF  }
0x14: {  	[tilespmem:s3], [sflag:$0x2] =	stream.linear.gather [hbm4b:s6+s3], $0x1400, $0x38;
	[tilespmem:$0x17C00] =	vst v63  }
0x15: {  	_ =	swait.ge [sflag:s11], $0x1400  }
0x16: {  	[sflag:s11] =	ssyncset.done $0x0  }
0x17: {  	s15 =	simm.s32 $0x1400;
	[sflag:s11] =	ssyncadd.s32 $0xFFFFEC00  }
0x18: {  	[tilespmem:s15], [sflag:$0x2] =	stream.linear.gather [hbm4b:s7+s3], $0x14000, $0x38;
	[tilespmem:$0x17C00] =	vst v63  }
0x19: {  	_ =	swait.ge [sflag:s11], $0x14000  }
0x1a: {  	[sflag:s11] =	ssyncset.done $0x0  }
0x1b: {  	s16 =	simm.s32 $0x0;
	[sflag:s11] =	ssyncadd.s32 $0xFFFEC000  }
.LBB2_2:
0x1c: {  	p0 =	sne.s32 s16, $0x4E00  }
.Ltmp0:
0x1d: {  	_ = 	snop;
	(pc) =	sbr.rel @p0 .LBB2_2-.Ltmp0, $4  }
0x1e: {  	_ = 	snop  }
0x1f: {  	s17 =	sshra.s32 s16, $0x2  }
0x20: {  	[spmem:s2] =	stream.indirect.scatter.add.f32 [tilespmem:s15], [sflag:$0x1], $0x10, s17, s12, $0xb8;
	[tilespmem:$0x17C00] =	vst v63  }
0x21: {  	s16 =	sadd.s32 $0x200, s16;
	s15 =	sadd.s32 $0x800, s15  }
0x22: {  	_ =	swait.ge [sflag:s13], $0x800  }
0x23: {  	s15 =	simm.s32 $0x27;
	[sflag:s13] =	ssyncset.done $0x0  }
.LBB2_4:
0x24: {  	p0 =	sne.s32 s15, $0x1;
	s15 =	sadd.s32 $0xFFFFFFFF, s15;
	[sflag:s13] =	ssyncadd.s32 $0xFFFFF800  }
.Ltmp1:
0x25: {  	(pc) =	sbr.rel @p0 .LBB2_4-.Ltmp1, $3  }
0x26: {  	_ =	sdelay $0x1  }
0x27: {  	_ =	swait.ge [sflag:s13], $0x800  }
0x28: {  	[sflag:s13] =	ssyncset.done $0x0  }
0x29: {  	s14 =	sadd.s32 $0x1, s14  }
0x2a: {  	[sflag:s13] =	ssyncadd.s32 $0xFFFFF800;
	p0 =	sne.s32 s14, s9  }
.Ltmp2:
0x2b: {  	[bflag:$0x0] =	sbarrier.arrive $0xFFFF;
	(pc) =	sbr.rel @p0 .LBB2_1-.Ltmp2, $4  }
0x2c: {  	[hbm:s8], [sflag:s5] =	dma.local [spmem:s10], $0x500  }
0x2d: {  	_ =	swait.ge [sflag:s11], $0x500  }
0x2e: {  	[sflag:s11] =	ssyncset.done $0x0  }
0x2f: {  	[sflag:s11] =	ssyncadd.s32 $0xFFFFFB00  }
0x30: {  	_ =	sfence.sel $0x180000  }
0x31: {  	[bflag:$0x0] =	sbarrier.arrive $0xFFFF  }
0x32: {  	p0 =	sne.s32 s0, $0x0;
	_ =	strace $0x90000053  }
0x33: {  	s0 =	sadd.s32 @!p0 $0x100000, s1;
	[bflag:$0x2] =	sbarrier.arrive $0xFFFF  }
0x34: {  	[sflag:s0] =	ssyncadd.tile.s32 @!p0 $0x1;
	_ =	shalt  }
.Lfunc_end2:
_tile_overlayer_lowered:
.L_overlay_start_2:
0x35: {  	(tag) =	ssettag $0x2  }
0x36: {  	s0 =	rddreg [dreg:$0x0];
	s2 =	stileid.u32  }
0x37: {  	s1 =	rddreg [dreg:$0x1];
	p0 =	sne.s32 s2, $0x0  }
0x38: {  	s3 =	rddreg [dreg:$0x2];
	[bflag:$0x3] =	sbarrier.arrive $0xFFFF;
	s2 =	simm.s32 @!p0 $0x1C02  }
0x39: {  	[timem:s3], [sflag:s2] =	dma.local @!p0 [hbm:s0], s1  }
0x3a: {  	s0 =	simm.s32 @!p0 $0x2  }
0x3b: {  	_ =	swait.ge @!p0 [sflag:s0], s1  }
0x3c: {  	s1 =	ssub.s32 @!p0 $0x0, s1;
	[sflag:s0] =	ssyncset.done @!p0 $0x0  }
0x3d: {  	[sflag:s0] =	ssyncadd.s32 @!p0 s1  }
0x3e: {  	[bflag:$0x3] =	sbarrier.arrive $0xFFFF  }
0x3f: {  	_ =	shalt  }

// kernel: kernel.24.cloned.1.call-start
scs
__scs_entry_jumppad:
0x0: {  	(pc) =	sbr.rel $0x88, $3  }
0x1: {  	(tag) =	ssettag $0x0;
	lr =	simm.s32 $0x1  }
0x2: {  	[smem:$0x3F84] =	sst lr;
	_ =	strace $0xD0000000  }
0x3: {  	_ = 	snop  }
0x4: {  	_ = 	snop  }
0x5: {  	_ = 	snop  }
0x6: {  	_ = 	snop  }
0x7: {  	_ = 	snop  }
__scs_overlays_trampoline_lowered:
0x8: {  	[smem:$0x3F93] =	sst s0  }
0x9: {  	[smem:$0x3F94] =	sst s1  }
0xa: {  	[smem:$0x3F95] =	sst s2  }
0xb: {  	[smem:$0x3F96] =	sst s3  }
0xc: {  	[smem:$0x3F97] =	sst s4  }
0xd: {  	[smem:$0x3F98] =	sst s5  }
0xe: {  	[smem:$0x3F99] =	sst s6  }
0xf: {  	[smem:$0x3F9A] =	sst s7  }
0x10: {  	[smem:$0x3F9B] =	sst s8  }
0x11: {  	[smem:$0x3F9C] =	sst s9;
	s0 =	simm.s32 @!p0 $0x0  }
0x12: {  	s1 =	sld [smem:$0x3F82];
	s0 =	simm.s32 @p0 $0x1  }
0x13: {  	[smem:$0x3F9D] =	sst s0;
	s0 =	simm.s32 @!p1 $0x0  }
0x14: {  	s2 =	sld [smem:$0x3F81];
	s0 =	simm.s32 @p1 $0x1  }
0x15: {  	[smem:$0x3F9E] =	sst s0;
	s0 =	simm.s32 @!p2 $0x0  }
0x16: {  	s3 =	sld [smem:$0x3FDB];
	s0 =	simm.s32 @p2 $0x1  }
0x17: {  	s4 =	simm.s32 $0x1BF5;
	[smem:$0x3FA0] =	sst s0  }
0x18: {  	s0 =	sld [smem:$0x3F83];
	_ =	swait.ge [sflag:s4], $0x0  }
0x19: {  	s7 =	sld [smem:$0x3F84]  }
0x1a: {  	s8 =	sadd.s32 $0xFFFFE003, lr  }
0x1b: {  	s9 =	sadd.s32 $0xFFFFFEF7, lr;
	s5 =	simm.s32 $0xFFFFFFFF;
	p2 =	slt.u32 s8, $0xFFFFF086  }
0x1c: {  	p1 =	slt.u32 s9, $0xF7A;
	s5 =	simm.s32 @!p2 $0x0  }
0x1d: {  	s5 =	simm.s32 @p1 $0x1;
	p0 =	seq.s32 s7, s2  }
0x1e: {  	s7 =	smul.u32 @!p0 $0xF7A, s2;
	p2 =	seq.s32 @!p0 s5, $0x0  }
0x1f: {  	s9 =	smul.u32 $0xF7A, s1;
	s8 =	simm.s32 @!p0 $0x1BF5;
	p2 =	por !p2, p0  }
0x20: {  	[sflag:s8] =	ssyncset.s32 @!p0 $0xFFFFF086;
	s6 =	sadd.s32 @!p0 s3, s7;
	s7 =	simm.s32 @!p0 $0x108  }
0x21: {  	s3 =	sadd.s32 s3, s9;
	s6 =	sadd.s32 @!p0 $0x88, s6;
	s7 =	simm.s32 @p2 $0x1082  }
0x22: {  	[simem:s7], [sflag:s8] =	dma.local @!p0 [hbm:s6], $0xF7A  }
0x23: {  	s9 =	sor.u32 $0xD0000000, s2;
	s6 =	simm.s32 $0x108;
	_ =	swait.ge @!p0 [sflag:s8], $0x0  }
0x24: {  	s3 =	sadd.s32 $0x88, s3;
	s6 =	simm.s32 @!p1 $0x1082;
	[sflag:s4] =	ssyncset.s32 $0xFFFFF086  }
0x25: {  	[simem:s6], [sflag:s4] =	dma.local [hbm:s3], $0xF7A  }
0x26: {  	[smem:$0x3F84] =	sst s1;
	(tag) =	ssettag s2;
	_ =	strace s9  }
0x27: {  	s1 =	sld [smem:$0x3F94]  }
0x28: {  	s2 =	sld [smem:$0x3F95]  }
0x29: {  	s4 =	sld [smem:$0x3F97]  }
0x2a: {  	p0 =	seq.s32 s5, $0x0;
	s5 =	sld [smem:$0x3F98]  }
0x2b: {  	s6 =	sld [smem:$0x3F99]  }
0x2c: {  	s7 =	sld [smem:$0x3F9A]  }
0x2d: {  	s3 =	simm.s32 $0x108;
	s8 =	sld [smem:$0x3F9B]  }
0x2e: {  	s3 =	simm.s32 @!p0 $0x1082;
	s9 =	sld [smem:$0x3F9C]  }
0x2f: {  	lr =	sadd.s32 s0, s3;
	s0 =	sld [smem:$0x3F93]  }
0x30: {  	s3 =	sld [smem:$0x3F96]  }
0x31: {  	[smem:$0x3F9F] =	sst s10  }
0x32: {  	s10 =	sld [smem:$0x3F9D];
	_ =	sdelay $0x3  }
0x33: {  	p0 =	seq.s32 s10, $0x1;
	s10 =	sld [smem:$0x3F9F];
	_ =	sdelay $0x3  }
0x34: {  	[smem:$0x3F9F] =	sst s10  }
0x35: {  	s10 =	sld [smem:$0x3F9E];
	_ =	sdelay $0x3  }
0x36: {  	p1 =	seq.s32 s10, $0x1;
	s10 =	sld [smem:$0x3F9F];
	_ =	sdelay $0x3  }
0x37: {  	[smem:$0x3F9F] =	sst s10  }
0x38: {  	s10 =	sld [smem:$0x3FA0]  }
0x39: {  	_ = 	snop;
	(pc) =	sbr.ind lr, $3  }
0x3a: {  	_ = 	snop  }
0x3b: {  	_ = 	snop  }
0x3c: {  	p2 =	seq.s32 s10, $0x1;
	s10 =	sld [smem:$0x3F9F]  }
0x3d: {  	_ =	shalt  }
0x3e: {  	_ =	shalt  }
0x3f: {  	_ =	shalt  }
0x40: {  	_ =	shalt  }
0x41: {  	_ =	shalt  }
0x42: {  	_ =	shalt  }
0x43: {  	_ =	shalt  }
0x44: {  	_ =	shalt  }
0x45: {  	_ =	shalt  }
0x46: {  	_ =	shalt  }
0x47: {  	_ =	shalt  }
0x48: {  	_ =	shalt  }
0x49: {  	_ =	shalt  }
0x4a: {  	_ =	shalt  }
0x4b: {  	_ =	shalt  }
0x4c: {  	_ =	shalt  }
0x4d: {  	_ =	shalt  }
0x4e: {  	_ =	shalt  }
0x4f: {  	_ =	shalt  }
0x50: {  	_ =	shalt  }
0x51: {  	_ =	shalt  }
0x52: {  	_ =	shalt  }
0x53: {  	_ =	shalt  }
0x54: {  	_ =	shalt  }
0x55: {  	_ =	shalt  }
0x56: {  	_ =	shalt  }
0x57: {  	_ =	shalt  }
0x58: {  	_ =	shalt  }
0x59: {  	_ =	shalt  }
0x5a: {  	_ =	shalt  }
0x5b: {  	_ =	shalt  }
0x5c: {  	_ =	shalt  }
0x5d: {  	_ =	shalt  }
0x5e: {  	_ =	shalt  }
0x5f: {  	_ =	shalt  }
0x60: {  	_ =	shalt  }
0x61: {  	_ =	shalt  }
0x62: {  	_ =	shalt  }
0x63: {  	_ =	shalt  }
0x64: {  	_ =	shalt  }
0x65: {  	_ =	shalt  }
0x66: {  	_ =	shalt  }
0x67: {  	_ =	shalt  }
0x68: {  	_ =	shalt  }
0x69: {  	_ =	shalt  }
0x6a: {  	_ =	shalt  }
0x6b: {  	_ =	shalt  }
0x6c: {  	_ =	shalt  }
0x6d: {  	_ =	shalt  }
0x6e: {  	_ =	shalt  }
0x6f: {  	_ =	shalt  }
0x70: {  	_ =	shalt  }
0x71: {  	_ =	shalt  }
0x72: {  	_ =	shalt  }
0x73: {  	_ =	shalt  }
0x74: {  	_ =	shalt  }
0x75: {  	_ =	shalt  }
0x76: {  	_ =	shalt  }
0x77: {  	_ =	shalt  }
0x78: {  	_ =	shalt  }
0x79: {  	_ =	shalt  }
0x7a: {  	_ =	shalt  }
0x7b: {  	_ =	shalt  }
0x7c: {  	_ =	shalt  }
0x7d: {  	_ =	shalt  }
0x7e: {  	_ =	shalt  }
0x7f: {  	_ =	shalt  }
0x80: {  	_ =	shalt  }
0x81: {  	_ =	shalt  }
0x82: {  	_ =	shalt  }
0x83: {  	_ =	shalt  }
0x84: {  	_ =	shalt  }
0x85: {  	_ =	shalt  }
0x86: {  	_ =	shalt  }
0x87: {  	_ =	shalt  }
.Lfunc_end0:
.L_simem_size_0:
called_computation.5_lowered:
.L_overlay_start_0:
0x88: {  	s2 =	sld [smem:$0x3FD9]  }
0x89: {  	s3 =	sld [smem:$0x3FFE];
	_ =	sdelay $0x1  }
0x8a: {  	s1 =	srdreg.scid  }
0x8b: {  	s0 =	sand.u32 $0x1, s1  }
0x8c: {  	s16 =	sshll.u32 s0, $0xA;
	s2 =	sadd.s32 s3, s2  }
0x8d: {  	s2 =	sadd.s32 s2, s16  }
0x8e: {  	[smem:$0x3FAB] =	sst s2  }
0x8f: {  	_ = 	snop  }
0x90: {  	(tm) =	ssettm $0x1  }
0x91: {  	s17 =	sld [smem:$0x3FFB];
	_ =	sdelay $0x3  }
0x92: {  	_ =	strace s17  }
0x93: {  	s2 =	sld [smem:$0x3FFC];
	_ =	sdelay $0x3  }
0x94: {  	_ =	strace s2  }
0x95: {  	s2 =	sld [smem:$0x3FFD];
	_ =	sdelay $0x3  }
0x96: {  	_ =	strace s2  }
0x97: {  	_ =	strace $0x8FFFFFFF  }
0x98: {  	s18 =	sld [smem:$0x3FDB];
	_ =	sdelay $0x1  }
0x99: {  	s19 =	simm.s32 $_scs_section_size  }
0x9a: {  	s4 =	simm.s32 $_size__tile_overlayer_lowered;
	s5 =	simm.s32 $_tile_overlayer_lowered  }
0x9b: {  	s22 =	simm.s32 $0x1BFF;
	s21 =	sshll.u32 s5, $0x1;
	s2 =	sadd.s32 s19, s18  }
0x9c: {  	s6 =	simm.s32 $0x0;
	s20 =	sshll.u32 s4, $0x1;
	s4 =	sadd.s32 s21, s2  }
0x9d: {  	[timem:s6], [sflag:s22] =	dma.local [hbm:s4], s20  }
0x9e: {  	_ =	swait.ge [sflag:s22], s20  }
0x9f: {  	s3 =	ssub.s32 $0x0, s20;
	[sflag:s22] =	ssyncset.done $0x0  }
0xa0: {  	[sflag:s22] =	ssyncadd.s32 s3;
	_ =	sdelay $0x1  }
0xa1: {  	s23 =	simm.s32 $0x1B8B  }
0xa2: {  	_ =	swait.ge [sflag:s23], $0x1  }
0xa3: {  	[sflag:s23] =	ssyncset.done $0x0  }
0xa4: {  	s25 =	simm.s32 $0x1B8E;
	s24 =	sld [smem:$0x3FFE];
	[sflag:s23] =	ssyncadd.s32 $0xFFFFFFFF  }
0xa5: {  	s26 =	simm.s32 $execute0_lowered;
	[smem:$0x3FD2] =	sst s25  }
0xa6: {  	s4 =	sshll.u32 s26, $0x1;
	_ =	strace $0x80000055;
	[dreg:$0x1] =	wrdreg $0xFFFFFFFF  }
0xa7: {  	s28 =	simm.s32 $_size_execute0_lowered;
	s2 =	sadd.s32 s2, s4;
	[dreg:$0x0] =	wrdreg $0x0  }
0xa8: {  	s4 =	sshll.u32 s28, $0x1;
	[dreg:$0x2] =	wrdreg s2  }
0xa9: {  	[dreg:$0x3] =	wrdreg s4  }
0xaa: {  	[dreg:$0x4] =	wrdreg $0xC0  }
0xab: {  	_ =	task [dreg:s6], $0x5FFFF  }
0xac: {  	[dreg:$0x1] =	wrdreg $0xFFFFFFFF  }
0xad: {  	[dreg:$0x0] =	wrdreg $0x60  }
0xae: {  	[dreg:$0x2] =	wrdreg s24  }
0xaf: {  	[dreg:$0x3] =	wrdreg $0x9  }
0xb0: {  	_ =	task.clear_ibuf [dreg:s6], $0x4FFFF;
	_ =	strace $0x90000055  }
0xb1: {  	s29 =	simm.s32 $0x9;
	_ =	strace $0x80000057  }
0xb2: {  	_ =	swait.ge [sflag:s29], $0x1  }
0xb3: {  	[sflag:s29] =	ssyncadd.s32 $0xFFFFFFFF  }
0xb4: {  	_ =	strace $0x90000057  }
0xb5: {  	_ =	sfence  }
0xb6: {  	s30 =	sld [smem:$0x0];
	_ =	sdelay $0x2  }
0xb7: {  	s31 =	sshll.u32 s1, $0xD;
	s1 =	sshrl.u32 s1, $0x2  }
0xb8: {  	s3 =	sand.u32 $0x4000, s31;
	s1 =	sadd.s32 s1, s30  }
0xb9: {  	s0 =	sor.u32 s3, s0;
	s1 =	sshll.u32 s1, $0x11  }
0xba: {  	s0 =	sor.u32 s1, s0  }
0xbb: {  	s0 =	sadd.s32 $0x8F2B, s0  }
0xbc: {  	[sflag:s0] =	ssyncadd.remote.s32 $0x1  }
0xbd: {  	_ =	sfence.sel $0xFFFF  }
0xbe: {  	[dreg:$0x0] =	wrdreg $0xFFFFFFFF;
	(pc) =	sbr.abs _section_cstart, $3  }
0xbf: {  	[dreg:$0x1] =	wrdreg $0xFFFFFFFF  }
0xc0: {  	_ =	task.clear_ibuf [dreg:s6], $0x2FFFF;
	_ =	strace $0x9FFFFFFF  }
0xc1: {  	(tm) =	ssettm $0x7FFFFFFF  }
tec
execute0_lowered:
.L_overlay_start_1:
0x0: {  	(tag) =	ssettag $0x1  }
0x1: {  	s1 =	srdreg.scid  }
0x2: {  	s0 =	stileid.u32;
	s4 =	rddreg [dreg:$0x0];
	s2 =	simm.s32 $0x0  }
0x3: {  	s10 =	simm.s32 $0x80;
	s3 =	sand.u32 $0x1, s1;
	s5 =	sshll.u32 s0, $0x1  }
0x4: {  	s11 =	simm.s32 $0x1;
	s12 =	simm.s32 $0x1400;
	s5 =	sor.u32 s3, s5  }
0x5: {  	s13 =	simm.s32 $0x0;
	s1 =	rddreg [dreg:$0x1];
	s6 =	smul.u32 $0x280, s5  }
0x6: {  	[smem:$0x7FF] =	sst s2;
	s7 =	ssub.s32 $0x2, s3;
	s5 =	smul.u32 $0x2800, s5  }
0x7: {  	_ =	strace $0x80000056;
	s3 =	sadd.s32 $0x2D800, s4;
	s8 =	sshrl.u32 s7, $0x1  }
0x8: {  	s8 =	ssub.s32 s7, s8;
	s6 =	sadd.s32 s6, s4;
	s9 =	sadd.s32 s5, s4  }
0x9: {  	s8 =	smax.u32 s8, $0x1;
	s4 =	sadd.s32 $0x46800, s6;
	s5 =	sadd.s32 $0x4B800, s9  }
0xa: {  	s6 =	sadd.s32 $0x3C800, s6;
	s7 =	sadd.s32 $0x9B800, s9;
	s9 =	simm.s32 $0x2  }
.LBB2_1:
0xb: {  	[tilespmem:s2], [sflag:$0x2] =	stream.linear.gather [hbm4b:s4+s2], $0x1400, $0x38;
	[tilespmem:$0x15400] =	vst v63  }
0xc: {  	_ =	swait.ge [sflag:s9], $0x1400  }
0xd: {  	[sflag:s9] =	ssyncset.done $0x0  }
0xe: {  	s14 =	simm.s32 $0x1400;
	s15 =	simm.s32 $0x0;
	[sflag:s9] =	ssyncadd.s32 $0xFFFFEC00  }
.LBB2_2:
0xf: {  	p0 =	sne.s32 s15, $0x4E00  }
.Ltmp0:
0x10: {  	_ = 	snop;
	(pc) =	sbr.rel @p0 .LBB2_2-.Ltmp0, $4  }
0x11: {  	_ = 	snop  }
0x12: {  	s16 =	sshra.s32 s15, $0x2  }
0x13: {  	[tilespmem:s14], [sflag:$0x1] =	stream.indirect.gather [hbm4b:s3+s10], $0x10, s16, s10, $0xb8;
	[tilespmem:$0x15400] =	vst v63  }
0x14: {  	s15 =	sadd.s32 $0x200, s15;
	s14 =	sadd.s32 $0x800, s14  }
0x15: {  	_ =	swait.ge [sflag:s11], $0x800  }
0x16: {  	s14 =	simm.s32 $0x27;
	[sflag:s11] =	ssyncset.done $0x0  }
.LBB2_4:
0x17: {  	p0 =	sne.s32 s14, $0x1;
	s14 =	sadd.s32 $0xFFFFFFFF, s14;
	[sflag:s11] =	ssyncadd.s32 $0xFFFFF800  }
.Ltmp1:
0x18: {  	(pc) =	sbr.rel @p0 .LBB2_4-.Ltmp1, $3  }
0x19: {  	_ =	sdelay $0x1  }
0x1a: {  	_ =	swait.ge [sflag:s11], $0x800  }
0x1b: {  	[sflag:s11] =	ssyncset.done $0x0  }
0x1c: {  	[sflag:s11] =	ssyncadd.s32 $0xFFFFF800;
	s14 =	simm.s32 $0x0;
	s15 =	simm.s32 $0x1400  }
0x1d: {  	[hbm4b:s5+s14] =	stream.linear.scatter [tilespmem:s15], [sflag:$0x2], $0x14000, $0x38;
	[tilespmem:$0x15400] =	vst v63  }
0x1e: {  	_ =	swait.ge [sflag:s9], $0x14000  }
0x1f: {  	[sflag:s9] =	ssyncset.done $0x0  }
0x20: {  	[sflag:s9] =	ssyncadd.s32 $0xFFFEC000  }
0x21: {  	[tilespmem:s14], [sflag:$0x2] =	stream.linear.gather [hbm4b:s6+s14], $0x1400, $0x38;
	[tilespmem:$0x15400] =	vst v63  }
0x22: {  	_ =	swait.ge [sflag:s9], $0x1400  }
0x23: {  	[sflag:s9] =	ssyncset.done $0x0  }
0x24: {  	[sflag:s9] =	ssyncadd.s32 $0xFFFFEC00  }
.LBB2_6:
0x25: {  	p0 =	sne.s32 s14, $0x4E00  }
.Ltmp2:
0x26: {  	_ = 	snop;
	(pc) =	sbr.rel @p0 .LBB2_6-.Ltmp2, $4  }
0x27: {  	_ = 	snop  }
0x28: {  	s16 =	sshra.s32 s14, $0x2  }
0x29: {  	[tilespmem:s15], [sflag:$0x1] =	stream.indirect.gather [hbm4b:s3+s10], $0x10, s16, s10, $0xb8;
	[tilespmem:$0x15400] =	vst v63  }
0x2a: {  	s14 =	sadd.s32 $0x200, s14;
	s15 =	sadd.s32 $0x800, s15  }
0x2b: {  	_ =	swait.ge [sflag:s11], $0x800  }
0x2c: {  	s14 =	simm.s32 $0x27;
	[sflag:s11] =	ssyncset.done $0x0  }
.LBB2_8:
0x2d: {  	p0 =	sne.s32 s14, $0x1;
	s14 =	sadd.s32 $0xFFFFFFFF, s14;
	[sflag:s11] =	ssyncadd.s32 $0xFFFFF800  }
.Ltmp3:
0x2e: {  	(pc) =	sbr.rel @p0 .LBB2_8-.Ltmp3, $3  }
0x2f: {  	_ =	sdelay $0x1  }
0x30: {  	_ =	swait.ge [sflag:s11], $0x800  }
0x31: {  	[sflag:s11] =	ssyncset.done $0x0  }
0x32: {  	s13 =	sadd.s32 $0x1, s13  }
0x33: {  	p0 =	sne.s32 s13, s8  }
.Ltmp4:
0x34: {  	[sflag:s11] =	ssyncadd.s32 $0xFFFFF800;
	(pc) =	sbr.rel @p0 .LBB2_1-.Ltmp4, $4  }
0x35: {  	[hbm4b:s7+s2] =	stream.linear.scatter [tilespmem:s12], [sflag:$0x2], $0x14000, $0x38;
	[tilespmem:$0x15400] =	vst v63  }
0x36: {  	_ =	swait.ge [sflag:s9], $0x14000  }
0x37: {  	[sflag:s9] =	ssyncset.done $0x0  }
0x38: {  	[sflag:s9] =	ssyncadd.s32 $0xFFFEC000  }
0x39: {  	_ =	sfence.sel $0x180000  }
0x3a: {  	[bflag:$0x0] =	sbarrier.arrive $0xFFFF  }
0x3b: {  	p0 =	sne.s32 s0, $0x0;
	_ =	strace $0x90000056  }
0x3c: {  	s0 =	sadd.s32 @!p0 $0x100000, s1;
	[bflag:$0x2] =	sbarrier.arrive $0xFFFF  }
0x3d: {  	[sflag:s0] =	ssyncadd.tile.s32 @!p0 $0x1;
	_ =	shalt  }
.Lfunc_end2:
_tile_overlayer_lowered:
.L_overlay_start_2:
0x3e: {  	(tag) =	ssettag $0x2  }
0x3f: {  	s0 =	rddreg [dreg:$0x0];
	s2 =	stileid.u32  }
0x40: {  	s1 =	rddreg [dreg:$0x1];
	p0 =	sne.s32 s2, $0x0  }
0x41: {  	s3 =	rddreg [dreg:$0x2];
	[bflag:$0x3] =	sbarrier.arrive $0xFFFF;
	s2 =	simm.s32 @!p0 $0x1C02  }
0x42: {  	[timem:s3], [sflag:s2] =	dma.local @!p0 [hbm:s0], s1  }
0x43: {  	s0 =	simm.s32 @!p0 $0x2  }
0x44: {  	_ =	swait.ge @!p0 [sflag:s0], s1  }
0x45: {  	s1 =	ssub.s32 @!p0 $0x0, s1;
	[sflag:s0] =	ssyncset.done @!p0 $0x0  }
0x46: {  	[sflag:s0] =	ssyncadd.s32 @!p0 s1  }
0x47: {  	[bflag:$0x3] =	sbarrier.arrive $0xFFFF  }
0x48: {  	_ =	shalt  }

// kernel: kernel.27.cloned.1.call-start
scs
__scs_entry_jumppad:
0x0: {  	(pc) =	sbr.rel $0x88, $3  }
0x1: {  	(tag) =	ssettag $0x0;
	lr =	simm.s32 $0x1  }
0x2: {  	[smem:$0x3F84] =	sst lr;
	_ =	strace $0xD0000000  }
0x3: {  	_ = 	snop  }
0x4: {  	_ = 	snop  }
0x5: {  	_ = 	snop  }
0x6: {  	_ = 	snop  }
0x7: {  	_ = 	snop  }
__scs_overlays_trampoline_lowered:
0x8: {  	[smem:$0x3F93] =	sst s0  }
0x9: {  	[smem:$0x3F94] =	sst s1  }
0xa: {  	[smem:$0x3F95] =	sst s2  }
0xb: {  	[smem:$0x3F96] =	sst s3  }
0xc: {  	[smem:$0x3F97] =	sst s4  }
0xd: {  	[smem:$0x3F98] =	sst s5  }
0xe: {  	[smem:$0x3F99] =	sst s6  }
0xf: {  	[smem:$0x3F9A] =	sst s7  }
0x10: {  	[smem:$0x3F9B] =	sst s8  }
0x11: {  	[smem:$0x3F9C] =	sst s9;
	s0 =	simm.s32 @!p0 $0x0  }
0x12: {  	s1 =	sld [smem:$0x3F82];
	s0 =	simm.s32 @p0 $0x1  }
0x13: {  	[smem:$0x3F9D] =	sst s0;
	s0 =	simm.s32 @!p1 $0x0  }
0x14: {  	s2 =	sld [smem:$0x3F81];
	s0 =	simm.s32 @p1 $0x1  }
0x15: {  	[smem:$0x3F9E] =	sst s0;
	s0 =	simm.s32 @!p2 $0x0  }
0x16: {  	s3 =	sld [smem:$0x3FDB];
	s0 =	simm.s32 @p2 $0x1  }
0x17: {  	s4 =	simm.s32 $0x1BF5;
	[smem:$0x3FA0] =	sst s0  }
0x18: {  	s0 =	sld [smem:$0x3F83];
	_ =	swait.ge [sflag:s4], $0x0  }
0x19: {  	s7 =	sld [smem:$0x3F84]  }
0x1a: {  	s8 =	sadd.s32 $0xFFFFE003, lr  }
0x1b: {  	s9 =	sadd.s32 $0xFFFFFEF7, lr;
	s5 =	simm.s32 $0xFFFFFFFF;
	p2 =	slt.u32 s8, $0xFFFFF086  }
0x1c: {  	p1 =	slt.u32 s9, $0xF7A;
	s5 =	simm.s32 @!p2 $0x0  }
0x1d: {  	s5 =	simm.s32 @p1 $0x1;
	p0 =	seq.s32 s7, s2  }
0x1e: {  	s7 =	smul.u32 @!p0 $0xF7A, s2;
	p2 =	seq.s32 @!p0 s5, $0x0  }
0x1f: {  	s9 =	smul.u32 $0xF7A, s1;
	s8 =	simm.s32 @!p0 $0x1BF5;
	p2 =	por !p2, p0  }
0x20: {  	[sflag:s8] =	ssyncset.s32 @!p0 $0xFFFFF086;
	s6 =	sadd.s32 @!p0 s3, s7;
	s7 =	simm.s32 @!p0 $0x108  }
0x21: {  	s3 =	sadd.s32 s3, s9;
	s6 =	sadd.s32 @!p0 $0x88, s6;
	s7 =	simm.s32 @p2 $0x1082  }
0x22: {  	[simem:s7], [sflag:s8] =	dma.local @!p0 [hbm:s6], $0xF7A  }
0x23: {  	s9 =	sor.u32 $0xD0000000, s2;
	s6 =	simm.s32 $0x108;
	_ =	swait.ge @!p0 [sflag:s8], $0x0  }
0x24: {  	s3 =	sadd.s32 $0x88, s3;
	s6 =	simm.s32 @!p1 $0x1082;
	[sflag:s4] =	ssyncset.s32 $0xFFFFF086  }
0x25: {  	[simem:s6], [sflag:s4] =	dma.local [hbm:s3], $0xF7A  }
0x26: {  	[smem:$0x3F84] =	sst s1;
	(tag) =	ssettag s2;
	_ =	strace s9  }
0x27: {  	s1 =	sld [smem:$0x3F94]  }
0x28: {  	s2 =	sld [smem:$0x3F95]  }
0x29: {  	s4 =	sld [smem:$0x3F97]  }
0x2a: {  	p0 =	seq.s32 s5, $0x0;
	s5 =	sld [smem:$0x3F98]  }
0x2b: {  	s6 =	sld [smem:$0x3F99]  }
0x2c: {  	s7 =	sld [smem:$0x3F9A]  }
0x2d: {  	s3 =	simm.s32 $0x108;
	s8 =	sld [smem:$0x3F9B]  }
0x2e: {  	s3 =	simm.s32 @!p0 $0x1082;
	s9 =	sld [smem:$0x3F9C]  }
0x2f: {  	lr =	sadd.s32 s0, s3;
	s0 =	sld [smem:$0x3F93]  }
0x30: {  	s3 =	sld [smem:$0x3F96]  }
0x31: {  	[smem:$0x3F9F] =	sst s10  }
0x32: {  	s10 =	sld [smem:$0x3F9D];
	_ =	sdelay $0x3  }
0x33: {  	p0 =	seq.s32 s10, $0x1;
	s10 =	sld [smem:$0x3F9F];
	_ =	sdelay $0x3  }
0x34: {  	[smem:$0x3F9F] =	sst s10  }
0x35: {  	s10 =	sld [smem:$0x3F9E];
	_ =	sdelay $0x3  }
0x36: {  	p1 =	seq.s32 s10, $0x1;
	s10 =	sld [smem:$0x3F9F];
	_ =	sdelay $0x3  }
0x37: {  	[smem:$0x3F9F] =	sst s10  }
0x38: {  	s10 =	sld [smem:$0x3FA0]  }
0x39: {  	_ = 	snop;
	(pc) =	sbr.ind lr, $3  }
0x3a: {  	_ = 	snop  }
0x3b: {  	_ = 	snop  }
0x3c: {  	p2 =	seq.s32 s10, $0x1;
	s10 =	sld [smem:$0x3F9F]  }
0x3d: {  	_ =	shalt  }
0x3e: {  	_ =	shalt  }
0x3f: {  	_ =	shalt  }
0x40: {  	_ =	shalt  }
0x41: {  	_ =	shalt  }
0x42: {  	_ =	shalt  }
0x43: {  	_ =	shalt  }
0x44: {  	_ =	shalt  }
0x45: {  	_ =	shalt  }
0x46: {  	_ =	shalt  }
0x47: {  	_ =	shalt  }
0x48: {  	_ =	shalt  }
0x49: {  	_ =	shalt  }
0x4a: {  	_ =	shalt  }
0x4b: {  	_ =	shalt  }
0x4c: {  	_ =	shalt  }
0x4d: {  	_ =	shalt  }
0x4e: {  	_ =	shalt  }
0x4f: {  	_ =	shalt  }
0x50: {  	_ =	shalt  }
0x51: {  	_ =	shalt  }
0x52: {  	_ =	shalt  }
0x53: {  	_ =	shalt  }
0x54: {  	_ =	shalt  }
0x55: {  	_ =	shalt  }
0x56: {  	_ =	shalt  }
0x57: {  	_ =	shalt  }
0x58: {  	_ =	shalt  }
0x59: {  	_ =	shalt  }
0x5a: {  	_ =	shalt  }
0x5b: {  	_ =	shalt  }
0x5c: {  	_ =	shalt  }
0x5d: {  	_ =	shalt  }
0x5e: {  	_ =	shalt  }
0x5f: {  	_ =	shalt  }
0x60: {  	_ =	shalt  }
0x61: {  	_ =	shalt  }
0x62: {  	_ =	shalt  }
0x63: {  	_ =	shalt  }
0x64: {  	_ =	shalt  }
0x65: {  	_ =	shalt  }
0x66: {  	_ =	shalt  }
0x67: {  	_ =	shalt  }
0x68: {  	_ =	shalt  }
0x69: {  	_ =	shalt  }
0x6a: {  	_ =	shalt  }
0x6b: {  	_ =	shalt  }
0x6c: {  	_ =	shalt  }
0x6d: {  	_ =	shalt  }
0x6e: {  	_ =	shalt  }
0x6f: {  	_ =	shalt  }
0x70: {  	_ =	shalt  }
0x71: {  	_ =	shalt  }
0x72: {  	_ =	shalt  }
0x73: {  	_ =	shalt  }
0x74: {  	_ =	shalt  }
0x75: {  	_ =	shalt  }
0x76: {  	_ =	shalt  }
0x77: {  	_ =	shalt  }
0x78: {  	_ =	shalt  }
0x79: {  	_ =	shalt  }
0x7a: {  	_ =	shalt  }
0x7b: {  	_ =	shalt  }
0x7c: {  	_ =	shalt  }
0x7d: {  	_ =	shalt  }
0x7e: {  	_ =	shalt  }
0x7f: {  	_ =	shalt  }
0x80: {  	_ =	shalt  }
0x81: {  	_ =	shalt  }
0x82: {  	_ =	shalt  }
0x83: {  	_ =	shalt  }
0x84: {  	_ =	shalt  }
0x85: {  	_ =	shalt  }
0x86: {  	_ =	shalt  }
0x87: {  	_ =	shalt  }
.Lfunc_end0:
.L_simem_size_0:
called_computation.6_lowered:
.L_overlay_start_0:
0x88: {  	s2 =	sld [smem:$0x3FD9]  }
0x89: {  	s3 =	sld [smem:$0x3FFE];
	_ =	sdelay $0x1  }
0x8a: {  	s1 =	srdreg.scid  }
0x8b: {  	s0 =	sand.u32 $0x1, s1  }
0x8c: {  	s16 =	sshll.u32 s0, $0xA;
	s2 =	sadd.s32 s3, s2  }
0x8d: {  	s2 =	sadd.s32 s2, s16  }
0x8e: {  	[smem:$0x3FAB] =	sst s2  }
0x8f: {  	_ = 	snop  }
0x90: {  	(tm) =	ssettm $0x1  }
0x91: {  	s17 =	sld [smem:$0x3FFB];
	_ =	sdelay $0x3  }
0x92: {  	_ =	strace s17  }
0x93: {  	s2 =	sld [smem:$0x3FFC];
	_ =	sdelay $0x3  }
0x94: {  	_ =	strace s2  }
0x95: {  	s2 =	sld [smem:$0x3FFD];
	_ =	sdelay $0x3  }
0x96: {  	_ =	strace s2  }
0x97: {  	_ =	strace $0x8FFFFFFF  }
0x98: {  	s18 =	sld [smem:$0x3FDB];
	_ =	sdelay $0x1  }
0x99: {  	s19 =	simm.s32 $_scs_section_size  }
0x9a: {  	s4 =	simm.s32 $_size__tile_overlayer_lowered;
	s5 =	simm.s32 $_tile_overlayer_lowered  }
0x9b: {  	s22 =	simm.s32 $0x1BFF;
	s21 =	sshll.u32 s5, $0x1;
	s2 =	sadd.s32 s19, s18  }
0x9c: {  	s6 =	simm.s32 $0x0;
	s20 =	sshll.u32 s4, $0x1;
	s4 =	sadd.s32 s21, s2  }
0x9d: {  	[timem:s6], [sflag:s22] =	dma.local [hbm:s4], s20  }
0x9e: {  	_ =	swait.ge [sflag:s22], s20  }
0x9f: {  	s3 =	ssub.s32 $0x0, s20;
	[sflag:s22] =	ssyncset.done $0x0  }
0xa0: {  	[sflag:s22] =	ssyncadd.s32 s3;
	_ =	sdelay $0x1  }
0xa1: {  	s23 =	simm.s32 $0x1B8B  }
0xa2: {  	_ =	swait.ge [sflag:s23], $0x1  }
0xa3: {  	[sflag:s23] =	ssyncset.done $0x0  }
0xa4: {  	s25 =	simm.s32 $0x1B8E;
	s24 =	sld [smem:$0x3FFE];
	[sflag:s23] =	ssyncadd.s32 $0xFFFFFFFF  }
0xa5: {  	s26 =	simm.s32 $execute0_lowered;
	[smem:$0x3FD2] =	sst s25  }
0xa6: {  	s4 =	sshll.u32 s26, $0x1;
	_ =	strace $0x80000058;
	[dreg:$0x1] =	wrdreg $0xFFFFFFFF  }
0xa7: {  	s28 =	simm.s32 $_size_execute0_lowered;
	s2 =	sadd.s32 s2, s4;
	[dreg:$0x0] =	wrdreg $0x0  }
0xa8: {  	s4 =	sshll.u32 s28, $0x1;
	[dreg:$0x2] =	wrdreg s2  }
0xa9: {  	[dreg:$0x3] =	wrdreg s4  }
0xaa: {  	[dreg:$0x4] =	wrdreg $0xC0  }
0xab: {  	_ =	task [dreg:s6], $0x5FFFF  }
0xac: {  	[dreg:$0x1] =	wrdreg $0xFFFFFFFF  }
0xad: {  	[dreg:$0x0] =	wrdreg $0x60  }
0xae: {  	[dreg:$0x2] =	wrdreg s24  }
0xaf: {  	[dreg:$0x3] =	wrdreg $0x154000  }
0xb0: {  	[dreg:$0x4] =	wrdreg $0x9  }
0xb1: {  	_ =	task.clear_ibuf [dreg:s6], $0x5FFFF;
	_ =	strace $0x90000058  }
0xb2: {  	s29 =	simm.s32 $0x9;
	_ =	strace $0x8000005A  }
0xb3: {  	_ =	swait.ge [sflag:s29], $0x1  }
0xb4: {  	[sflag:s29] =	ssyncadd.s32 $0xFFFFFFFF  }
0xb5: {  	_ =	strace $0x9000005A  }
0xb6: {  	_ =	sfence  }
0xb7: {  	s30 =	sld [smem:$0x0];
	_ =	sdelay $0x2  }
0xb8: {  	s31 =	sshll.u32 s1, $0xD;
	s1 =	sshrl.u32 s1, $0x2  }
0xb9: {  	s3 =	sand.u32 $0x4000, s31;
	s1 =	sadd.s32 s1, s30  }
0xba: {  	s0 =	sor.u32 s3, s0;
	s1 =	sshll.u32 s1, $0x11  }
0xbb: {  	s0 =	sor.u32 s1, s0  }
0xbc: {  	s0 =	sadd.s32 $0x8F2B, s0  }
0xbd: {  	[sflag:s0] =	ssyncadd.remote.s32 $0x1  }
0xbe: {  	_ =	sfence.sel $0xFFFF  }
0xbf: {  	[dreg:$0x0] =	wrdreg $0xFFFFFFFF;
	(pc) =	sbr.abs _section_cstart, $3  }
0xc0: {  	[dreg:$0x1] =	wrdreg $0xFFFFFFFF  }
0xc1: {  	_ =	task.clear_ibuf [dreg:s6], $0x2FFFF;
	_ =	strace $0x9FFFFFFF  }
0xc2: {  	(tm) =	ssettm $0x7FFFFFFF  }
0xc3: {  	_ =	shalt  }
tec
execute0_lowered:
.L_overlay_start_1:
0x0: {  	(tag) =	ssettag $0x1  }
0x1: {  	s1 =	srdreg.scid  }
0x2: {  	s0 =	stileid.u32;
	s5 =	rddreg [dreg:$0x0]  }
0x3: {  	s2 =	rddreg [dreg:$0x1];
	s8 =	smul.u32 $0x2800, s0  }
0x4: {  	s4 =	sand.u32 $0x1, s1;
	s28 =	sshll.u32 s0, $0x1;
	s9 =	smul.u32 $0x500, s0  }
0x5: {  	s3 =	simm.s32 $0x0;
	s1 =	sor.u32 s4, s28;
	s29 =	smul.u32 $0x5000, s4  }
0x6: {  	s14 =	simm.s32 $0x0;
	[smem:$0x7FF] =	sst s3;
	s6 =	smul.u32 $0x2800, s1  }
0x7: {  	s31 =	sshll.u32 s0, $0x6;
	s4 =	ssub.s32 $0x2, s4;
	s7 =	smul.u32 $0x280, s1  }
0x8: {  	s1 =	rddreg [dreg:$0x2];
	_ =	strace $0x80000059;
	s11 =	sshrl.u32 s8, $0x3  }
0x9: {  	s30 =	sshrl.u32 s4, $0x1;
	s13 =	sadd.s32 s8, s2;
	s11 =	sadd.s32 s11, s5  }
0xa: {  	s10 =	sadd.s32 s6, s5;
	s7 =	sadd.s32 s7, s5;
	s6 =	sadd.s32 s9, s29  }
0xb: {  	s9 =	ssub.s32 s4, s30;
	s4 =	sadd.s32 $0x41800, s11;
	s11 =	simm.s32 $0x2  }
0xc: {  	s12 =	sadd.s32 s6, s5;
	s5 =	sor.u32 $0x1C02, s31;
	s6 =	sadd.s32 $0x3C800, s7  }
0xd: {  	s7 =	sadd.s32 $0x46800, s10;
	s9 =	smax.u32 s9, $0x1;
	s10 =	sshrl.u32 s13, $0x3  }
0xe: {  	s13 =	simm.s32 $0x1;
	s8 =	sadd.s32 $0x2D800, s12;
	s12 =	simm.s32 $0x80  }
.LBB2_1:
0xf: {  	[spmem:s10], [sflag:s5] =	dma.local [hbm:s4], $0x500  }
0x10: {  	_ =	swait.ge [sflag:s11], $0x500  }
0x11: {  	[sflag:s11] =	ssyncset.done $0x0  }
0x12: {  	[sflag:s11] =	ssyncadd.s32 $0xFFFFFB00  }
0x13: {  	[bflag:$0x0] =	sbarrier.arrive $0xFFFF  }
0x14: {  	[tilespmem:s3], [sflag:$0x2] =	stream.linear.gather [hbm4b:s6+s3], $0x1400, $0x38;
	[tilespmem:$0x17C00] =	vst v63  }
0x15: {  	_ =	swait.ge [sflag:s11], $0x1400  }
0x16: {  	[sflag:s11] =	ssyncset.done $0x0  }
0x17: {  	s15 =	simm.s32 $0x1400;
	[sflag:s11] =	ssyncadd.s32 $0xFFFFEC00  }
0x18: {  	[tilespmem:s15], [sflag:$0x2] =	stream.linear.gather [hbm4b:s7+s3], $0x14000, $0x38;
	[tilespmem:$0x17C00] =	vst v63  }
0x19: {  	_ =	swait.ge [sflag:s11], $0x14000  }
0x1a: {  	[sflag:s11] =	ssyncset.done $0x0  }
0x1b: {  	s16 =	simm.s32 $0x0;
	[sflag:s11] =	ssyncadd.s32 $0xFFFEC000  }
.LBB2_2:
0x1c: {  	p0 =	sne.s32 s16, $0x4E00  }
.Ltmp0:
0x1d: {  	_ = 	snop;
	(pc) =	sbr.rel @p0 .LBB2_2-.Ltmp0, $4  }
0x1e: {  	_ = 	snop  }
0x1f: {  	s17 =	sshra.s32 s16, $0x2  }
0x20: {  	[spmem:s2] =	stream.indirect.scatter.add.f32 [tilespmem:s15], [sflag:$0x1], $0x10, s17, s12, $0xb8;
	[tilespmem:$0x17C00] =	vst v63  }
0x21: {  	s16 =	sadd.s32 $0x200, s16;
	s15 =	sadd.s32 $0x800, s15  }
0x22: {  	_ =	swait.ge [sflag:s13], $0x800  }
0x23: {  	s15 =	simm.s32 $0x27;
	[sflag:s13] =	ssyncset.done $0x0  }
.LBB2_4:
0x24: {  	p0 =	sne.s32 s15, $0x1;
	s15 =	sadd.s32 $0xFFFFFFFF, s15;
	[sflag:s13] =	ssyncadd.s32 $0xFFFFF800  }
.Ltmp1:
0x25: {  	(pc) =	sbr.rel @p0 .LBB2_4-.Ltmp1, $3  }
0x26: {  	_ =	sdelay $0x1  }
0x27: {  	_ =	swait.ge [sflag:s13], $0x800  }
0x28: {  	[sflag:s13] =	ssyncset.done $0x0  }
0x29: {  	s14 =	sadd.s32 $0x1, s14  }
0x2a: {  	[sflag:s13] =	ssyncadd.s32 $0xFFFFF800;
	p0 =	sne.s32 s14, s9  }
.Ltmp2:
0x2b: {  	[bflag:$0x0] =	sbarrier.arrive $0xFFFF;
	(pc) =	sbr.rel @p0 .LBB2_1-.Ltmp2, $4  }
0x2c: {  	[hbm:s8], [sflag:s5] =	dma.local [spmem:s10], $0x500  }
0x2d: {  	_ =	swait.ge [sflag:s11], $0x500  }
0x2e: {  	[sflag:s11] =	ssyncset.done $0x0  }
0x2f: {  	[sflag:s11] =	ssyncadd.s32 $0xFFFFFB00  }
0x30: {  	_ =	sfence.sel $0x180000  }
0x31: {  	[bflag:$0x0] =	sbarrier.arrive $0xFFFF  }
0x32: {  	p0 =	sne.s32 s0, $0x0;
	_ =	strace $0x90000059  }
0x33: {  	s0 =	sadd.s32 @!p0 $0x100000, s1;
	[bflag:$0x2] =	sbarrier.arrive $0xFFFF  }
0x34: {  	[sflag:s0] =	ssyncadd.tile.s32 @!p0 $0x1;
	_ =	shalt  }
.Lfunc_end2:
_tile_overlayer_lowered:
.L_overlay_start_2:
0x35: {  	(tag) =	ssettag $0x2  }
0x36: {  	s0 =	rddreg [dreg:$0x0];
	s2 =	stileid.u32  }
0x37: {  	s1 =	rddreg [dreg:$0x1];
	p0 =	sne.s32 s2, $0x0  }
0x38: {  	s3 =	rddreg [dreg:$0x2];
	[bflag:$0x3] =	sbarrier.arrive $0xFFFF;
	s2 =	simm.s32 @!p0 $0x1C02  }
0x39: {  	[timem:s3], [sflag:s2] =	dma.local @!p0 [hbm:s0], s1  }
0x3a: {  	s0 =	simm.s32 @!p0 $0x2  }
0x3b: {  	_ =	swait.ge @!p0 [sflag:s0], s1  }
0x3c: {  	s1 =	ssub.s32 @!p0 $0x0, s1;
	[sflag:s0] =	ssyncset.done @!p0 $0x0  }
0x3d: {  	[sflag:s0] =	ssyncadd.s32 @!p0 s1  }
0x3e: {  	[bflag:$0x3] =	sbarrier.arrive $0xFFFF  }
0x3f: {  	_ =	shalt  }

</sc_bundles>
